<compile_context>
chip_gen: v7x
topology: tpu7x:2x2x1
jax: 0.10.2.dev20260603
libtpu: 0.0.44.dev20260713+nightly
codegen_flags: <defaults>
</compile_context>

<pallas_src>
import functools

import jax
import jax.numpy as jnp
from jax import lax
from jax.experimental import pallas as pl
from jax.experimental.pallas import tpu as pltpu
from jax.experimental.pallas import tpu_sc as plsc

B, W, C, S = 32, 2048, 128, 32
TR = W // 2
U = W - TR
_SQRT2 = 1.4142135623730951
_RC = 256
_NB = W // _RC
_GCHUNK = 128
_NGC = U // _GCHUNK


def _gelu(v):
    return v * 0.5 * (1.0 + lax.erf(v / _SQRT2))


def _softmax(v):
    m = jnp.max(v, axis=-1, keepdims=True)
    e = jnp.exp(v - m)
    return e / jnp.sum(e, axis=-1, keepdims=True)


def _win32(a):
    for k in (1, 2, 4, 8, 16):
        z = jnp.zeros((k, a.shape[1]), a.dtype)
        a = a + jnp.concatenate([z, a[: a.shape[0] - k]], axis=0)
    return a


def _div_den(a):
    wpos = lax.broadcasted_iota(jnp.int32, (S, 1), 0).astype(jnp.float32)
    den = jnp.minimum(wpos + 1.0, float(S))
    return jnp.concatenate([a[:S] / den, a[S:] * (1.0 / S)], axis=0)


def _select_x_kernel(x_ref, We_ref, be_ref, rank_ref, out_ref, cg_ref):
    xb = x_ref[0]

    out_ref[0] = _gelu(lax.dot_general(
        xb, We_ref[...], (((1,), (0,)), ((), ())),
        preferred_element_type=jnp.float32) + be_ref[...])
    gx = lax.dot_general(xb, xb, (((0,), (0,)), ((), ())),
                         preferred_element_type=jnp.float32)
    cg_ref[0] = _softmax(gx / float(W))

    xq = xb.astype(jnp.bfloat16).astype(jnp.float32)
    x2q = (xb * xb).astype(jnp.bfloat16).astype(jnp.float32)
    ltrm = _div_den(_win32(xq))
    ltr2 = _div_den(_win32(x2q))
    ltrd = ltr2 - ltrm * ltrm
    num = jnp.sum(ltrd, axis=1, keepdims=True)
    dnm = jnp.sum(ltrm, axis=1, keepdims=True)
    score_c = num / dnm
    score_r = jnp.transpose(score_c)

    ii = lax.broadcasted_iota(jnp.int32, (_RC, _RC), 0)
    jj = lax.broadcasted_iota(jnp.int32, (_RC, _RC), 1)
    tri = (jj < ii).astype(jnp.float32)
    row_cnt = [jnp.zeros((_RC, 1), jnp.float32) for _ in range(_NB)]
    col_cnt = [jnp.zeros((1, _RC), jnp.float32) for _ in range(_NB)]
    for cb in range(_NB):
        s_i = score_c[cb * _RC:(cb + 1) * _RC]
        s_d = score_r[:, cb * _RC:(cb + 1) * _RC]
        d = ((s_d < s_i).astype(jnp.float32)
             + (s_d == s_i).astype(jnp.float32) * tri)
        row_cnt[cb] = row_cnt[cb] + jnp.sum(d, axis=1, keepdims=True)
        for jc in range(cb + 1, _NB):
            s_j = score_r[:, jc * _RC:(jc + 1) * _RC]
            cmp = (s_j < s_i).astype(jnp.float32)
            row_cnt[cb] = row_cnt[cb] + jnp.sum(cmp, axis=1, keepdims=True)
            col_cnt[jc] = col_cnt[jc] + jnp.sum(cmp, axis=0, keepdims=True)
    rank_rows = []
    for c in range(_NB):
        base = float(c * _RC)
        rank_rows.append(jnp.transpose(row_cnt[c]) + (base - col_cnt[c]))
    rank_r = jnp.concatenate(rank_rows, axis=1)
    boff = (pl.program_id(0) * W).astype(jnp.float32)
    rank_ref[0, 0, :] = (rank_r + boff).reshape(W).astype(jnp.int32)


def _encode_u_kernel(u_ref, We_ref, be_ref, W1_ref, b1_ref, W2_ref, b2_ref,
                     att_ref, rec_ref):
    ub = u_ref[0]
    ux = _gelu(lax.dot_general(
        ub, We_ref[...], (((1,), (0,)), ((), ())),
        preferred_element_type=jnp.float32) + be_ref[...])
    gu = lax.dot_general(ub, ub, (((0,), (0,)), ((), ())),
                         preferred_element_type=jnp.float32)
    att_ref[0] = _softmax(gu / float(U))
    h = _gelu(lax.dot_general(
        ux, W1_ref[...], (((1,), (0,)), ((), ())),
        preferred_element_type=jnp.float32) + b1_ref[...])
    z = lax.dot_general(
        h, W2_ref[...], (((1,), (0,)), ((), ())),
        preferred_element_type=jnp.float32) + b2_ref[...]
    rec_ref[0] = 1.0 / (1.0 + jnp.exp(-z))


def _sc_scatter(xflat, grank):
    mesh = plsc.VectorSubcoreMesh(core_axis_name="c", subcore_axis_name="s")
    NCH = W // _GCHUNK

    @functools.partial(
        pl.kernel,
        mesh=mesh,
        out_type=jax.ShapeDtypeStruct((B * W, C), jnp.float32),
        scratch_types=[
            pltpu.VMEM((NCH, _GCHUNK), jnp.int32),
            pltpu.VMEM((2, _GCHUNK, C), jnp.float32),
            pltpu.SemaphoreType.DMA,
            pltpu.SemaphoreType.DMA,
            pltpu.SemaphoreType.DMA,
            pltpu.SemaphoreType.DMA,
        ],
    )
    def scat_k(x_hbm, grank_hbm, out_hbm, ridx_v, rows_v, l0, l1, s0, s1):
        wid = lax.axis_index("s") * 2 + lax.axis_index("c")
        pltpu.sync_copy(grank_hbm.at[pl.ds(wid * NCH, NCH)], ridx_v)
        lsem = (l0, l1)
        ssem = (s0, s1)
        loads = [None, None]
        stores = [None, None]
        loads[0] = pltpu.async_copy(
            x_hbm.at[pl.ds(wid * W, _GCHUNK)], rows_v.at[0], lsem[0])
        for k in range(NCH):
            cur = k % 2
            nxt = (k + 1) % 2
            if k + 1 < NCH:
                if stores[nxt] is not None:
                    stores[nxt].wait()
                loads[nxt] = pltpu.async_copy(
                    x_hbm.at[pl.ds(wid * W + (k + 1) * _GCHUNK, _GCHUNK)],
                    rows_v.at[nxt], lsem[nxt])
            loads[cur].wait()
            stores[cur] = pltpu.async_copy(
                rows_v.at[cur], out_hbm.at[ridx_v.at[k]], ssem[cur])
        stores[0].wait()
        stores[1].wait()

    return scat_k(xflat, grank)


def kernel(x, W1, b1, W2, b2, We, be):
    be2 = be.reshape(1, C)
    rank, out, cg = pl.pallas_call(
        _select_x_kernel,
        grid=(B,),
        in_specs=[
            pl.BlockSpec((1, W, C), lambda b: (b, 0, 0)),
            pl.BlockSpec((C, C), lambda b: (0, 0)),
            pl.BlockSpec((1, C), lambda b: (0, 0)),
        ],
        out_specs=[
            pl.BlockSpec((1, 1, W), lambda b: (b, 0, 0)),
            pl.BlockSpec((1, W, C), lambda b: (b, 0, 0)),
            pl.BlockSpec((1, C, C), lambda b: (b, 0, 0)),
        ],
        out_shape=[
            jax.ShapeDtypeStruct((B, 1, W), jnp.int32),
            jax.ShapeDtypeStruct((B, W, C), jnp.float32),
            jax.ShapeDtypeStruct((B, C, C), jnp.float32),
        ],
    )(x, We, be2)

    scat = _sc_scatter(x.reshape(B * W, C),
                       rank.reshape(B * (W // _GCHUNK), _GCHUNK))
    unm = scat.reshape(B, W, C)

    att, rec = pl.pallas_call(
        _encode_u_kernel,
        grid=(B,),
        in_specs=[
            pl.BlockSpec((1, U, C), lambda b: (b, 0, 0)),
            pl.BlockSpec((C, C), lambda b: (0, 0)),
            pl.BlockSpec((1, C), lambda b: (0, 0)),
            pl.BlockSpec((C, C), lambda b: (0, 0)),
            pl.BlockSpec((1, C), lambda b: (0, 0)),
            pl.BlockSpec((C, C), lambda b: (0, 0)),
            pl.BlockSpec((1, C), lambda b: (0, 0)),
        ],
        out_specs=[
            pl.BlockSpec((1, C, C), lambda b: (b, 0, 0)),
            pl.BlockSpec((1, U, C), lambda b: (b, 0, 0)),
        ],
        out_shape=[
            jax.ShapeDtypeStruct((B, C, C), jnp.float32),
            jax.ShapeDtypeStruct((B, U, C), jnp.float32),
        ],
    )(unm, We, be2, W1, b1.reshape(1, C), W2, b2.reshape(1, C))
    return (att, rec, out, cg)

# --- scband reference (transcript-rebuilt; emitter-appended) ---
"""Pipeline reference for scband-tem-enc-5514738008902 (READ-ONLY COPY).

The authoritative reference and input builder live on the scoring server;
editing this copy changes nothing except your own understanding.
"""

import jax, jax.numpy as jnp
import numpy as np
from jax import lax

B, W, C, S = 32, 2048, 128, 32
TR = W // 2  # int(0.5 * win_size) = 1024


def _mov_avg(e):
    # e: [B, W, C] -> torch: e.transpose(1,2).reshape(-1, W).unsqueeze(1), conv1d(ones kernel, padding=S-1)
    rows = jnp.transpose(e, (0, 2, 1)).reshape(B * C, 1, W)
    filt = jnp.ones((1, 1, S), dtype=jnp.float32)
    out = lax.conv_general_dilated(rows, filt, (1,), [(S - 1, S - 1)],
                                   dimension_numbers=('NCH', 'OIH', 'NCH'))  # [B*C, 1, W+S-1]
    den = jnp.concatenate([jnp.arange(1, S, dtype=jnp.float32),
                           jnp.full((out.shape[-1] - (S - 1),), float(S), dtype=jnp.float32)])
    return out / den


def _enc(y, We, be):
    # stand-in for the injected `cnn` encoder: returns (ux, att, output, causal_graph)
    h = jax.nn.gelu(y @ We + be, approximate=False)
    g = jax.nn.softmax(jnp.einsum('btc,btd->bcd', y, y) / y.shape[1], axis=-1)  # channel causal graph [B,C,C]
    return h, g, h, g


def setup_inputs(seed: int = 0):
    key = jax.random.key(seed)
    ks = jax.random.split(key, 6)
    x = jax.random.uniform(ks[0], (B, W, C), dtype=jnp.float32)
    s = 1.0 / np.sqrt(C)
    W1 = jax.random.normal(ks[1], (C, C), dtype=jnp.float32) * s
    b1 = jnp.zeros((C,), jnp.float32)
    W2 = jax.random.normal(ks[2], (C, C), dtype=jnp.float32) * s
    b2 = jnp.zeros((C,), jnp.float32)
    We = jax.random.normal(ks[3], (C, C), dtype=jnp.float32) * s
    be = jnp.zeros((C,), jnp.float32)
    return {"x": x, "W1": W1, "b1": b1, "W2": W2, "b2": b2, "We": We, "be": be}


def reference(x, W1, b1, W2, b2, We, be):
    ex = x
    ltr = _mov_avg(ex)
    ltr2 = _mov_avg(ex ** 2)
    ltrd = (ltr2 - ltr ** 2)[:, :, :W].reshape(B, C, W).transpose(0, 2, 1)  # local variance [B,W,C]
    ltrm = ltr[:, :, :W].reshape(B, C, W).transpose(0, 2, 1)               # local mean [B,W,C]
    score = ltrd.sum(-1) / ltrm.sum(-1)  # [B, W]
    masked_idx = lax.top_k(score, TR)[1]            # computed for fidelity (unused downstream)
    unmasked_idx = lax.top_k(-score, W - TR)[1]     # [B, W-TR]
    unmasked = ex[jnp.arange(B)[:, None], unmasked_idx, :]  # gather [B, W-TR, C]
    ux, att, _, _ = _enc(unmasked, We, be)
    rec = jax.nn.sigmoid(jax.nn.gelu(ux @ W1 + b1, approximate=False) @ W2 + b2)  # self.pro
    _, _, output, causal_graph = _enc(x, We, be)
    return (att, rec, output, causal_graph)

if __name__ == "__main__":
    import jax
    _d = setup_inputs()
    print(jax.jit(kernel)(*tuple(_d.values())))

</pallas_src>

<mosaic_0001>
#map = affine_map<(d0, d1) -> (0, 0)>
module attributes {stable_mosaic.version = 14 : i64} {
  func.func @scat_k(%arg0: i32, %arg1: i32, %arg2: memref<65536x128xf32, #tpu.memory_space<hbm>>, %arg3: memref<512x128xi32, #tpu.memory_space<hbm>>, %arg4: memref<65536x128xf32, #tpu.memory_space<hbm>>, %arg5: memref<16x128xi32, #tpu.memory_space<vmem>>, %arg6: memref<2x128x128xf32, #tpu.memory_space<vmem>>, %arg7: memref<!tpu.dma_semaphore, #tpu.memory_space<semaphore_mem>>, %arg8: memref<!tpu.dma_semaphore, #tpu.memory_space<semaphore_mem>>, %arg9: memref<!tpu.dma_semaphore, #tpu.memory_space<semaphore_mem>>, %arg10: memref<!tpu.dma_semaphore, #tpu.memory_space<semaphore_mem>>) attributes {dimension_semantics = [#tpu.dimension_semantics<core_parallel>, #tpu.dimension_semantics<subcore_parallel>], iteration_bounds = array<i64: 2, 16>, scalar_prefetch = 0 : i64, scratch_operands = 6 : i64, tpu.core_type = #tpu.core_type<sc_vector_subcore>, window_params = [{transform_indices = #map}, {transform_indices = #map}, {transform_indices = #map}]} {
    %mul3A = arith.constant 2 : i32
    %mul3A_0 = arith.muli %arg1, %mul3A : i32
    %add3A = arith.addi %mul3A_0, %arg0 : i32
    %mul3A_1 = arith.constant 16 : i32
    %mul3A_2 = arith.muli %add3A, %mul3A_1 : i32
    "tpu.region"() ({
      %run_scoped3A = tpu.sem_alloc : memref<!tpu.dma_semaphore, #tpu.memory_space<semaphore_mem>>
      %dma_start3A_863 = arith.constant 0 : i32
      %dma_start3A_864 = tpu.memref_slice %arg3[%mul3A_2, %dma_start3A_863] : memref<512x128xi32, #tpu.memory_space<hbm>> -> memref<16x128xi32, #tpu.memory_space<hbm>>
      %dma_start3A_865 = arith.constant 0 : i32
      %dma_start3A_866 = tpu.memref_slice %arg3[%mul3A_2, %dma_start3A_865] : memref<512x128xi32, #tpu.memory_space<hbm>> -> memref<16x128xi32, #tpu.memory_space<hbm>>
      tpu.enqueue_dma source(%dma_start3A_866 : memref<16x128xi32, #tpu.memory_space<hbm>>) target(%arg5 : memref<16x128xi32, #tpu.memory_space<vmem>>) target_semaphore(%run_scoped3A : memref<!tpu.dma_semaphore, #tpu.memory_space<semaphore_mem>>)
      %dma_wait3A_867 = arith.constant 0 : i32
      %dma_wait3A_868 = tpu.memref_slice %arg3[%mul3A_2, %dma_wait3A_867] : memref<512x128xi32, #tpu.memory_space<hbm>> -> memref<16x128xi32, #tpu.memory_space<hbm>>
      %dma_wait3A_869 = arith.constant 0 : i32
      %dma_wait3A_870 = tpu.memref_slice %arg3[%mul3A_2, %dma_wait3A_869] : memref<512x128xi32, #tpu.memory_space<hbm>> -> memref<16x128xi32, #tpu.memory_space<hbm>>
      tpu.wait_dma2 semaphore(%run_scoped3A : memref<!tpu.dma_semaphore, #tpu.memory_space<semaphore_mem>>) src(%dma_wait3A_870 : memref<16x128xi32, #tpu.memory_space<hbm>>) dst(%arg5 : memref<16x128xi32, #tpu.memory_space<vmem>>)
      tpu.yield
    }) : () -> ()
    %mul3A_3 = arith.constant 2048 : i32
    %mul3A_4 = arith.muli %add3A, %mul3A_3 : i32
    %dma_start3A = arith.constant 0 : i32
    %dma_start3A_5 = arith.constant 0 : i32
    %dma_start3A_6 = arith.constant 0 : i32
    %dma_start3A_7 = tpu.memref_slice %arg6[%dma_start3A, %dma_start3A_5, %dma_start3A_6] : memref<2x128x128xf32, #tpu.memory_space<vmem>> -> memref<1x128x128xf32, #tpu.memory_space<vmem>>
    %dma_start3A_8 = tpu.memref_squeeze %dma_start3A_7 : memref<1x128x128xf32, #tpu.memory_space<vmem>> -> memref<128x128xf32, #tpu.memory_space<vmem>>
    %dma_start3A_9 = arith.constant 0 : i32
    %dma_start3A_10 = tpu.memref_slice %arg2[%mul3A_4, %dma_start3A_9] : memref<65536x128xf32, #tpu.memory_space<hbm>> -> memref<128x128xf32, #tpu.memory_space<hbm>>
    %dma_start3A_11 = arith.constant 0 : i32
    %dma_start3A_12 = arith.constant 0 : i32
    %dma_start3A_13 = tpu.memref_slice %arg6[%dma_start3A, %dma_start3A_11, %dma_start3A_12] : memref<2x128x128xf32, #tpu.memory_space<vmem>> -> memref<1x128x128xf32, #tpu.memory_space<vmem>>
    %dma_start3A_14 = tpu.memref_squeeze %dma_start3A_13 : memref<1x128x128xf32, #tpu.memory_space<vmem>> -> memref<128x128xf32, #tpu.memory_space<vmem>>
    %dma_start3A_15 = arith.constant 0 : i32
    %dma_start3A_16 = tpu.memref_slice %arg2[%mul3A_4, %dma_start3A_15] : memref<65536x128xf32, #tpu.memory_space<hbm>> -> memref<128x128xf32, #tpu.memory_space<hbm>>
    tpu.enqueue_dma source(%dma_start3A_16 : memref<128x128xf32, #tpu.memory_space<hbm>>) target(%dma_start3A_14 : memref<128x128xf32, #tpu.memory_space<vmem>>) target_semaphore(%arg7 : memref<!tpu.dma_semaphore, #tpu.memory_space<semaphore_mem>>)
    %mul3A_17 = arith.constant 2048 : i32
    %mul3A_18 = arith.muli %add3A, %mul3A_17 : i32
    %add3A_19 = arith.constant 128 : i32
    %add3A_20 = arith.addi %mul3A_18, %add3A_19 : i32
    %dma_start3A_21 = arith.constant 1 : i32
    %dma_start3A_22 = arith.constant 0 : i32
    %dma_start3A_23 = arith.constant 0 : i32
    %dma_start3A_24 = tpu.memref_slice %arg6[%dma_start3A_21, %dma_start3A_22, %dma_start3A_23] : memref<2x128x128xf32, #tpu.memory_space<vmem>> -> memref<1x128x128xf32, #tpu.memory_space<vmem>>
    %dma_start3A_25 = tpu.memref_squeeze %dma_start3A_24 : memref<1x128x128xf32, #tpu.memory_space<vmem>> -> memref<128x128xf32, #tpu.memory_space<vmem>>
    %dma_start3A_26 = arith.constant 0 : i32
    %dma_start3A_27 = tpu.memref_slice %arg2[%add3A_20, %dma_start3A_26] : memref<65536x128xf32, #tpu.memory_space<hbm>> -> memref<128x128xf32, #tpu.memory_space<hbm>>
    %dma_start3A_28 = arith.constant 0 : i32
    %dma_start3A_29 = arith.constant 0 : i32
    %dma_start3A_30 = tpu.memref_slice %arg6[%dma_start3A_21, %dma_start3A_28, %dma_start3A_29] : memref<2x128x128xf32, #tpu.memory_space<vmem>> -> memref<1x128x128xf32, #tpu.memory_space<vmem>>
    %dma_start3A_31 = tpu.memref_squeeze %dma_start3A_30 : memref<1x128x128xf32, #tpu.memory_space<vmem>> -> memref<128x128xf32, #tpu.memory_space<vmem>>
    %dma_start3A_32 = arith.constant 0 : i32
    %dma_start3A_33 = tpu.memref_slice %arg2[%add3A_20, %dma_start3A_32] : memref<65536x128xf32, #tpu.memory_space<hbm>> -> memref<128x128xf32, #tpu.memory_space<hbm>>
    tpu.enqueue_dma source(%dma_start3A_33 : memref<128x128xf32, #tpu.memory_space<hbm>>) target(%dma_start3A_31 : memref<128x128xf32, #tpu.memory_space<vmem>>) target_semaphore(%arg8 : memref<!tpu.dma_semaphore, #tpu.memory_space<semaphore_mem>>)
    %dma_wait3A = arith.constant 0 : i32
    %dma_wait3A_34 = arith.constant 0 : i32
    %dma_wait3A_35 = arith.constant 0 : i32
    %dma_wait3A_36 = tpu.memref_slice %arg6[%dma_wait3A, %dma_wait3A_34, %dma_wait3A_35] : memref<2x128x128xf32, #tpu.memory_space<vmem>> -> memref<1x128x128xf32, #tpu.memory_space<vmem>>
    %dma_wait3A_37 = tpu.memref_squeeze %dma_wait3A_36 : memref<1x128x128xf32, #tpu.memory_space<vmem>> -> memref<128x128xf32, #tpu.memory_space<vmem>>
    %dma_wait3A_38 = arith.constant 0 : i32
    %dma_wait3A_39 = tpu.memref_slice %arg2[%mul3A_4, %dma_wait3A_38] : memref<65536x128xf32, #tpu.memory_space<hbm>> -> memref<128x128xf32, #tpu.memory_space<hbm>>
    %dma_wait3A_40 = arith.constant 0 : i32
    %dma_wait3A_41 = arith.constant 0 : i32
    %dma_wait3A_42 = tpu.memref_slice %arg6[%dma_wait3A, %dma_wait3A_40, %dma_wait3A_41] : memref<2x128x128xf32, #tpu.memory_space<vmem>> -> memref<1x128x128xf32, #tpu.memory_space<vmem>>
    %dma_wait3A_43 = tpu.memref_squeeze %dma_wait3A_42 : memref<1x128x128xf32, #tpu.memory_space<vmem>> -> memref<128x128xf32, #tpu.memory_space<vmem>>
    %dma_wait3A_44 = arith.constant 0 : i32
    %dma_wait3A_45 = tpu.memref_slice %arg2[%mul3A_4, %dma_wait3A_44] : memref<65536x128xf32, #tpu.memory_space<hbm>> -> memref<128x128xf32, #tpu.memory_space<hbm>>
    tpu.wait_dma2 semaphore(%arg7 : memref<!tpu.dma_semaphore, #tpu.memory_space<semaphore_mem>>) src(%dma_wait3A_45 : memref<128x128xf32, #tpu.memory_space<hbm>>) dst(%dma_wait3A_43 : memref<128x128xf32, #tpu.memory_space<vmem>>)
    %dma_start3A_46 = arith.constant 0 : i32
    %dma_start3A_47 = arith.constant 0 : i32
    %dma_start3A_48 = arith.constant 0 : i32
    %dma_start3A_49 = arith.constant 0 : i32
    %dma_start3A_50 = tpu.memref_slice %arg6[%dma_start3A_46, %dma_start3A_48, %dma_start3A_49] : memref<2x128x128xf32, #tpu.memory_space<vmem>> -> memref<1x128x128xf32, #tpu.memory_space<vmem>>
    %dma_start3A_51 = tpu.memref_squeeze %dma_start3A_50 : memref<1x128x128xf32, #tpu.memory_space<vmem>> -> memref<128x128xf32, #tpu.memory_space<vmem>>
    %dma_start3A_52 = arith.constant 0 : i32
    %dma_start3A_53 = tpu.memref_slice %arg5[%dma_start3A_47, %dma_start3A_52] : memref<16x128xi32, #tpu.memory_space<vmem>> -> memref<1x128xi32, #tpu.memory_space<vmem>>
    %dma_start3A_54 = tpu.memref_squeeze %dma_start3A_53 : memref<1x128xi32, #tpu.memory_space<vmem>> -> memref<128xi32, #tpu.memory_space<vmem>>
    %dma_start3A_55 = arith.constant 0 : i32
    %dma_start3A_56 = arith.constant 0 : i32
    %dma_start3A_57 = tpu.memref_slice %arg4[%dma_start3A_55, %dma_start3A_56] : memref<65536x128xf32, #tpu.memory_space<hbm>> -> memref<65536x128xf32, #tpu.memory_space<hbm>>
    tpu.enqueue_indirect_dma source(%dma_start3A_51 : memref<128x128xf32, #tpu.memory_space<vmem>>) target(%dma_start3A_57 : memref<65536x128xf32, #tpu.memory_space<hbm>>) offsets(%dma_start3A_54 : memref<128xi32, #tpu.memory_space<vmem>>) semaphore(%arg9 : memref<!tpu.dma_semaphore, #tpu.memory_space<semaphore_mem>>)
    %dma_wait3A_58 = arith.constant 0 : i32
    %dma_wait3A_59 = arith.constant 0 : i32
    %dma_wait3A_60 = arith.constant 0 : i32
    %dma_wait3A_61 = arith.constant 0 : i32
    %dma_wait3A_62 = tpu.memref_slice %arg6[%dma_wait3A_58, %dma_wait3A_60, %dma_wait3A_61] : memref<2x128x128xf32, #tpu.memory_space<vmem>> -> memref<1x128x128xf32, #tpu.memory_space<vmem>>
    %dma_wait3A_63 = tpu.memref_squeeze %dma_wait3A_62 : memref<1x128x128xf32, #tpu.memory_space<vmem>> -> memref<128x128xf32, #tpu.memory_space<vmem>>
    %dma_wait3A_64 = arith.constant 0 : i32
    %dma_wait3A_65 = tpu.memref_slice %arg5[%dma_wait3A_59, %dma_wait3A_64] : memref<16x128xi32, #tpu.memory_space<vmem>> -> memref<1x128xi32, #tpu.memory_space<vmem>>
    %dma_wait3A_66 = tpu.memref_squeeze %dma_wait3A_65 : memref<1x128xi32, #tpu.memory_space<vmem>> -> memref<128xi32, #tpu.memory_space<vmem>>
    %dma_wait3A_67 = arith.constant 0 : i32
    %dma_wait3A_68 = arith.constant 0 : i32
    %dma_wait3A_69 = tpu.memref_slice %arg4[%dma_wait3A_67, %dma_wait3A_68] : memref<65536x128xf32, #tpu.memory_space<hbm>> -> memref<65536x128xf32, #tpu.memory_space<hbm>>
    tpu.wait_indirect_dma semaphore(%arg9 : memref<!tpu.dma_semaphore, #tpu.memory_space<semaphore_mem>>) src(%dma_wait3A_63 : memref<128x128xf32, #tpu.memory_space<vmem>>) dst(%dma_wait3A_69 : memref<65536x128xf32, #tpu.memory_space<hbm>>)
    %mul3A_70 = arith.constant 2048 : i32
    %mul3A_71 = arith.muli %add3A, %mul3A_70 : i32
    %add3A_72 = arith.constant 256 : i32
    %add3A_73 = arith.addi %mul3A_71, %add3A_72 : i32
    %dma_start3A_74 = arith.constant 0 : i32
    %dma_start3A_75 = arith.constant 0 : i32
    %dma_start3A_76 = arith.constant 0 : i32
    %dma_start3A_77 = tpu.memref_slice %arg6[%dma_start3A_74, %dma_start3A_75, %dma_start3A_76] : memref<2x128x128xf32, #tpu.memory_space<vmem>> -> memref<1x128x128xf32, #tpu.memory_space<vmem>>
    %dma_start3A_78 = tpu.memref_squeeze %dma_start3A_77 : memref<1x128x128xf32, #tpu.memory_space<vmem>> -> memref<128x128xf32, #tpu.memory_space<vmem>>
    %dma_start3A_79 = arith.constant 0 : i32
    %dma_start3A_80 = tpu.memref_slice %arg2[%add3A_73, %dma_start3A_79] : memref<65536x128xf32, #tpu.memory_space<hbm>> -> memref<128x128xf32, #tpu.memory_space<hbm>>
    %dma_start3A_81 = arith.constant 0 : i32
    %dma_start3A_82 = arith.constant 0 : i32
    %dma_start3A_83 = tpu.memref_slice %arg6[%dma_start3A_74, %dma_start3A_81, %dma_start3A_82] : memref<2x128x128xf32, #tpu.memory_space<vmem>> -> memref<1x128x128xf32, #tpu.memory_space<vmem>>
    %dma_start3A_84 = tpu.memref_squeeze %dma_start3A_83 : memref<1x128x128xf32, #tpu.memory_space<vmem>> -> memref<128x128xf32, #tpu.memory_space<vmem>>
    %dma_start3A_85 = arith.constant 0 : i32
    %dma_start3A_86 = tpu.memref_slice %arg2[%add3A_73, %dma_start3A_85] : memref<65536x128xf32, #tpu.memory_space<hbm>> -> memref<128x128xf32, #tpu.memory_space<hbm>>
    tpu.enqueue_dma source(%dma_start3A_86 : memref<128x128xf32, #tpu.memory_space<hbm>>) target(%dma_start3A_84 : memref<128x128xf32, #tpu.memory_space<vmem>>) target_semaphore(%arg7 : memref<!tpu.dma_semaphore, #tpu.memory_space<semaphore_mem>>)
    %dma_wait3A_87 = arith.constant 1 : i32
    %dma_wait3A_88 = arith.constant 0 : i32
    %dma_wait3A_89 = arith.constant 0 : i32
    %dma_wait3A_90 = tpu.memref_slice %arg6[%dma_wait3A_87, %dma_wait3A_88, %dma_wait3A_89] : memref<2x128x128xf32, #tpu.memory_space<vmem>> -> memref<1x128x128xf32, #tpu.memory_space<vmem>>
    %dma_wait3A_91 = tpu.memref_squeeze %dma_wait3A_90 : memref<1x128x128xf32, #tpu.memory_space<vmem>> -> memref<128x128xf32, #tpu.memory_space<vmem>>
    %dma_wait3A_92 = arith.constant 0 : i32
    %dma_wait3A_93 = tpu.memref_slice %arg2[%add3A_20, %dma_wait3A_92] : memref<65536x128xf32, #tpu.memory_space<hbm>> -> memref<128x128xf32, #tpu.memory_space<hbm>>
    %dma_wait3A_94 = arith.constant 0 : i32
    %dma_wait3A_95 = arith.constant 0 : i32
    %dma_wait3A_96 = tpu.memref_slice %arg6[%dma_wait3A_87, %dma_wait3A_94, %dma_wait3A_95] : memref<2x128x128xf32, #tpu.memory_space<vmem>> -> memref<1x128x128xf32, #tpu.memory_space<vmem>>
    %dma_wait3A_97 = tpu.memref_squeeze %dma_wait3A_96 : memref<1x128x128xf32, #tpu.memory_space<vmem>> -> memref<128x128xf32, #tpu.memory_space<vmem>>
    %dma_wait3A_98 = arith.constant 0 : i32
    %dma_wait3A_99 = tpu.memref_slice %arg2[%add3A_20, %dma_wait3A_98] : memref<65536x128xf32, #tpu.memory_space<hbm>> -> memref<128x128xf32, #tpu.memory_space<hbm>>
    tpu.wait_dma2 semaphore(%arg8 : memref<!tpu.dma_semaphore, #tpu.memory_space<semaphore_mem>>) src(%dma_wait3A_99 : memref<128x128xf32, #tpu.memory_space<hbm>>) dst(%dma_wait3A_97 : memref<128x128xf32, #tpu.memory_space<vmem>>)
    %dma_start3A_100 = arith.constant 1 : i32
    %dma_start3A_101 = arith.constant 1 : i32
    %dma_start3A_102 = arith.constant 0 : i32
    %dma_start3A_103 = arith.constant 0 : i32
    %dma_start3A_104 = tpu.memref_slice %arg6[%dma_start3A_100, %dma_start3A_102, %dma_start3A_103] : memref<2x128x128xf32, #tpu.memory_space<vmem>> -> memref<1x128x128xf32, #tpu.memory_space<vmem>>
    %dma_start3A_105 = tpu.memref_squeeze %dma_start3A_104 : memref<1x128x128xf32, #tpu.memory_space<vmem>> -> memref<128x128xf32, #tpu.memory_space<vmem>>
    %dma_start3A_106 = arith.constant 0 : i32
    %dma_start3A_107 = tpu.memref_slice %arg5[%dma_start3A_101, %dma_start3A_106] : memref<16x128xi32, #tpu.memory_space<vmem>> -> memref<1x128xi32, #tpu.memory_space<vmem>>
    %dma_start3A_108 = tpu.memref_squeeze %dma_start3A_107 : memref<1x128xi32, #tpu.memory_space<vmem>> -> memref<128xi32, #tpu.memory_space<vmem>>
    %dma_start3A_109 = arith.constant 0 : i32
    %dma_start3A_110 = arith.constant 0 : i32
    %dma_start3A_111 = tpu.memref_slice %arg4[%dma_start3A_109, %dma_start3A_110] : memref<65536x128xf32, #tpu.memory_space<hbm>> -> memref<65536x128xf32, #tpu.memory_space<hbm>>
    tpu.enqueue_indirect_dma source(%dma_start3A_105 : memref<128x128xf32, #tpu.memory_space<vmem>>) target(%dma_start3A_111 : memref<65536x128xf32, #tpu.memory_space<hbm>>) offsets(%dma_start3A_108 : memref<128xi32, #tpu.memory_space<vmem>>) semaphore(%arg10 : memref<!tpu.dma_semaphore, #tpu.memory_space<semaphore_mem>>)
    %dma_wait3A_112 = arith.constant 1 : i32
    %dma_wait3A_113 = arith.constant 1 : i32
    %dma_wait3A_114 = arith.constant 0 : i32
    %dma_wait3A_115 = arith.constant 0 : i32
    %dma_wait3A_116 = tpu.memref_slice %arg6[%dma_wait3A_112, %dma_wait3A_114, %dma_wait3A_115] : memref<2x128x128xf32, #tpu.memory_space<vmem>> -> memref<1x128x128xf32, #tpu.memory_space<vmem>>
    %dma_wait3A_117 = tpu.memref_squeeze %dma_wait3A_116 : memref<1x128x128xf32, #tpu.memory_space<vmem>> -> memref<128x128xf32, #tpu.memory_space<vmem>>
    %dma_wait3A_118 = arith.constant 0 : i32
    %dma_wait3A_119 = tpu.memref_slice %arg5[%dma_wait3A_113, %dma_wait3A_118] : memref<16x128xi32, #tpu.memory_space<vmem>> -> memref<1x128xi32, #tpu.memory_space<vmem>>
    %dma_wait3A_120 = tpu.memref_squeeze %dma_wait3A_119 : memref<1x128xi32, #tpu.memory_space<vmem>> -> memref<128xi32, #tpu.memory_space<vmem>>
    %dma_wait3A_121 = arith.constant 0 : i32
    %dma_wait3A_122 = arith.constant 0 : i32
    %dma_wait3A_123 = tpu.memref_slice %arg4[%dma_wait3A_121, %dma_wait3A_122] : memref<65536x128xf32, #tpu.memory_space<hbm>> -> memref<65536x128xf32, #tpu.memory_space<hbm>>
    tpu.wait_indirect_dma semaphore(%arg10 : memref<!tpu.dma_semaphore, #tpu.memory_space<semaphore_mem>>) src(%dma_wait3A_117 : memref<128x128xf32, #tpu.memory_space<vmem>>) dst(%dma_wait3A_123 : memref<65536x128xf32, #tpu.memory_space<hbm>>)
    %mul3A_124 = arith.constant 2048 : i32
    %mul3A_125 = arith.muli %add3A, %mul3A_124 : i32
    %add3A_126 = arith.constant 384 : i32
    %add3A_127 = arith.addi %mul3A_125, %add3A_126 : i32
    %dma_start3A_128 = arith.constant 1 : i32
    %dma_start3A_129 = arith.constant 0 : i32
    %dma_start3A_130 = arith.constant 0 : i32
    %dma_start3A_131 = tpu.memref_slice %arg6[%dma_start3A_128, %dma_start3A_129, %dma_start3A_130] : memref<2x128x128xf32, #tpu.memory_space<vmem>> -> memref<1x128x128xf32, #tpu.memory_space<vmem>>
    %dma_start3A_132 = tpu.memref_squeeze %dma_start3A_131 : memref<1x128x128xf32, #tpu.memory_space<vmem>> -> memref<128x128xf32, #tpu.memory_space<vmem>>
    %dma_start3A_133 = arith.constant 0 : i32
    %dma_start3A_134 = tpu.memref_slice %arg2[%add3A_127, %dma_start3A_133] : memref<65536x128xf32, #tpu.memory_space<hbm>> -> memref<128x128xf32, #tpu.memory_space<hbm>>
    %dma_start3A_135 = arith.constant 0 : i32
    %dma_start3A_136 = arith.constant 0 : i32
    %dma_start3A_137 = tpu.memref_slice %arg6[%dma_start3A_128, %dma_start3A_135, %dma_start3A_136] : memref<2x128x128xf32, #tpu.memory_space<vmem>> -> memref<1x128x128xf32, #tpu.memory_space<vmem>>
    %dma_start3A_138 = tpu.memref_squeeze %dma_start3A_137 : memref<1x128x128xf32, #tpu.memory_space<vmem>> -> memref<128x128xf32, #tpu.memory_space<vmem>>
    %dma_start3A_139 = arith.constant 0 : i32
    %dma_start3A_140 = tpu.memref_slice %arg2[%add3A_127, %dma_start3A_139] : memref<65536x128xf32, #tpu.memory_space<hbm>> -> memref<128x128xf32, #tpu.memory_space<hbm>>
    tpu.enqueue_dma source(%dma_start3A_140 : memref<128x128xf32, #tpu.memory_space<hbm>>) target(%dma_start3A_138 : memref<128x128xf32, #tpu.memory_space<vmem>>) target_semaphore(%arg8 : memref<!tpu.dma_semaphore, #tpu.memory_space<semaphore_mem>>)
    %dma_wait3A_141 = arith.constant 0 : i32
    %dma_wait3A_142 = arith.constant 0 : i32
    %dma_wait3A_143 = arith.constant 0 : i32
    %dma_wait3A_144 = tpu.memref_slice %arg6[%dma_wait3A_141, %dma_wait3A_142, %dma_wait3A_143] : memref<2x128x128xf32, #tpu.memory_space<vmem>> -> memref<1x128x128xf32, #tpu.memory_space<vmem>>
    %dma_wait3A_145 = tpu.memref_squeeze %dma_wait3A_144 : memref<1x128x128xf32, #tpu.memory_space<vmem>> -> memref<128x128xf32, #tpu.memory_space<vmem>>
    %dma_wait3A_146 = arith.constant 0 : i32
    %dma_wait3A_147 = tpu.memref_slice %arg2[%add3A_73, %dma_wait3A_146] : memref<65536x128xf32, #tpu.memory_space<hbm>> -> memref<128x128xf32, #tpu.memory_space<hbm>>
    %dma_wait3A_148 = arith.constant 0 : i32
    %dma_wait3A_149 = arith.constant 0 : i32
    %dma_wait3A_150 = tpu.memref_slice %arg6[%dma_wait3A_141, %dma_wait3A_148, %dma_wait3A_149] : memref<2x128x128xf32, #tpu.memory_space<vmem>> -> memref<1x128x128xf32, #tpu.memory_space<vmem>>
    %dma_wait3A_151 = tpu.memref_squeeze %dma_wait3A_150 : memref<1x128x128xf32, #tpu.memory_space<vmem>> -> memref<128x128xf32, #tpu.memory_space<vmem>>
    %dma_wait3A_152 = arith.constant 0 : i32
    %dma_wait3A_153 = tpu.memref_slice %arg2[%add3A_73, %dma_wait3A_152] : memref<65536x128xf32, #tpu.memory_space<hbm>> -> memref<128x128xf32, #tpu.memory_space<hbm>>
    tpu.wait_dma2 semaphore(%arg7 : memref<!tpu.dma_semaphore, #tpu.memory_space<semaphore_mem>>) src(%dma_wait3A_153 : memref<128x128xf32, #tpu.memory_space<hbm>>) dst(%dma_wait3A_151 : memref<128x128xf32, #tpu.memory_space<vmem>>)
    %dma_start3A_154 = arith.constant 0 : i32
    %dma_start3A_155 = arith.constant 2 : i32
    %dma_start3A_156 = arith.constant 0 : i32
    %dma_start3A_157 = arith.constant 0 : i32
    %dma_start3A_158 = tpu.memref_slice %arg6[%dma_start3A_154, %dma_start3A_156, %dma_start3A_157] : memref<2x128x128xf32, #tpu.memory_space<vmem>> -> memref<1x128x128xf32, #tpu.memory_space<vmem>>
    %dma_start3A_159 = tpu.memref_squeeze %dma_start3A_158 : memref<1x128x128xf32, #tpu.memory_space<vmem>> -> memref<128x128xf32, #tpu.memory_space<vmem>>
    %dma_start3A_160 = arith.constant 0 : i32
    %dma_start3A_161 = tpu.memref_slice %arg5[%dma_start3A_155, %dma_start3A_160] : memref<16x128xi32, #tpu.memory_space<vmem>> -> memref<1x128xi32, #tpu.memory_space<vmem>>
    %dma_start3A_162 = tpu.memref_squeeze %dma_start3A_161 : memref<1x128xi32, #tpu.memory_space<vmem>> -> memref<128xi32, #tpu.memory_space<vmem>>
    %dma_start3A_163 = arith.constant 0 : i32
    %dma_start3A_164 = arith.constant 0 : i32
    %dma_start3A_165 = tpu.memref_slice %arg4[%dma_start3A_163, %dma_start3A_164] : memref<65536x128xf32, #tpu.memory_space<hbm>> -> memref<65536x128xf32, #tpu.memory_space<hbm>>
    tpu.enqueue_indirect_dma source(%dma_start3A_159 : memref<128x128xf32, #tpu.memory_space<vmem>>) target(%dma_start3A_165 : memref<65536x128xf32, #tpu.memory_space<hbm>>) offsets(%dma_start3A_162 : memref<128xi32, #tpu.memory_space<vmem>>) semaphore(%arg9 : memref<!tpu.dma_semaphore, #tpu.memory_space<semaphore_mem>>)
    %dma_wait3A_166 = arith.constant 0 : i32
    %dma_wait3A_167 = arith.constant 2 : i32
    %dma_wait3A_168 = arith.constant 0 : i32
    %dma_wait3A_169 = arith.constant 0 : i32
    %dma_wait3A_170 = tpu.memref_slice %arg6[%dma_wait3A_166, %dma_wait3A_168, %dma_wait3A_169] : memref<2x128x128xf32, #tpu.memory_space<vmem>> -> memref<1x128x128xf32, #tpu.memory_space<vmem>>
    %dma_wait3A_171 = tpu.memref_squeeze %dma_wait3A_170 : memref<1x128x128xf32, #tpu.memory_space<vmem>> -> memref<128x128xf32, #tpu.memory_space<vmem>>
    %dma_wait3A_172 = arith.constant 0 : i32
    %dma_wait3A_173 = tpu.memref_slice %arg5[%dma_wait3A_167, %dma_wait3A_172] : memref<16x128xi32, #tpu.memory_space<vmem>> -> memref<1x128xi32, #tpu.memory_space<vmem>>
    %dma_wait3A_174 = tpu.memref_squeeze %dma_wait3A_173 : memref<1x128xi32, #tpu.memory_space<vmem>> -> memref<128xi32, #tpu.memory_space<vmem>>
    %dma_wait3A_175 = arith.constant 0 : i32
    %dma_wait3A_176 = arith.constant 0 : i32
    %dma_wait3A_177 = tpu.memref_slice %arg4[%dma_wait3A_175, %dma_wait3A_176] : memref<65536x128xf32, #tpu.memory_space<hbm>> -> memref<65536x128xf32, #tpu.memory_space<hbm>>
    tpu.wait_indirect_dma semaphore(%arg9 : memref<!tpu.dma_semaphore, #tpu.memory_space<semaphore_mem>>) src(%dma_wait3A_171 : memref<128x128xf32, #tpu.memory_space<vmem>>) dst(%dma_wait3A_177 : memref<65536x128xf32, #tpu.memory_space<hbm>>)
    %mul3A_178 = arith.constant 2048 : i32
    %mul3A_179 = arith.muli %add3A, %mul3A_178 : i32
    %add3A_180 = arith.constant 512 : i32
    %add3A_181 = arith.addi %mul3A_179, %add3A_180 : i32
    %dma_start3A_182 = arith.constant 0 : i32
    %dma_start3A_183 = arith.constant 0 : i32
    %dma_start3A_184 = arith.constant 0 : i32
    %dma_start3A_185 = tpu.memref_slice %arg6[%dma_start3A_182, %dma_start3A_183, %dma_start3A_184] : memref<2x128x128xf32, #tpu.memory_space<vmem>> -> memref<1x128x128xf32, #tpu.memory_space<vmem>>
    %dma_start3A_186 = tpu.memref_squeeze %dma_start3A_185 : memref<1x128x128xf32, #tpu.memory_space<vmem>> -> memref<128x128xf32, #tpu.memory_space<vmem>>
    %dma_start3A_187 = arith.constant 0 : i32
    %dma_start3A_188 = tpu.memref_slice %arg2[%add3A_181, %dma_start3A_187] : memref<65536x128xf32, #tpu.memory_space<hbm>> -> memref<128x128xf32, #tpu.memory_space<hbm>>
    %dma_start3A_189 = arith.constant 0 : i32
    %dma_start3A_190 = arith.constant 0 : i32
    %dma_start3A_191 = tpu.memref_slice %arg6[%dma_start3A_182, %dma_start3A_189, %dma_start3A_190] : memref<2x128x128xf32, #tpu.memory_space<vmem>> -> memref<1x128x128xf32, #tpu.memory_space<vmem>>
    %dma_start3A_192 = tpu.memref_squeeze %dma_start3A_191 : memref<1x128x128xf32, #tpu.memory_space<vmem>> -> memref<128x128xf32, #tpu.memory_space<vmem>>
    %dma_start3A_193 = arith.constant 0 : i32
    %dma_start3A_194 = tpu.memref_slice %arg2[%add3A_181, %dma_start3A_193] : memref<65536x128xf32, #tpu.memory_space<hbm>> -> memref<128x128xf32, #tpu.memory_space<hbm>>
    tpu.enqueue_dma source(%dma_start3A_194 : memref<128x128xf32, #tpu.memory_space<hbm>>) target(%dma_start3A_192 : memref<128x128xf32, #tpu.memory_space<vmem>>) target_semaphore(%arg7 : memref<!tpu.dma_semaphore, #tpu.memory_space<semaphore_mem>>)
    %dma_wait3A_195 = arith.constant 1 : i32
    %dma_wait3A_196 = arith.constant 0 : i32
    %dma_wait3A_197 = arith.constant 0 : i32
    %dma_wait3A_198 = tpu.memref_slice %arg6[%dma_wait3A_195, %dma_wait3A_196, %dma_wait3A_197] : memref<2x128x128xf32, #tpu.memory_space<vmem>> -> memref<1x128x128xf32, #tpu.memory_space<vmem>>
    %dma_wait3A_199 = tpu.memref_squeeze %dma_wait3A_198 : memref<1x128x128xf32, #tpu.memory_space<vmem>> -> memref<128x128xf32, #tpu.memory_space<vmem>>
    %dma_wait3A_200 = arith.constant 0 : i32
    %dma_wait3A_201 = tpu.memref_slice %arg2[%add3A_127, %dma_wait3A_200] : memref<65536x128xf32, #tpu.memory_space<hbm>> -> memref<128x128xf32, #tpu.memory_space<hbm>>
    %dma_wait3A_202 = arith.constant 0 : i32
    %dma_wait3A_203 = arith.constant 0 : i32
    %dma_wait3A_204 = tpu.memref_slice %arg6[%dma_wait3A_195, %dma_wait3A_202, %dma_wait3A_203] : memref<2x128x128xf32, #tpu.memory_space<vmem>> -> memref<1x128x128xf32, #tpu.memory_space<vmem>>
    %dma_wait3A_205 = tpu.memref_squeeze %dma_wait3A_204 : memref<1x128x128xf32, #tpu.memory_space<vmem>> -> memref<128x128xf32, #tpu.memory_space<vmem>>
    %dma_wait3A_206 = arith.constant 0 : i32
    %dma_wait3A_207 = tpu.memref_slice %arg2[%add3A_127, %dma_wait3A_206] : memref<65536x128xf32, #tpu.memory_space<hbm>> -> memref<128x128xf32, #tpu.memory_space<hbm>>
    tpu.wait_dma2 semaphore(%arg8 : memref<!tpu.dma_semaphore, #tpu.memory_space<semaphore_mem>>) src(%dma_wait3A_207 : memref<128x128xf32, #tpu.memory_space<hbm>>) dst(%dma_wait3A_205 : memref<128x128xf32, #tpu.memory_space<vmem>>)
    %dma_start3A_208 = arith.constant 1 : i32
    %dma_start3A_209 = arith.constant 3 : i32
    %dma_start3A_210 = arith.constant 0 : i32
    %dma_start3A_211 = arith.constant 0 : i32
    %dma_start3A_212 = tpu.memref_slice %arg6[%dma_start3A_208, %dma_start3A_210, %dma_start3A_211] : memref<2x128x128xf32, #tpu.memory_space<vmem>> -> memref<1x128x128xf32, #tpu.memory_space<vmem>>
    %dma_start3A_213 = tpu.memref_squeeze %dma_start3A_212 : memref<1x128x128xf32, #tpu.memory_space<vmem>> -> memref<128x128xf32, #tpu.memory_space<vmem>>
    %dma_start3A_214 = arith.constant 0 : i32
    %dma_start3A_215 = tpu.memref_slice %arg5[%dma_start3A_209, %dma_start3A_214] : memref<16x128xi32, #tpu.memory_space<vmem>> -> memref<1x128xi32, #tpu.memory_space<vmem>>
    %dma_start3A_216 = tpu.memref_squeeze %dma_start3A_215 : memref<1x128xi32, #tpu.memory_space<vmem>> -> memref<128xi32, #tpu.memory_space<vmem>>
    %dma_start3A_217 = arith.constant 0 : i32
    %dma_start3A_218 = arith.constant 0 : i32
    %dma_start3A_219 = tpu.memref_slice %arg4[%dma_start3A_217, %dma_start3A_218] : memref<65536x128xf32, #tpu.memory_space<hbm>> -> memref<65536x128xf32, #tpu.memory_space<hbm>>
    tpu.enqueue_indirect_dma source(%dma_start3A_213 : memref<128x128xf32, #tpu.memory_space<vmem>>) target(%dma_start3A_219 : memref<65536x128xf32, #tpu.memory_space<hbm>>) offsets(%dma_start3A_216 : memref<128xi32, #tpu.memory_space<vmem>>) semaphore(%arg10 : memref<!tpu.dma_semaphore, #tpu.memory_space<semaphore_mem>>)
    %dma_wait3A_220 = arith.constant 1 : i32
    %dma_wait3A_221 = arith.constant 3 : i32
    %dma_wait3A_222 = arith.constant 0 : i32
    %dma_wait3A_223 = arith.constant 0 : i32
    %dma_wait3A_224 = tpu.memref_slice %arg6[%dma_wait3A_220, %dma_wait3A_222, %dma_wait3A_223] : memref<2x128x128xf32, #tpu.memory_space<vmem>> -> memref<1x128x128xf32, #tpu.memory_space<vmem>>
    %dma_wait3A_225 = tpu.memref_squeeze %dma_wait3A_224 : memref<1x128x128xf32, #tpu.memory_space<vmem>> -> memref<128x128xf32, #tpu.memory_space<vmem>>
    %dma_wait3A_226 = arith.constant 0 : i32
    %dma_wait3A_227 = tpu.memref_slice %arg5[%dma_wait3A_221, %dma_wait3A_226] : memref<16x128xi32, #tpu.memory_space<vmem>> -> memref<1x128xi32, #tpu.memory_space<vmem>>
    %dma_wait3A_228 = tpu.memref_squeeze %dma_wait3A_227 : memref<1x128xi32, #tpu.memory_space<vmem>> -> memref<128xi32, #tpu.memory_space<vmem>>
    %dma_wait3A_229 = arith.constant 0 : i32
    %dma_wait3A_230 = arith.constant 0 : i32
    %dma_wait3A_231 = tpu.memref_slice %arg4[%dma_wait3A_229, %dma_wait3A_230] : memref<65536x128xf32, #tpu.memory_space<hbm>> -> memref<65536x128xf32, #tpu.memory_space<hbm>>
    tpu.wait_indirect_dma semaphore(%arg10 : memref<!tpu.dma_semaphore, #tpu.memory_space<semaphore_mem>>) src(%dma_wait3A_225 : memref<128x128xf32, #tpu.memory_space<vmem>>) dst(%dma_wait3A_231 : memref<65536x128xf32, #tpu.memory_space<hbm>>)
    %mul3A_232 = arith.constant 2048 : i32
    %mul3A_233 = arith.muli %add3A, %mul3A_232 : i32
    %add3A_234 = arith.constant 640 : i32
    %add3A_235 = arith.addi %mul3A_233, %add3A_234 : i32
    %dma_start3A_236 = arith.constant 1 : i32
    %dma_start3A_237 = arith.constant 0 : i32
    %dma_start3A_238 = arith.constant 0 : i32
    %dma_start3A_239 = tpu.memref_slice %arg6[%dma_start3A_236, %dma_start3A_237, %dma_start3A_238] : memref<2x128x128xf32, #tpu.memory_space<vmem>> -> memref<1x128x128xf32, #tpu.memory_space<vmem>>
    %dma_start3A_240 = tpu.memref_squeeze %dma_start3A_239 : memref<1x128x128xf32, #tpu.memory_space<vmem>> -> memref<128x128xf32, #tpu.memory_space<vmem>>
    %dma_start3A_241 = arith.constant 0 : i32
    %dma_start3A_242 = tpu.memref_slice %arg2[%add3A_235, %dma_start3A_241] : memref<65536x128xf32, #tpu.memory_space<hbm>> -> memref<128x128xf32, #tpu.memory_space<hbm>>
    %dma_start3A_243 = arith.constant 0 : i32
    %dma_start3A_244 = arith.constant 0 : i32
    %dma_start3A_245 = tpu.memref_slice %arg6[%dma_start3A_236, %dma_start3A_243, %dma_start3A_244] : memref<2x128x128xf32, #tpu.memory_space<vmem>> -> memref<1x128x128xf32, #tpu.memory_space<vmem>>
    %dma_start3A_246 = tpu.memref_squeeze %dma_start3A_245 : memref<1x128x128xf32, #tpu.memory_space<vmem>> -> memref<128x128xf32, #tpu.memory_space<vmem>>
    %dma_start3A_247 = arith.constant 0 : i32
    %dma_start3A_248 = tpu.memref_slice %arg2[%add3A_235, %dma_start3A_247] : memref<65536x128xf32, #tpu.memory_space<hbm>> -> memref<128x128xf32, #tpu.memory_space<hbm>>
    tpu.enqueue_dma source(%dma_start3A_248 : memref<128x128xf32, #tpu.memory_space<hbm>>) target(%dma_start3A_246 : memref<128x128xf32, #tpu.memory_space<vmem>>) target_semaphore(%arg8 : memref<!tpu.dma_semaphore, #tpu.memory_space<semaphore_mem>>)
    %dma_wait3A_249 = arith.constant 0 : i32
    %dma_wait3A_250 = arith.constant 0 : i32
    %dma_wait3A_251 = arith.constant 0 : i32
    %dma_wait3A_252 = tpu.memref_slice %arg6[%dma_wait3A_249, %dma_wait3A_250, %dma_wait3A_251] : memref<2x128x128xf32, #tpu.memory_space<vmem>> -> memref<1x128x128xf32, #tpu.memory_space<vmem>>
    %dma_wait3A_253 = tpu.memref_squeeze %dma_wait3A_252 : memref<1x128x128xf32, #tpu.memory_space<vmem>> -> memref<128x128xf32, #tpu.memory_space<vmem>>
    %dma_wait3A_254 = arith.constant 0 : i32
    %dma_wait3A_255 = tpu.memref_slice %arg2[%add3A_181, %dma_wait3A_254] : memref<65536x128xf32, #tpu.memory_space<hbm>> -> memref<128x128xf32, #tpu.memory_space<hbm>>
    %dma_wait3A_256 = arith.constant 0 : i32
    %dma_wait3A_257 = arith.constant 0 : i32
    %dma_wait3A_258 = tpu.memref_slice %arg6[%dma_wait3A_249, %dma_wait3A_256, %dma_wait3A_257] : memref<2x128x128xf32, #tpu.memory_space<vmem>> -> memref<1x128x128xf32, #tpu.memory_space<vmem>>
    %dma_wait3A_259 = tpu.memref_squeeze %dma_wait3A_258 : memref<1x128x128xf32, #tpu.memory_space<vmem>> -> memref<128x128xf32, #tpu.memory_space<vmem>>
    %dma_wait3A_260 = arith.constant 0 : i32
    %dma_wait3A_261 = tpu.memref_slice %arg2[%add3A_181, %dma_wait3A_260] : memref<65536x128xf32, #tpu.memory_space<hbm>> -> memref<128x128xf32, #tpu.memory_space<hbm>>
    tpu.wait_dma2 semaphore(%arg7 : memref<!tpu.dma_semaphore, #tpu.memory_space<semaphore_mem>>) src(%dma_wait3A_261 : memref<128x128xf32, #tpu.memory_space<hbm>>) dst(%dma_wait3A_259 : memref<128x128xf32, #tpu.memory_space<vmem>>)
    %dma_start3A_262 = arith.constant 0 : i32
    %dma_start3A_263 = arith.constant 4 : i32
    %dma_start3A_264 = arith.constant 0 : i32
    %dma_start3A_265 = arith.constant 0 : i32
    %dma_start3A_266 = tpu.memref_slice %arg6[%dma_start3A_262, %dma_start3A_264, %dma_start3A_265] : memref<2x128x128xf32, #tpu.memory_space<vmem>> -> memref<1x128x128xf32, #tpu.memory_space<vmem>>
    %dma_start3A_267 = tpu.memref_squeeze %dma_start3A_266 : memref<1x128x128xf32, #tpu.memory_space<vmem>> -> memref<128x128xf32, #tpu.memory_space<vmem>>
    %dma_start3A_268 = arith.constant 0 : i32
    %dma_start3A_269 = tpu.memref_slice %arg5[%dma_start3A_263, %dma_start3A_268] : memref<16x128xi32, #tpu.memory_space<vmem>> -> memref<1x128xi32, #tpu.memory_space<vmem>>
    %dma_start3A_270 = tpu.memref_squeeze %dma_start3A_269 : memref<1x128xi32, #tpu.memory_space<vmem>> -> memref<128xi32, #tpu.memory_space<vmem>>
    %dma_start3A_271 = arith.constant 0 : i32
    %dma_start3A_272 = arith.constant 0 : i32
    %dma_start3A_273 = tpu.memref_slice %arg4[%dma_start3A_271, %dma_start3A_272] : memref<65536x128xf32, #tpu.memory_space<hbm>> -> memref<65536x128xf32, #tpu.memory_space<hbm>>
    tpu.enqueue_indirect_dma source(%dma_start3A_267 : memref<128x128xf32, #tpu.memory_space<vmem>>) target(%dma_start3A_273 : memref<65536x128xf32, #tpu.memory_space<hbm>>) offsets(%dma_start3A_270 : memref<128xi32, #tpu.memory_space<vmem>>) semaphore(%arg9 : memref<!tpu.dma_semaphore, #tpu.memory_space<semaphore_mem>>)
    %dma_wait3A_274 = arith.constant 0 : i32
    %dma_wait3A_275 = arith.constant 4 : i32
    %dma_wait3A_276 = arith.constant 0 : i32
    %dma_wait3A_277 = arith.constant 0 : i32
    %dma_wait3A_278 = tpu.memref_slice %arg6[%dma_wait3A_274, %dma_wait3A_276, %dma_wait3A_277] : memref<2x128x128xf32, #tpu.memory_space<vmem>> -> memref<1x128x128xf32, #tpu.memory_space<vmem>>
    %dma_wait3A_279 = tpu.memref_squeeze %dma_wait3A_278 : memref<1x128x128xf32, #tpu.memory_space<vmem>> -> memref<128x128xf32, #tpu.memory_space<vmem>>
    %dma_wait3A_280 = arith.constant 0 : i32
    %dma_wait3A_281 = tpu.memref_slice %arg5[%dma_wait3A_275, %dma_wait3A_280] : memref<16x128xi32, #tpu.memory_space<vmem>> -> memref<1x128xi32, #tpu.memory_space<vmem>>
    %dma_wait3A_282 = tpu.memref_squeeze %dma_wait3A_281 : memref<1x128xi32, #tpu.memory_space<vmem>> -> memref<128xi32, #tpu.memory_space<vmem>>
    %dma_wait3A_283 = arith.constant 0 : i32
    %dma_wait3A_284 = arith.constant 0 : i32
    %dma_wait3A_285 = tpu.memref_slice %arg4[%dma_wait3A_283, %dma_wait3A_284] : memref<65536x128xf32, #tpu.memory_space<hbm>> -> memref<65536x128xf32, #tpu.memory_space<hbm>>
    tpu.wait_indirect_dma semaphore(%arg9 : memref<!tpu.dma_semaphore, #tpu.memory_space<semaphore_mem>>) src(%dma_wait3A_279 : memref<128x128xf32, #tpu.memory_space<vmem>>) dst(%dma_wait3A_285 : memref<65536x128xf32, #tpu.memory_space<hbm>>)
    %mul3A_286 = arith.constant 2048 : i32
    %mul3A_287 = arith.muli %add3A, %mul3A_286 : i32
    %add3A_288 = arith.constant 768 : i32
    %add3A_289 = arith.addi %mul3A_287, %add3A_288 : i32
    %dma_start3A_290 = arith.constant 0 : i32
    %dma_start3A_291 = arith.constant 0 : i32
    %dma_start3A_292 = arith.constant 0 : i32
    %dma_start3A_293 = tpu.memref_slice %arg6[%dma_start3A_290, %dma_start3A_291, %dma_start3A_292] : memref<2x128x128xf32, #tpu.memory_space<vmem>> -> memref<1x128x128xf32, #tpu.memory_space<vmem>>
    %dma_start3A_294 = tpu.memref_squeeze %dma_start3A_293 : memref<1x128x128xf32, #tpu.memory_space<vmem>> -> memref<128x128xf32, #tpu.memory_space<vmem>>
    %dma_start3A_295 = arith.constant 0 : i32
    %dma_start3A_296 = tpu.memref_slice %arg2[%add3A_289, %dma_start3A_295] : memref<65536x128xf32, #tpu.memory_space<hbm>> -> memref<128x128xf32, #tpu.memory_space<hbm>>
    %dma_start3A_297 = arith.constant 0 : i32
    %dma_start3A_298 = arith.constant 0 : i32
    %dma_start3A_299 = tpu.memref_slice %arg6[%dma_start3A_290, %dma_start3A_297, %dma_start3A_298] : memref<2x128x128xf32, #tpu.memory_space<vmem>> -> memref<1x128x128xf32, #tpu.memory_space<vmem>>
    %dma_start3A_300 = tpu.memref_squeeze %dma_start3A_299 : memref<1x128x128xf32, #tpu.memory_space<vmem>> -> memref<128x128xf32, #tpu.memory_space<vmem>>
    %dma_start3A_301 = arith.constant 0 : i32
    %dma_start3A_302 = tpu.memref_slice %arg2[%add3A_289, %dma_start3A_301] : memref<65536x128xf32, #tpu.memory_space<hbm>> -> memref<128x128xf32, #tpu.memory_space<hbm>>
    tpu.enqueue_dma source(%dma_start3A_302 : memref<128x128xf32, #tpu.memory_space<hbm>>) target(%dma_start3A_300 : memref<128x128xf32, #tpu.memory_space<vmem>>) target_semaphore(%arg7 : memref<!tpu.dma_semaphore, #tpu.memory_space<semaphore_mem>>)
    %dma_wait3A_303 = arith.constant 1 : i32
    %dma_wait3A_304 = arith.constant 0 : i32
    %dma_wait3A_305 = arith.constant 0 : i32
    %dma_wait3A_306 = tpu.memref_slice %arg6[%dma_wait3A_303, %dma_wait3A_304, %dma_wait3A_305] : memref<2x128x128xf32, #tpu.memory_space<vmem>> -> memref<1x128x128xf32, #tpu.memory_space<vmem>>
    %dma_wait3A_307 = tpu.memref_squeeze %dma_wait3A_306 : memref<1x128x128xf32, #tpu.memory_space<vmem>> -> memref<128x128xf32, #tpu.memory_space<vmem>>
    %dma_wait3A_308 = arith.constant 0 : i32
    %dma_wait3A_309 = tpu.memref_slice %arg2[%add3A_235, %dma_wait3A_308] : memref<65536x128xf32, #tpu.memory_space<hbm>> -> memref<128x128xf32, #tpu.memory_space<hbm>>
    %dma_wait3A_310 = arith.constant 0 : i32
    %dma_wait3A_311 = arith.constant 0 : i32
    %dma_wait3A_312 = tpu.memref_slice %arg6[%dma_wait3A_303, %dma_wait3A_310, %dma_wait3A_311] : memref<2x128x128xf32, #tpu.memory_space<vmem>> -> memref<1x128x128xf32, #tpu.memory_space<vmem>>
    %dma_wait3A_313 = tpu.memref_squeeze %dma_wait3A_312 : memref<1x128x128xf32, #tpu.memory_space<vmem>> -> memref<128x128xf32, #tpu.memory_space<vmem>>
    %dma_wait3A_314 = arith.constant 0 : i32
    %dma_wait3A_315 = tpu.memref_slice %arg2[%add3A_235, %dma_wait3A_314] : memref<65536x128xf32, #tpu.memory_space<hbm>> -> memref<128x128xf32, #tpu.memory_space<hbm>>
    tpu.wait_dma2 semaphore(%arg8 : memref<!tpu.dma_semaphore, #tpu.memory_space<semaphore_mem>>) src(%dma_wait3A_315 : memref<128x128xf32, #tpu.memory_space<hbm>>) dst(%dma_wait3A_313 : memref<128x128xf32, #tpu.memory_space<vmem>>)
    %dma_start3A_316 = arith.constant 1 : i32
    %dma_start3A_317 = arith.constant 5 : i32
    %dma_start3A_318 = arith.constant 0 : i32
    %dma_start3A_319 = arith.constant 0 : i32
    %dma_start3A_320 = tpu.memref_slice %arg6[%dma_start3A_316, %dma_start3A_318, %dma_start3A_319] : memref<2x128x128xf32, #tpu.memory_space<vmem>> -> memref<1x128x128xf32, #tpu.memory_space<vmem>>
    %dma_start3A_321 = tpu.memref_squeeze %dma_start3A_320 : memref<1x128x128xf32, #tpu.memory_space<vmem>> -> memref<128x128xf32, #tpu.memory_space<vmem>>
    %dma_start3A_322 = arith.constant 0 : i32
    %dma_start3A_323 = tpu.memref_slice %arg5[%dma_start3A_317, %dma_start3A_322] : memref<16x128xi32, #tpu.memory_space<vmem>> -> memref<1x128xi32, #tpu.memory_space<vmem>>
    %dma_start3A_324 = tpu.memref_squeeze %dma_start3A_323 : memref<1x128xi32, #tpu.memory_space<vmem>> -> memref<128xi32, #tpu.memory_space<vmem>>
    %dma_start3A_325 = arith.constant 0 : i32
    %dma_start3A_326 = arith.constant 0 : i32
    %dma_start3A_327 = tpu.memref_slice %arg4[%dma_start3A_325, %dma_start3A_326] : memref<65536x128xf32, #tpu.memory_space<hbm>> -> memref<65536x128xf32, #tpu.memory_space<hbm>>
    tpu.enqueue_indirect_dma source(%dma_start3A_321 : memref<128x128xf32, #tpu.memory_space<vmem>>) target(%dma_start3A_327 : memref<65536x128xf32, #tpu.memory_space<hbm>>) offsets(%dma_start3A_324 : memref<128xi32, #tpu.memory_space<vmem>>) semaphore(%arg10 : memref<!tpu.dma_semaphore, #tpu.memory_space<semaphore_mem>>)
    %dma_wait3A_328 = arith.constant 1 : i32
    %dma_wait3A_329 = arith.constant 5 : i32
    %dma_wait3A_330 = arith.constant 0 : i32
    %dma_wait3A_331 = arith.constant 0 : i32
    %dma_wait3A_332 = tpu.memref_slice %arg6[%dma_wait3A_328, %dma_wait3A_330, %dma_wait3A_331] : memref<2x128x128xf32, #tpu.memory_space<vmem>> -> memref<1x128x128xf32, #tpu.memory_space<vmem>>
    %dma_wait3A_333 = tpu.memref_squeeze %dma_wait3A_332 : memref<1x128x128xf32, #tpu.memory_space<vmem>> -> memref<128x128xf32, #tpu.memory_space<vmem>>
    %dma_wait3A_334 = arith.constant 0 : i32
    %dma_wait3A_335 = tpu.memref_slice %arg5[%dma_wait3A_329, %dma_wait3A_334] : memref<16x128xi32, #tpu.memory_space<vmem>> -> memref<1x128xi32, #tpu.memory_space<vmem>>
    %dma_wait3A_336 = tpu.memref_squeeze %dma_wait3A_335 : memref<1x128xi32, #tpu.memory_space<vmem>> -> memref<128xi32, #tpu.memory_space<vmem>>
    %dma_wait3A_337 = arith.constant 0 : i32
    %dma_wait3A_338 = arith.constant 0 : i32
    %dma_wait3A_339 = tpu.memref_slice %arg4[%dma_wait3A_337, %dma_wait3A_338] : memref<65536x128xf32, #tpu.memory_space<hbm>> -> memref<65536x128xf32, #tpu.memory_space<hbm>>
    tpu.wait_indirect_dma semaphore(%arg10 : memref<!tpu.dma_semaphore, #tpu.memory_space<semaphore_mem>>) src(%dma_wait3A_333 : memref<128x128xf32, #tpu.memory_space<vmem>>) dst(%dma_wait3A_339 : memref<65536x128xf32, #tpu.memory_space<hbm>>)
    %mul3A_340 = arith.constant 2048 : i32
    %mul3A_341 = arith.muli %add3A, %mul3A_340 : i32
    %add3A_342 = arith.constant 896 : i32
    %add3A_343 = arith.addi %mul3A_341, %add3A_342 : i32
    %dma_start3A_344 = arith.constant 1 : i32
    %dma_start3A_345 = arith.constant 0 : i32
    %dma_start3A_346 = arith.constant 0 : i32
    %dma_start3A_347 = tpu.memref_slice %arg6[%dma_start3A_344, %dma_start3A_345, %dma_start3A_346] : memref<2x128x128xf32, #tpu.memory_space<vmem>> -> memref<1x128x128xf32, #tpu.memory_space<vmem>>
    %dma_start3A_348 = tpu.memref_squeeze %dma_start3A_347 : memref<1x128x128xf32, #tpu.memory_space<vmem>> -> memref<128x128xf32, #tpu.memory_space<vmem>>
    %dma_start3A_349 = arith.constant 0 : i32
    %dma_start3A_350 = tpu.memref_slice %arg2[%add3A_343, %dma_start3A_349] : memref<65536x128xf32, #tpu.memory_space<hbm>> -> memref<128x128xf32, #tpu.memory_space<hbm>>
    %dma_start3A_351 = arith.constant 0 : i32
    %dma_start3A_352 = arith.constant 0 : i32
    %dma_start3A_353 = tpu.memref_slice %arg6[%dma_start3A_344, %dma_start3A_351, %dma_start3A_352] : memref<2x128x128xf32, #tpu.memory_space<vmem>> -> memref<1x128x128xf32, #tpu.memory_space<vmem>>
    %dma_start3A_354 = tpu.memref_squeeze %dma_start3A_353 : memref<1x128x128xf32, #tpu.memory_space<vmem>> -> memref<128x128xf32, #tpu.memory_space<vmem>>
    %dma_start3A_355 = arith.constant 0 : i32
    %dma_start3A_356 = tpu.memref_slice %arg2[%add3A_343, %dma_start3A_355] : memref<65536x128xf32, #tpu.memory_space<hbm>> -> memref<128x128xf32, #tpu.memory_space<hbm>>
    tpu.enqueue_dma source(%dma_start3A_356 : memref<128x128xf32, #tpu.memory_space<hbm>>) target(%dma_start3A_354 : memref<128x128xf32, #tpu.memory_space<vmem>>) target_semaphore(%arg8 : memref<!tpu.dma_semaphore, #tpu.memory_space<semaphore_mem>>)
    %dma_wait3A_357 = arith.constant 0 : i32
    %dma_wait3A_358 = arith.constant 0 : i32
    %dma_wait3A_359 = arith.constant 0 : i32
    %dma_wait3A_360 = tpu.memref_slice %arg6[%dma_wait3A_357, %dma_wait3A_358, %dma_wait3A_359] : memref<2x128x128xf32, #tpu.memory_space<vmem>> -> memref<1x128x128xf32, #tpu.memory_space<vmem>>
    %dma_wait3A_361 = tpu.memref_squeeze %dma_wait3A_360 : memref<1x128x128xf32, #tpu.memory_space<vmem>> -> memref<128x128xf32, #tpu.memory_space<vmem>>
    %dma_wait3A_362 = arith.constant 0 : i32
    %dma_wait3A_363 = tpu.memref_slice %arg2[%add3A_289, %dma_wait3A_362] : memref<65536x128xf32, #tpu.memory_space<hbm>> -> memref<128x128xf32, #tpu.memory_space<hbm>>
    %dma_wait3A_364 = arith.constant 0 : i32
    %dma_wait3A_365 = arith.constant 0 : i32
    %dma_wait3A_366 = tpu.memref_slice %arg6[%dma_wait3A_357, %dma_wait3A_364, %dma_wait3A_365] : memref<2x128x128xf32, #tpu.memory_space<vmem>> -> memref<1x128x128xf32, #tpu.memory_space<vmem>>
    %dma_wait3A_367 = tpu.memref_squeeze %dma_wait3A_366 : memref<1x128x128xf32, #tpu.memory_space<vmem>> -> memref<128x128xf32, #tpu.memory_space<vmem>>
    %dma_wait3A_368 = arith.constant 0 : i32
    %dma_wait3A_369 = tpu.memref_slice %arg2[%add3A_289, %dma_wait3A_368] : memref<65536x128xf32, #tpu.memory_space<hbm>> -> memref<128x128xf32, #tpu.memory_space<hbm>>
    tpu.wait_dma2 semaphore(%arg7 : memref<!tpu.dma_semaphore, #tpu.memory_space<semaphore_mem>>) src(%dma_wait3A_369 : memref<128x128xf32, #tpu.memory_space<hbm>>) dst(%dma_wait3A_367 : memref<128x128xf32, #tpu.memory_space<vmem>>)
    %dma_start3A_370 = arith.constant 0 : i32
    %dma_start3A_371 = arith.constant 6 : i32
    %dma_start3A_372 = arith.constant 0 : i32
    %dma_start3A_373 = arith.constant 0 : i32
    %dma_start3A_374 = tpu.memref_slice %arg6[%dma_start3A_370, %dma_start3A_372, %dma_start3A_373] : memref<2x128x128xf32, #tpu.memory_space<vmem>> -> memref<1x128x128xf32, #tpu.memory_space<vmem>>
    %dma_start3A_375 = tpu.memref_squeeze %dma_start3A_374 : memref<1x128x128xf32, #tpu.memory_space<vmem>> -> memref<128x128xf32, #tpu.memory_space<vmem>>
    %dma_start3A_376 = arith.constant 0 : i32
    %dma_start3A_377 = tpu.memref_slice %arg5[%dma_start3A_371, %dma_start3A_376] : memref<16x128xi32, #tpu.memory_space<vmem>> -> memref<1x128xi32, #tpu.memory_space<vmem>>
    %dma_start3A_378 = tpu.memref_squeeze %dma_start3A_377 : memref<1x128xi32, #tpu.memory_space<vmem>> -> memref<128xi32, #tpu.memory_space<vmem>>
    %dma_start3A_379 = arith.constant 0 : i32
    %dma_start3A_380 = arith.constant 0 : i32
    %dma_start3A_381 = tpu.memref_slice %arg4[%dma_start3A_379, %dma_start3A_380] : memref<65536x128xf32, #tpu.memory_space<hbm>> -> memref<65536x128xf32, #tpu.memory_space<hbm>>
    tpu.enqueue_indirect_dma source(%dma_start3A_375 : memref<128x128xf32, #tpu.memory_space<vmem>>) target(%dma_start3A_381 : memref<65536x128xf32, #tpu.memory_space<hbm>>) offsets(%dma_start3A_378 : memref<128xi32, #tpu.memory_space<vmem>>) semaphore(%arg9 : memref<!tpu.dma_semaphore, #tpu.memory_space<semaphore_mem>>)
    %dma_wait3A_382 = arith.constant 0 : i32
    %dma_wait3A_383 = arith.constant 6 : i32
    %dma_wait3A_384 = arith.constant 0 : i32
    %dma_wait3A_385 = arith.constant 0 : i32
    %dma_wait3A_386 = tpu.memref_slice %arg6[%dma_wait3A_382, %dma_wait3A_384, %dma_wait3A_385] : memref<2x128x128xf32, #tpu.memory_space<vmem>> -> memref<1x128x128xf32, #tpu.memory_space<vmem>>
    %dma_wait3A_387 = tpu.memref_squeeze %dma_wait3A_386 : memref<1x128x128xf32, #tpu.memory_space<vmem>> -> memref<128x128xf32, #tpu.memory_space<vmem>>
    %dma_wait3A_388 = arith.constant 0 : i32
    %dma_wait3A_389 = tpu.memref_slice %arg5[%dma_wait3A_383, %dma_wait3A_388] : memref<16x128xi32, #tpu.memory_space<vmem>> -> memref<1x128xi32, #tpu.memory_space<vmem>>
    %dma_wait3A_390 = tpu.memref_squeeze %dma_wait3A_389 : memref<1x128xi32, #tpu.memory_space<vmem>> -> memref<128xi32, #tpu.memory_space<vmem>>
    %dma_wait3A_391 = arith.constant 0 : i32
    %dma_wait3A_392 = arith.constant 0 : i32
    %dma_wait3A_393 = tpu.memref_slice %arg4[%dma_wait3A_391, %dma_wait3A_392] : memref<65536x128xf32, #tpu.memory_space<hbm>> -> memref<65536x128xf32, #tpu.memory_space<hbm>>
    tpu.wait_indirect_dma semaphore(%arg9 : memref<!tpu.dma_semaphore, #tpu.memory_space<semaphore_mem>>) src(%dma_wait3A_387 : memref<128x128xf32, #tpu.memory_space<vmem>>) dst(%dma_wait3A_393 : memref<65536x128xf32, #tpu.memory_space<hbm>>)
    %mul3A_394 = arith.constant 2048 : i32
    %mul3A_395 = arith.muli %add3A, %mul3A_394 : i32
    %add3A_396 = arith.constant 1024 : i32
    %add3A_397 = arith.addi %mul3A_395, %add3A_396 : i32
    %dma_start3A_398 = arith.constant 0 : i32
    %dma_start3A_399 = arith.constant 0 : i32
    %dma_start3A_400 = arith.constant 0 : i32
    %dma_start3A_401 = tpu.memref_slice %arg6[%dma_start3A_398, %dma_start3A_399, %dma_start3A_400] : memref<2x128x128xf32, #tpu.memory_space<vmem>> -> memref<1x128x128xf32, #tpu.memory_space<vmem>>
    %dma_start3A_402 = tpu.memref_squeeze %dma_start3A_401 : memref<1x128x128xf32, #tpu.memory_space<vmem>> -> memref<128x128xf32, #tpu.memory_space<vmem>>
    %dma_start3A_403 = arith.constant 0 : i32
    %dma_start3A_404 = tpu.memref_slice %arg2[%add3A_397, %dma_start3A_403] : memref<65536x128xf32, #tpu.memory_space<hbm>> -> memref<128x128xf32, #tpu.memory_space<hbm>>
    %dma_start3A_405 = arith.constant 0 : i32
    %dma_start3A_406 = arith.constant 0 : i32
    %dma_start3A_407 = tpu.memref_slice %arg6[%dma_start3A_398, %dma_start3A_405, %dma_start3A_406] : memref<2x128x128xf32, #tpu.memory_space<vmem>> -> memref<1x128x128xf32, #tpu.memory_space<vmem>>
    %dma_start3A_408 = tpu.memref_squeeze %dma_start3A_407 : memref<1x128x128xf32, #tpu.memory_space<vmem>> -> memref<128x128xf32, #tpu.memory_space<vmem>>
    %dma_start3A_409 = arith.constant 0 : i32
    %dma_start3A_410 = tpu.memref_slice %arg2[%add3A_397, %dma_start3A_409] : memref<65536x128xf32, #tpu.memory_space<hbm>> -> memref<128x128xf32, #tpu.memory_space<hbm>>
    tpu.enqueue_dma source(%dma_start3A_410 : memref<128x128xf32, #tpu.memory_space<hbm>>) target(%dma_start3A_408 : memref<128x128xf32, #tpu.memory_space<vmem>>) target_semaphore(%arg7 : memref<!tpu.dma_semaphore, #tpu.memory_space<semaphore_mem>>)
    %dma_wait3A_411 = arith.constant 1 : i32
    %dma_wait3A_412 = arith.constant 0 : i32
    %dma_wait3A_413 = arith.constant 0 : i32
    %dma_wait3A_414 = tpu.memref_slice %arg6[%dma_wait3A_411, %dma_wait3A_412, %dma_wait3A_413] : memref<2x128x128xf32, #tpu.memory_space<vmem>> -> memref<1x128x128xf32, #tpu.memory_space<vmem>>
    %dma_wait3A_415 = tpu.memref_squeeze %dma_wait3A_414 : memref<1x128x128xf32, #tpu.memory_space<vmem>> -> memref<128x128xf32, #tpu.memory_space<vmem>>
    %dma_wait3A_416 = arith.constant 0 : i32
    %dma_wait3A_417 = tpu.memref_slice %arg2[%add3A_343, %dma_wait3A_416] : memref<65536x128xf32, #tpu.memory_space<hbm>> -> memref<128x128xf32, #tpu.memory_space<hbm>>
    %dma_wait3A_418 = arith.constant 0 : i32
    %dma_wait3A_419 = arith.constant 0 : i32
    %dma_wait3A_420 = tpu.memref_slice %arg6[%dma_wait3A_411, %dma_wait3A_418, %dma_wait3A_419] : memref<2x128x128xf32, #tpu.memory_space<vmem>> -> memref<1x128x128xf32, #tpu.memory_space<vmem>>
    %dma_wait3A_421 = tpu.memref_squeeze %dma_wait3A_420 : memref<1x128x128xf32, #tpu.memory_space<vmem>> -> memref<128x128xf32, #tpu.memory_space<vmem>>
    %dma_wait3A_422 = arith.constant 0 : i32
    %dma_wait3A_423 = tpu.memref_slice %arg2[%add3A_343, %dma_wait3A_422] : memref<65536x128xf32, #tpu.memory_space<hbm>> -> memref<128x128xf32, #tpu.memory_space<hbm>>
    tpu.wait_dma2 semaphore(%arg8 : memref<!tpu.dma_semaphore, #tpu.memory_space<semaphore_mem>>) src(%dma_wait3A_423 : memref<128x128xf32, #tpu.memory_space<hbm>>) dst(%dma_wait3A_421 : memref<128x128xf32, #tpu.memory_space<vmem>>)
    %dma_start3A_424 = arith.constant 1 : i32
    %dma_start3A_425 = arith.constant 7 : i32
    %dma_start3A_426 = arith.constant 0 : i32
    %dma_start3A_427 = arith.constant 0 : i32
    %dma_start3A_428 = tpu.memref_slice %arg6[%dma_start3A_424, %dma_start3A_426, %dma_start3A_427] : memref<2x128x128xf32, #tpu.memory_space<vmem>> -> memref<1x128x128xf32, #tpu.memory_space<vmem>>
    %dma_start3A_429 = tpu.memref_squeeze %dma_start3A_428 : memref<1x128x128xf32, #tpu.memory_space<vmem>> -> memref<128x128xf32, #tpu.memory_space<vmem>>
    %dma_start3A_430 = arith.constant 0 : i32
    %dma_start3A_431 = tpu.memref_slice %arg5[%dma_start3A_425, %dma_start3A_430] : memref<16x128xi32, #tpu.memory_space<vmem>> -> memref<1x128xi32, #tpu.memory_space<vmem>>
    %dma_start3A_432 = tpu.memref_squeeze %dma_start3A_431 : memref<1x128xi32, #tpu.memory_space<vmem>> -> memref<128xi32, #tpu.memory_space<vmem>>
    %dma_start3A_433 = arith.constant 0 : i32
    %dma_start3A_434 = arith.constant 0 : i32
    %dma_start3A_435 = tpu.memref_slice %arg4[%dma_start3A_433, %dma_start3A_434] : memref<65536x128xf32, #tpu.memory_space<hbm>> -> memref<65536x128xf32, #tpu.memory_space<hbm>>
    tpu.enqueue_indirect_dma source(%dma_start3A_429 : memref<128x128xf32, #tpu.memory_space<vmem>>) target(%dma_start3A_435 : memref<65536x128xf32, #tpu.memory_space<hbm>>) offsets(%dma_start3A_432 : memref<128xi32, #tpu.memory_space<vmem>>) semaphore(%arg10 : memref<!tpu.dma_semaphore, #tpu.memory_space<semaphore_mem>>)
    %dma_wait3A_436 = arith.constant 1 : i32
    %dma_wait3A_437 = arith.constant 7 : i32
    %dma_wait3A_438 = arith.constant 0 : i32
    %dma_wait3A_439 = arith.constant 0 : i32
    %dma_wait3A_440 = tpu.memref_slice %arg6[%dma_wait3A_436, %dma_wait3A_438, %dma_wait3A_439] : memref<2x128x128xf32, #tpu.memory_space<vmem>> -> memref<1x128x128xf32, #tpu.memory_space<vmem>>
    %dma_wait3A_441 = tpu.memref_squeeze %dma_wait3A_440 : memref<1x128x128xf32, #tpu.memory_space<vmem>> -> memref<128x128xf32, #tpu.memory_space<vmem>>
    %dma_wait3A_442 = arith.constant 0 : i32
    %dma_wait3A_443 = tpu.memref_slice %arg5[%dma_wait3A_437, %dma_wait3A_442] : memref<16x128xi32, #tpu.memory_space<vmem>> -> memref<1x128xi32, #tpu.memory_space<vmem>>
    %dma_wait3A_444 = tpu.memref_squeeze %dma_wait3A_443 : memref<1x128xi32, #tpu.memory_space<vmem>> -> memref<128xi32, #tpu.memory_space<vmem>>
    %dma_wait3A_445 = arith.constant 0 : i32
    %dma_wait3A_446 = arith.constant 0 : i32
    %dma_wait3A_447 = tpu.memref_slice %arg4[%dma_wait3A_445, %dma_wait3A_446] : memref<65536x128xf32, #tpu.memory_space<hbm>> -> memref<65536x128xf32, #tpu.memory_space<hbm>>
    tpu.wait_indirect_dma semaphore(%arg10 : memref<!tpu.dma_semaphore, #tpu.memory_space<semaphore_mem>>) src(%dma_wait3A_441 : memref<128x128xf32, #tpu.memory_space<vmem>>) dst(%dma_wait3A_447 : memref<65536x128xf32, #tpu.memory_space<hbm>>)
    %mul3A_448 = arith.constant 2048 : i32
    %mul3A_449 = arith.muli %add3A, %mul3A_448 : i32
    %add3A_450 = arith.constant 1152 : i32
    %add3A_451 = arith.addi %mul3A_449, %add3A_450 : i32
    %dma_start3A_452 = arith.constant 1 : i32
    %dma_start3A_453 = arith.constant 0 : i32
    %dma_start3A_454 = arith.constant 0 : i32
    %dma_start3A_455 = tpu.memref_slice %arg6[%dma_start3A_452, %dma_start3A_453, %dma_start3A_454] : memref<2x128x128xf32, #tpu.memory_space<vmem>> -> memref<1x128x128xf32, #tpu.memory_space<vmem>>
    %dma_start3A_456 = tpu.memref_squeeze %dma_start3A_455 : memref<1x128x128xf32, #tpu.memory_space<vmem>> -> memref<128x128xf32, #tpu.memory_space<vmem>>
    %dma_start3A_457 = arith.constant 0 : i32
    %dma_start3A_458 = tpu.memref_slice %arg2[%add3A_451, %dma_start3A_457] : memref<65536x128xf32, #tpu.memory_space<hbm>> -> memref<128x128xf32, #tpu.memory_space<hbm>>
    %dma_start3A_459 = arith.constant 0 : i32
    %dma_start3A_460 = arith.constant 0 : i32
    %dma_start3A_461 = tpu.memref_slice %arg6[%dma_start3A_452, %dma_start3A_459, %dma_start3A_460] : memref<2x128x128xf32, #tpu.memory_space<vmem>> -> memref<1x128x128xf32, #tpu.memory_space<vmem>>
    %dma_start3A_462 = tpu.memref_squeeze %dma_start3A_461 : memref<1x128x128xf32, #tpu.memory_space<vmem>> -> memref<128x128xf32, #tpu.memory_space<vmem>>
    %dma_start3A_463 = arith.constant 0 : i32
    %dma_start3A_464 = tpu.memref_slice %arg2[%add3A_451, %dma_start3A_463] : memref<65536x128xf32, #tpu.memory_space<hbm>> -> memref<128x128xf32, #tpu.memory_space<hbm>>
    tpu.enqueue_dma source(%dma_start3A_464 : memref<128x128xf32, #tpu.memory_space<hbm>>) target(%dma_start3A_462 : memref<128x128xf32, #tpu.memory_space<vmem>>) target_semaphore(%arg8 : memref<!tpu.dma_semaphore, #tpu.memory_space<semaphore_mem>>)
    %dma_wait3A_465 = arith.constant 0 : i32
    %dma_wait3A_466 = arith.constant 0 : i32
    %dma_wait3A_467 = arith.constant 0 : i32
    %dma_wait3A_468 = tpu.memref_slice %arg6[%dma_wait3A_465, %dma_wait3A_466, %dma_wait3A_467] : memref<2x128x128xf32, #tpu.memory_space<vmem>> -> memref<1x128x128xf32, #tpu.memory_space<vmem>>
    %dma_wait3A_469 = tpu.memref_squeeze %dma_wait3A_468 : memref<1x128x128xf32, #tpu.memory_space<vmem>> -> memref<128x128xf32, #tpu.memory_space<vmem>>
    %dma_wait3A_470 = arith.constant 0 : i32
    %dma_wait3A_471 = tpu.memref_slice %arg2[%add3A_397, %dma_wait3A_470] : memref<65536x128xf32, #tpu.memory_space<hbm>> -> memref<128x128xf32, #tpu.memory_space<hbm>>
    %dma_wait3A_472 = arith.constant 0 : i32
    %dma_wait3A_473 = arith.constant 0 : i32
    %dma_wait3A_474 = tpu.memref_slice %arg6[%dma_wait3A_465, %dma_wait3A_472, %dma_wait3A_473] : memref<2x128x128xf32, #tpu.memory_space<vmem>> -> memref<1x128x128xf32, #tpu.memory_space<vmem>>
    %dma_wait3A_475 = tpu.memref_squeeze %dma_wait3A_474 : memref<1x128x128xf32, #tpu.memory_space<vmem>> -> memref<128x128xf32, #tpu.memory_space<vmem>>
    %dma_wait3A_476 = arith.constant 0 : i32
    %dma_wait3A_477 = tpu.memref_slice %arg2[%add3A_397, %dma_wait3A_476] : memref<65536x128xf32, #tpu.memory_space<hbm>> -> memref<128x128xf32, #tpu.memory_space<hbm>>
    tpu.wait_dma2 semaphore(%arg7 : memref<!tpu.dma_semaphore, #tpu.memory_space<semaphore_mem>>) src(%dma_wait3A_477 : memref<128x128xf32, #tpu.memory_space<hbm>>) dst(%dma_wait3A_475 : memref<128x128xf32, #tpu.memory_space<vmem>>)
    %dma_start3A_478 = arith.constant 0 : i32
    %dma_start3A_479 = arith.constant 8 : i32
    %dma_start3A_480 = arith.constant 0 : i32
    %dma_start3A_481 = arith.constant 0 : i32
    %dma_start3A_482 = tpu.memref_slice %arg6[%dma_start3A_478, %dma_start3A_480, %dma_start3A_481] : memref<2x128x128xf32, #tpu.memory_space<vmem>> -> memref<1x128x128xf32, #tpu.memory_space<vmem>>
    %dma_start3A_483 = tpu.memref_squeeze %dma_start3A_482 : memref<1x128x128xf32, #tpu.memory_space<vmem>> -> memref<128x128xf32, #tpu.memory_space<vmem>>
    %dma_start3A_484 = arith.constant 0 : i32
    %dma_start3A_485 = tpu.memref_slice %arg5[%dma_start3A_479, %dma_start3A_484] : memref<16x128xi32, #tpu.memory_space<vmem>> -> memref<1x128xi32, #tpu.memory_space<vmem>>
    %dma_start3A_486 = tpu.memref_squeeze %dma_start3A_485 : memref<1x128xi32, #tpu.memory_space<vmem>> -> memref<128xi32, #tpu.memory_space<vmem>>
    %dma_start3A_487 = arith.constant 0 : i32
    %dma_start3A_488 = arith.constant 0 : i32
    %dma_start3A_489 = tpu.memref_slice %arg4[%dma_start3A_487, %dma_start3A_488] : memref<65536x128xf32, #tpu.memory_space<hbm>> -> memref<65536x128xf32, #tpu.memory_space<hbm>>
    tpu.enqueue_indirect_dma source(%dma_start3A_483 : memref<128x128xf32, #tpu.memory_space<vmem>>) target(%dma_start3A_489 : memref<65536x128xf32, #tpu.memory_space<hbm>>) offsets(%dma_start3A_486 : memref<128xi32, #tpu.memory_space<vmem>>) semaphore(%arg9 : memref<!tpu.dma_semaphore, #tpu.memory_space<semaphore_mem>>)
    %dma_wait3A_490 = arith.constant 0 : i32
    %dma_wait3A_491 = arith.constant 8 : i32
    %dma_wait3A_492 = arith.constant 0 : i32
    %dma_wait3A_493 = arith.constant 0 : i32
    %dma_wait3A_494 = tpu.memref_slice %arg6[%dma_wait3A_490, %dma_wait3A_492, %dma_wait3A_493] : memref<2x128x128xf32, #tpu.memory_space<vmem>> -> memref<1x128x128xf32, #tpu.memory_space<vmem>>
    %dma_wait3A_495 = tpu.memref_squeeze %dma_wait3A_494 : memref<1x128x128xf32, #tpu.memory_space<vmem>> -> memref<128x128xf32, #tpu.memory_space<vmem>>
    %dma_wait3A_496 = arith.constant 0 : i32
    %dma_wait3A_497 = tpu.memref_slice %arg5[%dma_wait3A_491, %dma_wait3A_496] : memref<16x128xi32, #tpu.memory_space<vmem>> -> memref<1x128xi32, #tpu.memory_space<vmem>>
    %dma_wait3A_498 = tpu.memref_squeeze %dma_wait3A_497 : memref<1x128xi32, #tpu.memory_space<vmem>> -> memref<128xi32, #tpu.memory_space<vmem>>
    %dma_wait3A_499 = arith.constant 0 : i32
    %dma_wait3A_500 = arith.constant 0 : i32
    %dma_wait3A_501 = tpu.memref_slice %arg4[%dma_wait3A_499, %dma_wait3A_500] : memref<65536x128xf32, #tpu.memory_space<hbm>> -> memref<65536x128xf32, #tpu.memory_space<hbm>>
    tpu.wait_indirect_dma semaphore(%arg9 : memref<!tpu.dma_semaphore, #tpu.memory_space<semaphore_mem>>) src(%dma_wait3A_495 : memref<128x128xf32, #tpu.memory_space<vmem>>) dst(%dma_wait3A_501 : memref<65536x128xf32, #tpu.memory_space<hbm>>)
    %mul3A_502 = arith.constant 2048 : i32
    %mul3A_503 = arith.muli %add3A, %mul3A_502 : i32
    %add3A_504 = arith.constant 1280 : i32
    %add3A_505 = arith.addi %mul3A_503, %add3A_504 : i32
    %dma_start3A_506 = arith.constant 0 : i32
    %dma_start3A_507 = arith.constant 0 : i32
    %dma_start3A_508 = arith.constant 0 : i32
    %dma_start3A_509 = tpu.memref_slice %arg6[%dma_start3A_506, %dma_start3A_507, %dma_start3A_508] : memref<2x128x128xf32, #tpu.memory_space<vmem>> -> memref<1x128x128xf32, #tpu.memory_space<vmem>>
    %dma_start3A_510 = tpu.memref_squeeze %dma_start3A_509 : memref<1x128x128xf32, #tpu.memory_space<vmem>> -> memref<128x128xf32, #tpu.memory_space<vmem>>
    %dma_start3A_511 = arith.constant 0 : i32
    %dma_start3A_512 = tpu.memref_slice %arg2[%add3A_505, %dma_start3A_511] : memref<65536x128xf32, #tpu.memory_space<hbm>> -> memref<128x128xf32, #tpu.memory_space<hbm>>
    %dma_start3A_513 = arith.constant 0 : i32
    %dma_start3A_514 = arith.constant 0 : i32
    %dma_start3A_515 = tpu.memref_slice %arg6[%dma_start3A_506, %dma_start3A_513, %dma_start3A_514] : memref<2x128x128xf32, #tpu.memory_space<vmem>> -> memref<1x128x128xf32, #tpu.memory_space<vmem>>
    %dma_start3A_516 = tpu.memref_squeeze %dma_start3A_515 : memref<1x128x128xf32, #tpu.memory_space<vmem>> -> memref<128x128xf32, #tpu.memory_space<vmem>>
    %dma_start3A_517 = arith.constant 0 : i32
    %dma_start3A_518 = tpu.memref_slice %arg2[%add3A_505, %dma_start3A_517] : memref<65536x128xf32, #tpu.memory_space<hbm>> -> memref<128x128xf32, #tpu.memory_space<hbm>>
    tpu.enqueue_dma source(%dma_start3A_518 : memref<128x128xf32, #tpu.memory_space<hbm>>) target(%dma_start3A_516 : memref<128x128xf32, #tpu.memory_space<vmem>>) target_semaphore(%arg7 : memref<!tpu.dma_semaphore, #tpu.memory_space<semaphore_mem>>)
    %dma_wait3A_519 = arith.constant 1 : i32
    %dma_wait3A_520 = arith.constant 0 : i32
    %dma_wait3A_521 = arith.constant 0 : i32
    %dma_wait3A_522 = tpu.memref_slice %arg6[%dma_wait3A_519, %dma_wait3A_520, %dma_wait3A_521] : memref<2x128x128xf32, #tpu.memory_space<vmem>> -> memref<1x128x128xf32, #tpu.memory_space<vmem>>
    %dma_wait3A_523 = tpu.memref_squeeze %dma_wait3A_522 : memref<1x128x128xf32, #tpu.memory_space<vmem>> -> memref<128x128xf32, #tpu.memory_space<vmem>>
    %dma_wait3A_524 = arith.constant 0 : i32
    %dma_wait3A_525 = tpu.memref_slice %arg2[%add3A_451, %dma_wait3A_524] : memref<65536x128xf32, #tpu.memory_space<hbm>> -> memref<128x128xf32, #tpu.memory_space<hbm>>
    %dma_wait3A_526 = arith.constant 0 : i32
    %dma_wait3A_527 = arith.constant 0 : i32
    %dma_wait3A_528 = tpu.memref_slice %arg6[%dma_wait3A_519, %dma_wait3A_526, %dma_wait3A_527] : memref<2x128x128xf32, #tpu.memory_space<vmem>> -> memref<1x128x128xf32, #tpu.memory_space<vmem>>
    %dma_wait3A_529 = tpu.memref_squeeze %dma_wait3A_528 : memref<1x128x128xf32, #tpu.memory_space<vmem>> -> memref<128x128xf32, #tpu.memory_space<vmem>>
    %dma_wait3A_530 = arith.constant 0 : i32
    %dma_wait3A_531 = tpu.memref_slice %arg2[%add3A_451, %dma_wait3A_530] : memref<65536x128xf32, #tpu.memory_space<hbm>> -> memref<128x128xf32, #tpu.memory_space<hbm>>
    tpu.wait_dma2 semaphore(%arg8 : memref<!tpu.dma_semaphore, #tpu.memory_space<semaphore_mem>>) src(%dma_wait3A_531 : memref<128x128xf32, #tpu.memory_space<hbm>>) dst(%dma_wait3A_529 : memref<128x128xf32, #tpu.memory_space<vmem>>)
    %dma_start3A_532 = arith.constant 1 : i32
    %dma_start3A_533 = arith.constant 9 : i32
    %dma_start3A_534 = arith.constant 0 : i32
    %dma_start3A_535 = arith.constant 0 : i32
    %dma_start3A_536 = tpu.memref_slice %arg6[%dma_start3A_532, %dma_start3A_534, %dma_start3A_535] : memref<2x128x128xf32, #tpu.memory_space<vmem>> -> memref<1x128x128xf32, #tpu.memory_space<vmem>>
    %dma_start3A_537 = tpu.memref_squeeze %dma_start3A_536 : memref<1x128x128xf32, #tpu.memory_space<vmem>> -> memref<128x128xf32, #tpu.memory_space<vmem>>
    %dma_start3A_538 = arith.constant 0 : i32
    %dma_start3A_539 = tpu.memref_slice %arg5[%dma_start3A_533, %dma_start3A_538] : memref<16x128xi32, #tpu.memory_space<vmem>> -> memref<1x128xi32, #tpu.memory_space<vmem>>
    %dma_start3A_540 = tpu.memref_squeeze %dma_start3A_539 : memref<1x128xi32, #tpu.memory_space<vmem>> -> memref<128xi32, #tpu.memory_space<vmem>>
    %dma_start3A_541 = arith.constant 0 : i32
    %dma_start3A_542 = arith.constant 0 : i32
    %dma_start3A_543 = tpu.memref_slice %arg4[%dma_start3A_541, %dma_start3A_542] : memref<65536x128xf32, #tpu.memory_space<hbm>> -> memref<65536x128xf32, #tpu.memory_space<hbm>>
    tpu.enqueue_indirect_dma source(%dma_start3A_537 : memref<128x128xf32, #tpu.memory_space<vmem>>) target(%dma_start3A_543 : memref<65536x128xf32, #tpu.memory_space<hbm>>) offsets(%dma_start3A_540 : memref<128xi32, #tpu.memory_space<vmem>>) semaphore(%arg10 : memref<!tpu.dma_semaphore, #tpu.memory_space<semaphore_mem>>)
    %dma_wait3A_544 = arith.constant 1 : i32
    %dma_wait3A_545 = arith.constant 9 : i32
    %dma_wait3A_546 = arith.constant 0 : i32
    %dma_wait3A_547 = arith.constant 0 : i32
    %dma_wait3A_548 = tpu.memref_slice %arg6[%dma_wait3A_544, %dma_wait3A_546, %dma_wait3A_547] : memref<2x128x128xf32, #tpu.memory_space<vmem>> -> memref<1x128x128xf32, #tpu.memory_space<vmem>>
    %dma_wait3A_549 = tpu.memref_squeeze %dma_wait3A_548 : memref<1x128x128xf32, #tpu.memory_space<vmem>> -> memref<128x128xf32, #tpu.memory_space<vmem>>
    %dma_wait3A_550 = arith.constant 0 : i32
    %dma_wait3A_551 = tpu.memref_slice %arg5[%dma_wait3A_545, %dma_wait3A_550] : memref<16x128xi32, #tpu.memory_space<vmem>> -> memref<1x128xi32, #tpu.memory_space<vmem>>
    %dma_wait3A_552 = tpu.memref_squeeze %dma_wait3A_551 : memref<1x128xi32, #tpu.memory_space<vmem>> -> memref<128xi32, #tpu.memory_space<vmem>>
    %dma_wait3A_553 = arith.constant 0 : i32
    %dma_wait3A_554 = arith.constant 0 : i32
    %dma_wait3A_555 = tpu.memref_slice %arg4[%dma_wait3A_553, %dma_wait3A_554] : memref<65536x128xf32, #tpu.memory_space<hbm>> -> memref<65536x128xf32, #tpu.memory_space<hbm>>
    tpu.wait_indirect_dma semaphore(%arg10 : memref<!tpu.dma_semaphore, #tpu.memory_space<semaphore_mem>>) src(%dma_wait3A_549 : memref<128x128xf32, #tpu.memory_space<vmem>>) dst(%dma_wait3A_555 : memref<65536x128xf32, #tpu.memory_space<hbm>>)
    %mul3A_556 = arith.constant 2048 : i32
    %mul3A_557 = arith.muli %add3A, %mul3A_556 : i32
    %add3A_558 = arith.constant 1408 : i32
    %add3A_559 = arith.addi %mul3A_557, %add3A_558 : i32
    %dma_start3A_560 = arith.constant 1 : i32
    %dma_start3A_561 = arith.constant 0 : i32
    %dma_start3A_562 = arith.constant 0 : i32
    %dma_start3A_563 = tpu.memref_slice %arg6[%dma_start3A_560, %dma_start3A_561, %dma_start3A_562] : memref<2x128x128xf32, #tpu.memory_space<vmem>> -> memref<1x128x128xf32, #tpu.memory_space<vmem>>
    %dma_start3A_564 = tpu.memref_squeeze %dma_start3A_563 : memref<1x128x128xf32, #tpu.memory_space<vmem>> -> memref<128x128xf32, #tpu.memory_space<vmem>>
    %dma_start3A_565 = arith.constant 0 : i32
    %dma_start3A_566 = tpu.memref_slice %arg2[%add3A_559, %dma_start3A_565] : memref<65536x128xf32, #tpu.memory_space<hbm>> -> memref<128x128xf32, #tpu.memory_space<hbm>>
    %dma_start3A_567 = arith.constant 0 : i32
    %dma_start3A_568 = arith.constant 0 : i32
    %dma_start3A_569 = tpu.memref_slice %arg6[%dma_start3A_560, %dma_start3A_567, %dma_start3A_568] : memref<2x128x128xf32, #tpu.memory_space<vmem>> -> memref<1x128x128xf32, #tpu.memory_space<vmem>>
    %dma_start3A_570 = tpu.memref_squeeze %dma_start3A_569 : memref<1x128x128xf32, #tpu.memory_space<vmem>> -> memref<128x128xf32, #tpu.memory_space<vmem>>
    %dma_start3A_571 = arith.constant 0 : i32
    %dma_start3A_572 = tpu.memref_slice %arg2[%add3A_559, %dma_start3A_571] : memref<65536x128xf32, #tpu.memory_space<hbm>> -> memref<128x128xf32, #tpu.memory_space<hbm>>
    tpu.enqueue_dma source(%dma_start3A_572 : memref<128x128xf32, #tpu.memory_space<hbm>>) target(%dma_start3A_570 : memref<128x128xf32, #tpu.memory_space<vmem>>) target_semaphore(%arg8 : memref<!tpu.dma_semaphore, #tpu.memory_space<semaphore_mem>>)
    %dma_wait3A_573 = arith.constant 0 : i32
    %dma_wait3A_574 = arith.constant 0 : i32
    %dma_wait3A_575 = arith.constant 0 : i32
    %dma_wait3A_576 = tpu.memref_slice %arg6[%dma_wait3A_573, %dma_wait3A_574, %dma_wait3A_575] : memref<2x128x128xf32, #tpu.memory_space<vmem>> -> memref<1x128x128xf32, #tpu.memory_space<vmem>>
    %dma_wait3A_577 = tpu.memref_squeeze %dma_wait3A_576 : memref<1x128x128xf32, #tpu.memory_space<vmem>> -> memref<128x128xf32, #tpu.memory_space<vmem>>
    %dma_wait3A_578 = arith.constant 0 : i32
    %dma_wait3A_579 = tpu.memref_slice %arg2[%add3A_505, %dma_wait3A_578] : memref<65536x128xf32, #tpu.memory_space<hbm>> -> memref<128x128xf32, #tpu.memory_space<hbm>>
    %dma_wait3A_580 = arith.constant 0 : i32
    %dma_wait3A_581 = arith.constant 0 : i32
    %dma_wait3A_582 = tpu.memref_slice %arg6[%dma_wait3A_573, %dma_wait3A_580, %dma_wait3A_581] : memref<2x128x128xf32, #tpu.memory_space<vmem>> -> memref<1x128x128xf32, #tpu.memory_space<vmem>>
    %dma_wait3A_583 = tpu.memref_squeeze %dma_wait3A_582 : memref<1x128x128xf32, #tpu.memory_space<vmem>> -> memref<128x128xf32, #tpu.memory_space<vmem>>
    %dma_wait3A_584 = arith.constant 0 : i32
    %dma_wait3A_585 = tpu.memref_slice %arg2[%add3A_505, %dma_wait3A_584] : memref<65536x128xf32, #tpu.memory_space<hbm>> -> memref<128x128xf32, #tpu.memory_space<hbm>>
    tpu.wait_dma2 semaphore(%arg7 : memref<!tpu.dma_semaphore, #tpu.memory_space<semaphore_mem>>) src(%dma_wait3A_585 : memref<128x128xf32, #tpu.memory_space<hbm>>) dst(%dma_wait3A_583 : memref<128x128xf32, #tpu.memory_space<vmem>>)
    %dma_start3A_586 = arith.constant 0 : i32
    %dma_start3A_587 = arith.constant 10 : i32
    %dma_start3A_588 = arith.constant 0 : i32
    %dma_start3A_589 = arith.constant 0 : i32
    %dma_start3A_590 = tpu.memref_slice %arg6[%dma_start3A_586, %dma_start3A_588, %dma_start3A_589] : memref<2x128x128xf32, #tpu.memory_space<vmem>> -> memref<1x128x128xf32, #tpu.memory_space<vmem>>
    %dma_start3A_591 = tpu.memref_squeeze %dma_start3A_590 : memref<1x128x128xf32, #tpu.memory_space<vmem>> -> memref<128x128xf32, #tpu.memory_space<vmem>>
    %dma_start3A_592 = arith.constant 0 : i32
    %dma_start3A_593 = tpu.memref_slice %arg5[%dma_start3A_587, %dma_start3A_592] : memref<16x128xi32, #tpu.memory_space<vmem>> -> memref<1x128xi32, #tpu.memory_space<vmem>>
    %dma_start3A_594 = tpu.memref_squeeze %dma_start3A_593 : memref<1x128xi32, #tpu.memory_space<vmem>> -> memref<128xi32, #tpu.memory_space<vmem>>
    %dma_start3A_595 = arith.constant 0 : i32
    %dma_start3A_596 = arith.constant 0 : i32
    %dma_start3A_597 = tpu.memref_slice %arg4[%dma_start3A_595, %dma_start3A_596] : memref<65536x128xf32, #tpu.memory_space<hbm>> -> memref<65536x128xf32, #tpu.memory_space<hbm>>
    tpu.enqueue_indirect_dma source(%dma_start3A_591 : memref<128x128xf32, #tpu.memory_space<vmem>>) target(%dma_start3A_597 : memref<65536x128xf32, #tpu.memory_space<hbm>>) offsets(%dma_start3A_594 : memref<128xi32, #tpu.memory_space<vmem>>) semaphore(%arg9 : memref<!tpu.dma_semaphore, #tpu.memory_space<semaphore_mem>>)
    %dma_wait3A_598 = arith.constant 0 : i32
    %dma_wait3A_599 = arith.constant 10 : i32
    %dma_wait3A_600 = arith.constant 0 : i32
    %dma_wait3A_601 = arith.constant 0 : i32
    %dma_wait3A_602 = tpu.memref_slice %arg6[%dma_wait3A_598, %dma_wait3A_600, %dma_wait3A_601] : memref<2x128x128xf32, #tpu.memory_space<vmem>> -> memref<1x128x128xf32, #tpu.memory_space<vmem>>
    %dma_wait3A_603 = tpu.memref_squeeze %dma_wait3A_602 : memref<1x128x128xf32, #tpu.memory_space<vmem>> -> memref<128x128xf32, #tpu.memory_space<vmem>>
    %dma_wait3A_604 = arith.constant 0 : i32
    %dma_wait3A_605 = tpu.memref_slice %arg5[%dma_wait3A_599, %dma_wait3A_604] : memref<16x128xi32, #tpu.memory_space<vmem>> -> memref<1x128xi32, #tpu.memory_space<vmem>>
    %dma_wait3A_606 = tpu.memref_squeeze %dma_wait3A_605 : memref<1x128xi32, #tpu.memory_space<vmem>> -> memref<128xi32, #tpu.memory_space<vmem>>
    %dma_wait3A_607 = arith.constant 0 : i32
    %dma_wait3A_608 = arith.constant 0 : i32
    %dma_wait3A_609 = tpu.memref_slice %arg4[%dma_wait3A_607, %dma_wait3A_608] : memref<65536x128xf32, #tpu.memory_space<hbm>> -> memref<65536x128xf32, #tpu.memory_space<hbm>>
    tpu.wait_indirect_dma semaphore(%arg9 : memref<!tpu.dma_semaphore, #tpu.memory_space<semaphore_mem>>) src(%dma_wait3A_603 : memref<128x128xf32, #tpu.memory_space<vmem>>) dst(%dma_wait3A_609 : memref<65536x128xf32, #tpu.memory_space<hbm>>)
    %mul3A_610 = arith.constant 2048 : i32
    %mul3A_611 = arith.muli %add3A, %mul3A_610 : i32
    %add3A_612 = arith.constant 1536 : i32
    %add3A_613 = arith.addi %mul3A_611, %add3A_612 : i32
    %dma_start3A_614 = arith.constant 0 : i32
    %dma_start3A_615 = arith.constant 0 : i32
    %dma_start3A_616 = arith.constant 0 : i32
    %dma_start3A_617 = tpu.memref_slice %arg6[%dma_start3A_614, %dma_start3A_615, %dma_start3A_616] : memref<2x128x128xf32, #tpu.memory_space<vmem>> -> memref<1x128x128xf32, #tpu.memory_space<vmem>>
    %dma_start3A_618 = tpu.memref_squeeze %dma_start3A_617 : memref<1x128x128xf32, #tpu.memory_space<vmem>> -> memref<128x128xf32, #tpu.memory_space<vmem>>
    %dma_start3A_619 = arith.constant 0 : i32
    %dma_start3A_620 = tpu.memref_slice %arg2[%add3A_613, %dma_start3A_619] : memref<65536x128xf32, #tpu.memory_space<hbm>> -> memref<128x128xf32, #tpu.memory_space<hbm>>
    %dma_start3A_621 = arith.constant 0 : i32
    %dma_start3A_622 = arith.constant 0 : i32
    %dma_start3A_623 = tpu.memref_slice %arg6[%dma_start3A_614, %dma_start3A_621, %dma_start3A_622] : memref<2x128x128xf32, #tpu.memory_space<vmem>> -> memref<1x128x128xf32, #tpu.memory_space<vmem>>
    %dma_start3A_624 = tpu.memref_squeeze %dma_start3A_623 : memref<1x128x128xf32, #tpu.memory_space<vmem>> -> memref<128x128xf32, #tpu.memory_space<vmem>>
    %dma_start3A_625 = arith.constant 0 : i32
    %dma_start3A_626 = tpu.memref_slice %arg2[%add3A_613, %dma_start3A_625] : memref<65536x128xf32, #tpu.memory_space<hbm>> -> memref<128x128xf32, #tpu.memory_space<hbm>>
    tpu.enqueue_dma source(%dma_start3A_626 : memref<128x128xf32, #tpu.memory_space<hbm>>) target(%dma_start3A_624 : memref<128x128xf32, #tpu.memory_space<vmem>>) target_semaphore(%arg7 : memref<!tpu.dma_semaphore, #tpu.memory_space<semaphore_mem>>)
    %dma_wait3A_627 = arith.constant 1 : i32
    %dma_wait3A_628 = arith.constant 0 : i32
    %dma_wait3A_629 = arith.constant 0 : i32
    %dma_wait3A_630 = tpu.memref_slice %arg6[%dma_wait3A_627, %dma_wait3A_628, %dma_wait3A_629] : memref<2x128x128xf32, #tpu.memory_space<vmem>> -> memref<1x128x128xf32, #tpu.memory_space<vmem>>
    %dma_wait3A_631 = tpu.memref_squeeze %dma_wait3A_630 : memref<1x128x128xf32, #tpu.memory_space<vmem>> -> memref<128x128xf32, #tpu.memory_space<vmem>>
    %dma_wait3A_632 = arith.constant 0 : i32
    %dma_wait3A_633 = tpu.memref_slice %arg2[%add3A_559, %dma_wait3A_632] : memref<65536x128xf32, #tpu.memory_space<hbm>> -> memref<128x128xf32, #tpu.memory_space<hbm>>
    %dma_wait3A_634 = arith.constant 0 : i32
    %dma_wait3A_635 = arith.constant 0 : i32
    %dma_wait3A_636 = tpu.memref_slice %arg6[%dma_wait3A_627, %dma_wait3A_634, %dma_wait3A_635] : memref<2x128x128xf32, #tpu.memory_space<vmem>> -> memref<1x128x128xf32, #tpu.memory_space<vmem>>
    %dma_wait3A_637 = tpu.memref_squeeze %dma_wait3A_636 : memref<1x128x128xf32, #tpu.memory_space<vmem>> -> memref<128x128xf32, #tpu.memory_space<vmem>>
    %dma_wait3A_638 = arith.constant 0 : i32
    %dma_wait3A_639 = tpu.memref_slice %arg2[%add3A_559, %dma_wait3A_638] : memref<65536x128xf32, #tpu.memory_space<hbm>> -> memref<128x128xf32, #tpu.memory_space<hbm>>
    tpu.wait_dma2 semaphore(%arg8 : memref<!tpu.dma_semaphore, #tpu.memory_space<semaphore_mem>>) src(%dma_wait3A_639 : memref<128x128xf32, #tpu.memory_space<hbm>>) dst(%dma_wait3A_637 : memref<128x128xf32, #tpu.memory_space<vmem>>)
    %dma_start3A_640 = arith.constant 1 : i32
    %dma_start3A_641 = arith.constant 11 : i32
    %dma_start3A_642 = arith.constant 0 : i32
    %dma_start3A_643 = arith.constant 0 : i32
    %dma_start3A_644 = tpu.memref_slice %arg6[%dma_start3A_640, %dma_start3A_642, %dma_start3A_643] : memref<2x128x128xf32, #tpu.memory_space<vmem>> -> memref<1x128x128xf32, #tpu.memory_space<vmem>>
    %dma_start3A_645 = tpu.memref_squeeze %dma_start3A_644 : memref<1x128x128xf32, #tpu.memory_space<vmem>> -> memref<128x128xf32, #tpu.memory_space<vmem>>
    %dma_start3A_646 = arith.constant 0 : i32
    %dma_start3A_647 = tpu.memref_slice %arg5[%dma_start3A_641, %dma_start3A_646] : memref<16x128xi32, #tpu.memory_space<vmem>> -> memref<1x128xi32, #tpu.memory_space<vmem>>
    %dma_start3A_648 = tpu.memref_squeeze %dma_start3A_647 : memref<1x128xi32, #tpu.memory_space<vmem>> -> memref<128xi32, #tpu.memory_space<vmem>>
    %dma_start3A_649 = arith.constant 0 : i32
    %dma_start3A_650 = arith.constant 0 : i32
    %dma_start3A_651 = tpu.memref_slice %arg4[%dma_start3A_649, %dma_start3A_650] : memref<65536x128xf32, #tpu.memory_space<hbm>> -> memref<65536x128xf32, #tpu.memory_space<hbm>>
    tpu.enqueue_indirect_dma source(%dma_start3A_645 : memref<128x128xf32, #tpu.memory_space<vmem>>) target(%dma_start3A_651 : memref<65536x128xf32, #tpu.memory_space<hbm>>) offsets(%dma_start3A_648 : memref<128xi32, #tpu.memory_space<vmem>>) semaphore(%arg10 : memref<!tpu.dma_semaphore, #tpu.memory_space<semaphore_mem>>)
    %dma_wait3A_652 = arith.constant 1 : i32
    %dma_wait3A_653 = arith.constant 11 : i32
    %dma_wait3A_654 = arith.constant 0 : i32
    %dma_wait3A_655 = arith.constant 0 : i32
    %dma_wait3A_656 = tpu.memref_slice %arg6[%dma_wait3A_652, %dma_wait3A_654, %dma_wait3A_655] : memref<2x128x128xf32, #tpu.memory_space<vmem>> -> memref<1x128x128xf32, #tpu.memory_space<vmem>>
    %dma_wait3A_657 = tpu.memref_squeeze %dma_wait3A_656 : memref<1x128x128xf32, #tpu.memory_space<vmem>> -> memref<128x128xf32, #tpu.memory_space<vmem>>
    %dma_wait3A_658 = arith.constant 0 : i32
    %dma_wait3A_659 = tpu.memref_slice %arg5[%dma_wait3A_653, %dma_wait3A_658] : memref<16x128xi32, #tpu.memory_space<vmem>> -> memref<1x128xi32, #tpu.memory_space<vmem>>
    %dma_wait3A_660 = tpu.memref_squeeze %dma_wait3A_659 : memref<1x128xi32, #tpu.memory_space<vmem>> -> memref<128xi32, #tpu.memory_space<vmem>>
    %dma_wait3A_661 = arith.constant 0 : i32
    %dma_wait3A_662 = arith.constant 0 : i32
    %dma_wait3A_663 = tpu.memref_slice %arg4[%dma_wait3A_661, %dma_wait3A_662] : memref<65536x128xf32, #tpu.memory_space<hbm>> -> memref<65536x128xf32, #tpu.memory_space<hbm>>
    tpu.wait_indirect_dma semaphore(%arg10 : memref<!tpu.dma_semaphore, #tpu.memory_space<semaphore_mem>>) src(%dma_wait3A_657 : memref<128x128xf32, #tpu.memory_space<vmem>>) dst(%dma_wait3A_663 : memref<65536x128xf32, #tpu.memory_space<hbm>>)
    %mul3A_664 = arith.constant 2048 : i32
    %mul3A_665 = arith.muli %add3A, %mul3A_664 : i32
    %add3A_666 = arith.constant 1664 : i32
    %add3A_667 = arith.addi %mul3A_665, %add3A_666 : i32
    %dma_start3A_668 = arith.constant 1 : i32
    %dma_start3A_669 = arith.constant 0 : i32
    %dma_start3A_670 = arith.constant 0 : i32
    %dma_start3A_671 = tpu.memref_slice %arg6[%dma_start3A_668, %dma_start3A_669, %dma_start3A_670] : memref<2x128x128xf32, #tpu.memory_space<vmem>> -> memref<1x128x128xf32, #tpu.memory_space<vmem>>
    %dma_start3A_672 = tpu.memref_squeeze %dma_start3A_671 : memref<1x128x128xf32, #tpu.memory_space<vmem>> -> memref<128x128xf32, #tpu.memory_space<vmem>>
    %dma_start3A_673 = arith.constant 0 : i32
    %dma_start3A_674 = tpu.memref_slice %arg2[%add3A_667, %dma_start3A_673] : memref<65536x128xf32, #tpu.memory_space<hbm>> -> memref<128x128xf32, #tpu.memory_space<hbm>>
    %dma_start3A_675 = arith.constant 0 : i32
    %dma_start3A_676 = arith.constant 0 : i32
    %dma_start3A_677 = tpu.memref_slice %arg6[%dma_start3A_668, %dma_start3A_675, %dma_start3A_676] : memref<2x128x128xf32, #tpu.memory_space<vmem>> -> memref<1x128x128xf32, #tpu.memory_space<vmem>>
    %dma_start3A_678 = tpu.memref_squeeze %dma_start3A_677 : memref<1x128x128xf32, #tpu.memory_space<vmem>> -> memref<128x128xf32, #tpu.memory_space<vmem>>
    %dma_start3A_679 = arith.constant 0 : i32
    %dma_start3A_680 = tpu.memref_slice %arg2[%add3A_667, %dma_start3A_679] : memref<65536x128xf32, #tpu.memory_space<hbm>> -> memref<128x128xf32, #tpu.memory_space<hbm>>
    tpu.enqueue_dma source(%dma_start3A_680 : memref<128x128xf32, #tpu.memory_space<hbm>>) target(%dma_start3A_678 : memref<128x128xf32, #tpu.memory_space<vmem>>) target_semaphore(%arg8 : memref<!tpu.dma_semaphore, #tpu.memory_space<semaphore_mem>>)
    %dma_wait3A_681 = arith.constant 0 : i32
    %dma_wait3A_682 = arith.constant 0 : i32
    %dma_wait3A_683 = arith.constant 0 : i32
    %dma_wait3A_684 = tpu.memref_slice %arg6[%dma_wait3A_681, %dma_wait3A_682, %dma_wait3A_683] : memref<2x128x128xf32, #tpu.memory_space<vmem>> -> memref<1x128x128xf32, #tpu.memory_space<vmem>>
    %dma_wait3A_685 = tpu.memref_squeeze %dma_wait3A_684 : memref<1x128x128xf32, #tpu.memory_space<vmem>> -> memref<128x128xf32, #tpu.memory_space<vmem>>
    %dma_wait3A_686 = arith.constant 0 : i32
    %dma_wait3A_687 = tpu.memref_slice %arg2[%add3A_613, %dma_wait3A_686] : memref<65536x128xf32, #tpu.memory_space<hbm>> -> memref<128x128xf32, #tpu.memory_space<hbm>>
    %dma_wait3A_688 = arith.constant 0 : i32
    %dma_wait3A_689 = arith.constant 0 : i32
    %dma_wait3A_690 = tpu.memref_slice %arg6[%dma_wait3A_681, %dma_wait3A_688, %dma_wait3A_689] : memref<2x128x128xf32, #tpu.memory_space<vmem>> -> memref<1x128x128xf32, #tpu.memory_space<vmem>>
    %dma_wait3A_691 = tpu.memref_squeeze %dma_wait3A_690 : memref<1x128x128xf32, #tpu.memory_space<vmem>> -> memref<128x128xf32, #tpu.memory_space<vmem>>
    %dma_wait3A_692 = arith.constant 0 : i32
    %dma_wait3A_693 = tpu.memref_slice %arg2[%add3A_613, %dma_wait3A_692] : memref<65536x128xf32, #tpu.memory_space<hbm>> -> memref<128x128xf32, #tpu.memory_space<hbm>>
    tpu.wait_dma2 semaphore(%arg7 : memref<!tpu.dma_semaphore, #tpu.memory_space<semaphore_mem>>) src(%dma_wait3A_693 : memref<128x128xf32, #tpu.memory_space<hbm>>) dst(%dma_wait3A_691 : memref<128x128xf32, #tpu.memory_space<vmem>>)
    %dma_start3A_694 = arith.constant 0 : i32
    %dma_start3A_695 = arith.constant 12 : i32
    %dma_start3A_696 = arith.constant 0 : i32
    %dma_start3A_697 = arith.constant 0 : i32
    %dma_start3A_698 = tpu.memref_slice %arg6[%dma_start3A_694, %dma_start3A_696, %dma_start3A_697] : memref<2x128x128xf32, #tpu.memory_space<vmem>> -> memref<1x128x128xf32, #tpu.memory_space<vmem>>
    %dma_start3A_699 = tpu.memref_squeeze %dma_start3A_698 : memref<1x128x128xf32, #tpu.memory_space<vmem>> -> memref<128x128xf32, #tpu.memory_space<vmem>>
    %dma_start3A_700 = arith.constant 0 : i32
    %dma_start3A_701 = tpu.memref_slice %arg5[%dma_start3A_695, %dma_start3A_700] : memref<16x128xi32, #tpu.memory_space<vmem>> -> memref<1x128xi32, #tpu.memory_space<vmem>>
    %dma_start3A_702 = tpu.memref_squeeze %dma_start3A_701 : memref<1x128xi32, #tpu.memory_space<vmem>> -> memref<128xi32, #tpu.memory_space<vmem>>
    %dma_start3A_703 = arith.constant 0 : i32
    %dma_start3A_704 = arith.constant 0 : i32
    %dma_start3A_705 = tpu.memref_slice %arg4[%dma_start3A_703, %dma_start3A_704] : memref<65536x128xf32, #tpu.memory_space<hbm>> -> memref<65536x128xf32, #tpu.memory_space<hbm>>
    tpu.enqueue_indirect_dma source(%dma_start3A_699 : memref<128x128xf32, #tpu.memory_space<vmem>>) target(%dma_start3A_705 : memref<65536x128xf32, #tpu.memory_space<hbm>>) offsets(%dma_start3A_702 : memref<128xi32, #tpu.memory_space<vmem>>) semaphore(%arg9 : memref<!tpu.dma_semaphore, #tpu.memory_space<semaphore_mem>>)
    %dma_wait3A_706 = arith.constant 0 : i32
    %dma_wait3A_707 = arith.constant 12 : i32
    %dma_wait3A_708 = arith.constant 0 : i32
    %dma_wait3A_709 = arith.constant 0 : i32
    %dma_wait3A_710 = tpu.memref_slice %arg6[%dma_wait3A_706, %dma_wait3A_708, %dma_wait3A_709] : memref<2x128x128xf32, #tpu.memory_space<vmem>> -> memref<1x128x128xf32, #tpu.memory_space<vmem>>
    %dma_wait3A_711 = tpu.memref_squeeze %dma_wait3A_710 : memref<1x128x128xf32, #tpu.memory_space<vmem>> -> memref<128x128xf32, #tpu.memory_space<vmem>>
    %dma_wait3A_712 = arith.constant 0 : i32
    %dma_wait3A_713 = tpu.memref_slice %arg5[%dma_wait3A_707, %dma_wait3A_712] : memref<16x128xi32, #tpu.memory_space<vmem>> -> memref<1x128xi32, #tpu.memory_space<vmem>>
    %dma_wait3A_714 = tpu.memref_squeeze %dma_wait3A_713 : memref<1x128xi32, #tpu.memory_space<vmem>> -> memref<128xi32, #tpu.memory_space<vmem>>
    %dma_wait3A_715 = arith.constant 0 : i32
    %dma_wait3A_716 = arith.constant 0 : i32
    %dma_wait3A_717 = tpu.memref_slice %arg4[%dma_wait3A_715, %dma_wait3A_716] : memref<65536x128xf32, #tpu.memory_space<hbm>> -> memref<65536x128xf32, #tpu.memory_space<hbm>>
    tpu.wait_indirect_dma semaphore(%arg9 : memref<!tpu.dma_semaphore, #tpu.memory_space<semaphore_mem>>) src(%dma_wait3A_711 : memref<128x128xf32, #tpu.memory_space<vmem>>) dst(%dma_wait3A_717 : memref<65536x128xf32, #tpu.memory_space<hbm>>)
    %mul3A_718 = arith.constant 2048 : i32
    %mul3A_719 = arith.muli %add3A, %mul3A_718 : i32
    %add3A_720 = arith.constant 1792 : i32
    %add3A_721 = arith.addi %mul3A_719, %add3A_720 : i32
    %dma_start3A_722 = arith.constant 0 : i32
    %dma_start3A_723 = arith.constant 0 : i32
    %dma_start3A_724 = arith.constant 0 : i32
    %dma_start3A_725 = tpu.memref_slice %arg6[%dma_start3A_722, %dma_start3A_723, %dma_start3A_724] : memref<2x128x128xf32, #tpu.memory_space<vmem>> -> memref<1x128x128xf32, #tpu.memory_space<vmem>>
    %dma_start3A_726 = tpu.memref_squeeze %dma_start3A_725 : memref<1x128x128xf32, #tpu.memory_space<vmem>> -> memref<128x128xf32, #tpu.memory_space<vmem>>
    %dma_start3A_727 = arith.constant 0 : i32
    %dma_start3A_728 = tpu.memref_slice %arg2[%add3A_721, %dma_start3A_727] : memref<65536x128xf32, #tpu.memory_space<hbm>> -> memref<128x128xf32, #tpu.memory_space<hbm>>
    %dma_start3A_729 = arith.constant 0 : i32
    %dma_start3A_730 = arith.constant 0 : i32
    %dma_start3A_731 = tpu.memref_slice %arg6[%dma_start3A_722, %dma_start3A_729, %dma_start3A_730] : memref<2x128x128xf32, #tpu.memory_space<vmem>> -> memref<1x128x128xf32, #tpu.memory_space<vmem>>
    %dma_start3A_732 = tpu.memref_squeeze %dma_start3A_731 : memref<1x128x128xf32, #tpu.memory_space<vmem>> -> memref<128x128xf32, #tpu.memory_space<vmem>>
    %dma_start3A_733 = arith.constant 0 : i32
    %dma_start3A_734 = tpu.memref_slice %arg2[%add3A_721, %dma_start3A_733] : memref<65536x128xf32, #tpu.memory_space<hbm>> -> memref<128x128xf32, #tpu.memory_space<hbm>>
    tpu.enqueue_dma source(%dma_start3A_734 : memref<128x128xf32, #tpu.memory_space<hbm>>) target(%dma_start3A_732 : memref<128x128xf32, #tpu.memory_space<vmem>>) target_semaphore(%arg7 : memref<!tpu.dma_semaphore, #tpu.memory_space<semaphore_mem>>)
    %dma_wait3A_735 = arith.constant 1 : i32
    %dma_wait3A_736 = arith.constant 0 : i32
    %dma_wait3A_737 = arith.constant 0 : i32
    %dma_wait3A_738 = tpu.memref_slice %arg6[%dma_wait3A_735, %dma_wait3A_736, %dma_wait3A_737] : memref<2x128x128xf32, #tpu.memory_space<vmem>> -> memref<1x128x128xf32, #tpu.memory_space<vmem>>
    %dma_wait3A_739 = tpu.memref_squeeze %dma_wait3A_738 : memref<1x128x128xf32, #tpu.memory_space<vmem>> -> memref<128x128xf32, #tpu.memory_space<vmem>>
    %dma_wait3A_740 = arith.constant 0 : i32
    %dma_wait3A_741 = tpu.memref_slice %arg2[%add3A_667, %dma_wait3A_740] : memref<65536x128xf32, #tpu.memory_space<hbm>> -> memref<128x128xf32, #tpu.memory_space<hbm>>
    %dma_wait3A_742 = arith.constant 0 : i32
    %dma_wait3A_743 = arith.constant 0 : i32
    %dma_wait3A_744 = tpu.memref_slice %arg6[%dma_wait3A_735, %dma_wait3A_742, %dma_wait3A_743] : memref<2x128x128xf32, #tpu.memory_space<vmem>> -> memref<1x128x128xf32, #tpu.memory_space<vmem>>
    %dma_wait3A_745 = tpu.memref_squeeze %dma_wait3A_744 : memref<1x128x128xf32, #tpu.memory_space<vmem>> -> memref<128x128xf32, #tpu.memory_space<vmem>>
    %dma_wait3A_746 = arith.constant 0 : i32
    %dma_wait3A_747 = tpu.memref_slice %arg2[%add3A_667, %dma_wait3A_746] : memref<65536x128xf32, #tpu.memory_space<hbm>> -> memref<128x128xf32, #tpu.memory_space<hbm>>
    tpu.wait_dma2 semaphore(%arg8 : memref<!tpu.dma_semaphore, #tpu.memory_space<semaphore_mem>>) src(%dma_wait3A_747 : memref<128x128xf32, #tpu.memory_space<hbm>>) dst(%dma_wait3A_745 : memref<128x128xf32, #tpu.memory_space<vmem>>)
    %dma_start3A_748 = arith.constant 1 : i32
    %dma_start3A_749 = arith.constant 13 : i32
    %dma_start3A_750 = arith.constant 0 : i32
    %dma_start3A_751 = arith.constant 0 : i32
    %dma_start3A_752 = tpu.memref_slice %arg6[%dma_start3A_748, %dma_start3A_750, %dma_start3A_751] : memref<2x128x128xf32, #tpu.memory_space<vmem>> -> memref<1x128x128xf32, #tpu.memory_space<vmem>>
    %dma_start3A_753 = tpu.memref_squeeze %dma_start3A_752 : memref<1x128x128xf32, #tpu.memory_space<vmem>> -> memref<128x128xf32, #tpu.memory_space<vmem>>
    %dma_start3A_754 = arith.constant 0 : i32
    %dma_start3A_755 = tpu.memref_slice %arg5[%dma_start3A_749, %dma_start3A_754] : memref<16x128xi32, #tpu.memory_space<vmem>> -> memref<1x128xi32, #tpu.memory_space<vmem>>
    %dma_start3A_756 = tpu.memref_squeeze %dma_start3A_755 : memref<1x128xi32, #tpu.memory_space<vmem>> -> memref<128xi32, #tpu.memory_space<vmem>>
    %dma_start3A_757 = arith.constant 0 : i32
    %dma_start3A_758 = arith.constant 0 : i32
    %dma_start3A_759 = tpu.memref_slice %arg4[%dma_start3A_757, %dma_start3A_758] : memref<65536x128xf32, #tpu.memory_space<hbm>> -> memref<65536x128xf32, #tpu.memory_space<hbm>>
    tpu.enqueue_indirect_dma source(%dma_start3A_753 : memref<128x128xf32, #tpu.memory_space<vmem>>) target(%dma_start3A_759 : memref<65536x128xf32, #tpu.memory_space<hbm>>) offsets(%dma_start3A_756 : memref<128xi32, #tpu.memory_space<vmem>>) semaphore(%arg10 : memref<!tpu.dma_semaphore, #tpu.memory_space<semaphore_mem>>)
    %dma_wait3A_760 = arith.constant 1 : i32
    %dma_wait3A_761 = arith.constant 13 : i32
    %dma_wait3A_762 = arith.constant 0 : i32
    %dma_wait3A_763 = arith.constant 0 : i32
    %dma_wait3A_764 = tpu.memref_slice %arg6[%dma_wait3A_760, %dma_wait3A_762, %dma_wait3A_763] : memref<2x128x128xf32, #tpu.memory_space<vmem>> -> memref<1x128x128xf32, #tpu.memory_space<vmem>>
    %dma_wait3A_765 = tpu.memref_squeeze %dma_wait3A_764 : memref<1x128x128xf32, #tpu.memory_space<vmem>> -> memref<128x128xf32, #tpu.memory_space<vmem>>
    %dma_wait3A_766 = arith.constant 0 : i32
    %dma_wait3A_767 = tpu.memref_slice %arg5[%dma_wait3A_761, %dma_wait3A_766] : memref<16x128xi32, #tpu.memory_space<vmem>> -> memref<1x128xi32, #tpu.memory_space<vmem>>
    %dma_wait3A_768 = tpu.memref_squeeze %dma_wait3A_767 : memref<1x128xi32, #tpu.memory_space<vmem>> -> memref<128xi32, #tpu.memory_space<vmem>>
    %dma_wait3A_769 = arith.constant 0 : i32
    %dma_wait3A_770 = arith.constant 0 : i32
    %dma_wait3A_771 = tpu.memref_slice %arg4[%dma_wait3A_769, %dma_wait3A_770] : memref<65536x128xf32, #tpu.memory_space<hbm>> -> memref<65536x128xf32, #tpu.memory_space<hbm>>
    tpu.wait_indirect_dma semaphore(%arg10 : memref<!tpu.dma_semaphore, #tpu.memory_space<semaphore_mem>>) src(%dma_wait3A_765 : memref<128x128xf32, #tpu.memory_space<vmem>>) dst(%dma_wait3A_771 : memref<65536x128xf32, #tpu.memory_space<hbm>>)
    %mul3A_772 = arith.constant 2048 : i32
    %mul3A_773 = arith.muli %add3A, %mul3A_772 : i32
    %add3A_774 = arith.constant 1920 : i32
    %add3A_775 = arith.addi %mul3A_773, %add3A_774 : i32
    %dma_start3A_776 = arith.constant 1 : i32
    %dma_start3A_777 = arith.constant 0 : i32
    %dma_start3A_778 = arith.constant 0 : i32
    %dma_start3A_779 = tpu.memref_slice %arg6[%dma_start3A_776, %dma_start3A_777, %dma_start3A_778] : memref<2x128x128xf32, #tpu.memory_space<vmem>> -> memref<1x128x128xf32, #tpu.memory_space<vmem>>
    %dma_start3A_780 = tpu.memref_squeeze %dma_start3A_779 : memref<1x128x128xf32, #tpu.memory_space<vmem>> -> memref<128x128xf32, #tpu.memory_space<vmem>>
    %dma_start3A_781 = arith.constant 0 : i32
    %dma_start3A_782 = tpu.memref_slice %arg2[%add3A_775, %dma_start3A_781] : memref<65536x128xf32, #tpu.memory_space<hbm>> -> memref<128x128xf32, #tpu.memory_space<hbm>>
    %dma_start3A_783 = arith.constant 0 : i32
    %dma_start3A_784 = arith.constant 0 : i32
    %dma_start3A_785 = tpu.memref_slice %arg6[%dma_start3A_776, %dma_start3A_783, %dma_start3A_784] : memref<2x128x128xf32, #tpu.memory_space<vmem>> -> memref<1x128x128xf32, #tpu.memory_space<vmem>>
    %dma_start3A_786 = tpu.memref_squeeze %dma_start3A_785 : memref<1x128x128xf32, #tpu.memory_space<vmem>> -> memref<128x128xf32, #tpu.memory_space<vmem>>
    %dma_start3A_787 = arith.constant 0 : i32
    %dma_start3A_788 = tpu.memref_slice %arg2[%add3A_775, %dma_start3A_787] : memref<65536x128xf32, #tpu.memory_space<hbm>> -> memref<128x128xf32, #tpu.memory_space<hbm>>
    tpu.enqueue_dma source(%dma_start3A_788 : memref<128x128xf32, #tpu.memory_space<hbm>>) target(%dma_start3A_786 : memref<128x128xf32, #tpu.memory_space<vmem>>) target_semaphore(%arg8 : memref<!tpu.dma_semaphore, #tpu.memory_space<semaphore_mem>>)
    %dma_wait3A_789 = arith.constant 0 : i32
    %dma_wait3A_790 = arith.constant 0 : i32
    %dma_wait3A_791 = arith.constant 0 : i32
    %dma_wait3A_792 = tpu.memref_slice %arg6[%dma_wait3A_789, %dma_wait3A_790, %dma_wait3A_791] : memref<2x128x128xf32, #tpu.memory_space<vmem>> -> memref<1x128x128xf32, #tpu.memory_space<vmem>>
    %dma_wait3A_793 = tpu.memref_squeeze %dma_wait3A_792 : memref<1x128x128xf32, #tpu.memory_space<vmem>> -> memref<128x128xf32, #tpu.memory_space<vmem>>
    %dma_wait3A_794 = arith.constant 0 : i32
    %dma_wait3A_795 = tpu.memref_slice %arg2[%add3A_721, %dma_wait3A_794] : memref<65536x128xf32, #tpu.memory_space<hbm>> -> memref<128x128xf32, #tpu.memory_space<hbm>>
    %dma_wait3A_796 = arith.constant 0 : i32
    %dma_wait3A_797 = arith.constant 0 : i32
    %dma_wait3A_798 = tpu.memref_slice %arg6[%dma_wait3A_789, %dma_wait3A_796, %dma_wait3A_797] : memref<2x128x128xf32, #tpu.memory_space<vmem>> -> memref<1x128x128xf32, #tpu.memory_space<vmem>>
    %dma_wait3A_799 = tpu.memref_squeeze %dma_wait3A_798 : memref<1x128x128xf32, #tpu.memory_space<vmem>> -> memref<128x128xf32, #tpu.memory_space<vmem>>
    %dma_wait3A_800 = arith.constant 0 : i32
    %dma_wait3A_801 = tpu.memref_slice %arg2[%add3A_721, %dma_wait3A_800] : memref<65536x128xf32, #tpu.memory_space<hbm>> -> memref<128x128xf32, #tpu.memory_space<hbm>>
    tpu.wait_dma2 semaphore(%arg7 : memref<!tpu.dma_semaphore, #tpu.memory_space<semaphore_mem>>) src(%dma_wait3A_801 : memref<128x128xf32, #tpu.memory_space<hbm>>) dst(%dma_wait3A_799 : memref<128x128xf32, #tpu.memory_space<vmem>>)
    %dma_start3A_802 = arith.constant 0 : i32
    %dma_start3A_803 = arith.constant 14 : i32
    %dma_start3A_804 = arith.constant 0 : i32
    %dma_start3A_805 = arith.constant 0 : i32
    %dma_start3A_806 = tpu.memref_slice %arg6[%dma_start3A_802, %dma_start3A_804, %dma_start3A_805] : memref<2x128x128xf32, #tpu.memory_space<vmem>> -> memref<1x128x128xf32, #tpu.memory_space<vmem>>
    %dma_start3A_807 = tpu.memref_squeeze %dma_start3A_806 : memref<1x128x128xf32, #tpu.memory_space<vmem>> -> memref<128x128xf32, #tpu.memory_space<vmem>>
    %dma_start3A_808 = arith.constant 0 : i32
    %dma_start3A_809 = tpu.memref_slice %arg5[%dma_start3A_803, %dma_start3A_808] : memref<16x128xi32, #tpu.memory_space<vmem>> -> memref<1x128xi32, #tpu.memory_space<vmem>>
    %dma_start3A_810 = tpu.memref_squeeze %dma_start3A_809 : memref<1x128xi32, #tpu.memory_space<vmem>> -> memref<128xi32, #tpu.memory_space<vmem>>
    %dma_start3A_811 = arith.constant 0 : i32
    %dma_start3A_812 = arith.constant 0 : i32
    %dma_start3A_813 = tpu.memref_slice %arg4[%dma_start3A_811, %dma_start3A_812] : memref<65536x128xf32, #tpu.memory_space<hbm>> -> memref<65536x128xf32, #tpu.memory_space<hbm>>
    tpu.enqueue_indirect_dma source(%dma_start3A_807 : memref<128x128xf32, #tpu.memory_space<vmem>>) target(%dma_start3A_813 : memref<65536x128xf32, #tpu.memory_space<hbm>>) offsets(%dma_start3A_810 : memref<128xi32, #tpu.memory_space<vmem>>) semaphore(%arg9 : memref<!tpu.dma_semaphore, #tpu.memory_space<semaphore_mem>>)
    %dma_wait3A_814 = arith.constant 1 : i32
    %dma_wait3A_815 = arith.constant 0 : i32
    %dma_wait3A_816 = arith.constant 0 : i32
    %dma_wait3A_817 = tpu.memref_slice %arg6[%dma_wait3A_814, %dma_wait3A_815, %dma_wait3A_816] : memref<2x128x128xf32, #tpu.memory_space<vmem>> -> memref<1x128x128xf32, #tpu.memory_space<vmem>>
    %dma_wait3A_818 = tpu.memref_squeeze %dma_wait3A_817 : memref<1x128x128xf32, #tpu.memory_space<vmem>> -> memref<128x128xf32, #tpu.memory_space<vmem>>
    %dma_wait3A_819 = arith.constant 0 : i32
    %dma_wait3A_820 = tpu.memref_slice %arg2[%add3A_775, %dma_wait3A_819] : memref<65536x128xf32, #tpu.memory_space<hbm>> -> memref<128x128xf32, #tpu.memory_space<hbm>>
    %dma_wait3A_821 = arith.constant 0 : i32
    %dma_wait3A_822 = arith.constant 0 : i32
    %dma_wait3A_823 = tpu.memref_slice %arg6[%dma_wait3A_814, %dma_wait3A_821, %dma_wait3A_822] : memref<2x128x128xf32, #tpu.memory_space<vmem>> -> memref<1x128x128xf32, #tpu.memory_space<vmem>>
    %dma_wait3A_824 = tpu.memref_squeeze %dma_wait3A_823 : memref<1x128x128xf32, #tpu.memory_space<vmem>> -> memref<128x128xf32, #tpu.memory_space<vmem>>
    %dma_wait3A_825 = arith.constant 0 : i32
    %dma_wait3A_826 = tpu.memref_slice %arg2[%add3A_775, %dma_wait3A_825] : memref<65536x128xf32, #tpu.memory_space<hbm>> -> memref<128x128xf32, #tpu.memory_space<hbm>>
    tpu.wait_dma2 semaphore(%arg8 : memref<!tpu.dma_semaphore, #tpu.memory_space<semaphore_mem>>) src(%dma_wait3A_826 : memref<128x128xf32, #tpu.memory_space<hbm>>) dst(%dma_wait3A_824 : memref<128x128xf32, #tpu.memory_space<vmem>>)
    %dma_start3A_827 = arith.constant 1 : i32
    %dma_start3A_828 = arith.constant 15 : i32
    %dma_start3A_829 = arith.constant 0 : i32
    %dma_start3A_830 = arith.constant 0 : i32
    %dma_start3A_831 = tpu.memref_slice %arg6[%dma_start3A_827, %dma_start3A_829, %dma_start3A_830] : memref<2x128x128xf32, #tpu.memory_space<vmem>> -> memref<1x128x128xf32, #tpu.memory_space<vmem>>
    %dma_start3A_832 = tpu.memref_squeeze %dma_start3A_831 : memref<1x128x128xf32, #tpu.memory_space<vmem>> -> memref<128x128xf32, #tpu.memory_space<vmem>>
    %dma_start3A_833 = arith.constant 0 : i32
    %dma_start3A_834 = tpu.memref_slice %arg5[%dma_start3A_828, %dma_start3A_833] : memref<16x128xi32, #tpu.memory_space<vmem>> -> memref<1x128xi32, #tpu.memory_space<vmem>>
    %dma_start3A_835 = tpu.memref_squeeze %dma_start3A_834 : memref<1x128xi32, #tpu.memory_space<vmem>> -> memref<128xi32, #tpu.memory_space<vmem>>
    %dma_start3A_836 = arith.constant 0 : i32
    %dma_start3A_837 = arith.constant 0 : i32
    %dma_start3A_838 = tpu.memref_slice %arg4[%dma_start3A_836, %dma_start3A_837] : memref<65536x128xf32, #tpu.memory_space<hbm>> -> memref<65536x128xf32, #tpu.memory_space<hbm>>
    tpu.enqueue_indirect_dma source(%dma_start3A_832 : memref<128x128xf32, #tpu.memory_space<vmem>>) target(%dma_start3A_838 : memref<65536x128xf32, #tpu.memory_space<hbm>>) offsets(%dma_start3A_835 : memref<128xi32, #tpu.memory_space<vmem>>) semaphore(%arg10 : memref<!tpu.dma_semaphore, #tpu.memory_space<semaphore_mem>>)
    %dma_wait3A_839 = arith.constant 0 : i32
    %dma_wait3A_840 = arith.constant 14 : i32
    %dma_wait3A_841 = arith.constant 0 : i32
    %dma_wait3A_842 = arith.constant 0 : i32
    %dma_wait3A_843 = tpu.memref_slice %arg6[%dma_wait3A_839, %dma_wait3A_841, %dma_wait3A_842] : memref<2x128x128xf32, #tpu.memory_space<vmem>> -> memref<1x128x128xf32, #tpu.memory_space<vmem>>
    %dma_wait3A_844 = tpu.memref_squeeze %dma_wait3A_843 : memref<1x128x128xf32, #tpu.memory_space<vmem>> -> memref<128x128xf32, #tpu.memory_space<vmem>>
    %dma_wait3A_845 = arith.constant 0 : i32
    %dma_wait3A_846 = tpu.memref_slice %arg5[%dma_wait3A_840, %dma_wait3A_845] : memref<16x128xi32, #tpu.memory_space<vmem>> -> memref<1x128xi32, #tpu.memory_space<vmem>>
    %dma_wait3A_847 = tpu.memref_squeeze %dma_wait3A_846 : memref<1x128xi32, #tpu.memory_space<vmem>> -> memref<128xi32, #tpu.memory_space<vmem>>
    %dma_wait3A_848 = arith.constant 0 : i32
    %dma_wait3A_849 = arith.constant 0 : i32
    %dma_wait3A_850 = tpu.memref_slice %arg4[%dma_wait3A_848, %dma_wait3A_849] : memref<65536x128xf32, #tpu.memory_space<hbm>> -> memref<65536x128xf32, #tpu.memory_space<hbm>>
    tpu.wait_indirect_dma semaphore(%arg9 : memref<!tpu.dma_semaphore, #tpu.memory_space<semaphore_mem>>) src(%dma_wait3A_844 : memref<128x128xf32, #tpu.memory_space<vmem>>) dst(%dma_wait3A_850 : memref<65536x128xf32, #tpu.memory_space<hbm>>)
    %dma_wait3A_851 = arith.constant 1 : i32
    %dma_wait3A_852 = arith.constant 15 : i32
    %dma_wait3A_853 = arith.constant 0 : i32
    %dma_wait3A_854 = arith.constant 0 : i32
    %dma_wait3A_855 = tpu.memref_slice %arg6[%dma_wait3A_851, %dma_wait3A_853, %dma_wait3A_854] : memref<2x128x128xf32, #tpu.memory_space<vmem>> -> memref<1x128x128xf32, #tpu.memory_space<vmem>>
    %dma_wait3A_856 = tpu.memref_squeeze %dma_wait3A_855 : memref<1x128x128xf32, #tpu.memory_space<vmem>> -> memref<128x128xf32, #tpu.memory_space<vmem>>
    %dma_wait3A_857 = arith.constant 0 : i32
    %dma_wait3A_858 = tpu.memref_slice %arg5[%dma_wait3A_852, %dma_wait3A_857] : memref<16x128xi32, #tpu.memory_space<vmem>> -> memref<1x128xi32, #tpu.memory_space<vmem>>
    %dma_wait3A_859 = tpu.memref_squeeze %dma_wait3A_858 : memref<1x128xi32, #tpu.memory_space<vmem>> -> memref<128xi32, #tpu.memory_space<vmem>>
    %dma_wait3A_860 = arith.constant 0 : i32
    %dma_wait3A_861 = arith.constant 0 : i32
    %dma_wait3A_862 = tpu.memref_slice %arg4[%dma_wait3A_860, %dma_wait3A_861] : memref<65536x128xf32, #tpu.memory_space<hbm>> -> memref<65536x128xf32, #tpu.memory_space<hbm>>
    tpu.wait_indirect_dma semaphore(%arg10 : memref<!tpu.dma_semaphore, #tpu.memory_space<semaphore_mem>>) src(%dma_wait3A_856 : memref<128x128xf32, #tpu.memory_space<vmem>>) dst(%dma_wait3A_862 : memref<65536x128xf32, #tpu.memory_space<hbm>>)
    return
  }
}

module attributes {stable_mosaic.version = 14 : i64} {
  func.func @_encode_u_kernel(%arg0: i32, %arg1: memref<1x1024x128xf32, #tpu.memory_space<vmem>>, %arg2: memref<128x128xf32, #tpu.memory_space<vmem>>, %arg3: memref<1x128xf32, #tpu.memory_space<vmem>>, %arg4: memref<128x128xf32, #tpu.memory_space<vmem>>, %arg5: memref<1x128xf32, #tpu.memory_space<vmem>>, %arg6: memref<128x128xf32, #tpu.memory_space<vmem>>, %arg7: memref<1x128xf32, #tpu.memory_space<vmem>>, %arg8: memref<1x128x128xf32, #tpu.memory_space<vmem>>, %arg9: memref<1x1024x128xf32, #tpu.memory_space<vmem>>) attributes {dimension_semantics = [#tpu.dimension_semantics<arbitrary>], iteration_bounds = array<i64: 32>, scalar_prefetch = 0 : i64, scratch_operands = 0 : i64, tpu.core_type = #tpu.core_type<tc>, window_params = [{transform_indices = @transform_0, window_bounds = array<i64: 1, 1024, 128>}, {pipeline_mode = #tpu.pipeline_mode<synchronous>, transform_indices = @transform_1, window_bounds = array<i64: 128, 128>}, {pipeline_mode = #tpu.pipeline_mode<synchronous>, transform_indices = @transform_2, window_bounds = array<i64: 1, 128>}, {pipeline_mode = #tpu.pipeline_mode<synchronous>, transform_indices = @transform_3, window_bounds = array<i64: 128, 128>}, {pipeline_mode = #tpu.pipeline_mode<synchronous>, transform_indices = @transform_4, window_bounds = array<i64: 1, 128>}, {pipeline_mode = #tpu.pipeline_mode<synchronous>, transform_indices = @transform_5, window_bounds = array<i64: 128, 128>}, {pipeline_mode = #tpu.pipeline_mode<synchronous>, transform_indices = @transform_6, window_bounds = array<i64: 1, 128>}, {transform_indices = @transform_7, window_bounds = array<i64: 1, 128, 128>}, {transform_indices = @transform_8, window_bounds = array<i64: 1, 1024, 128>}]} {
    %get3A = arith.constant 0 : index
    %get3A_0 = arith.constant 0 : index
    %get3A_1 = arith.constant 0 : index
    %get3A_2 = vector.load %arg1[%get3A, %get3A_0, %get3A_1] : memref<1x1024x128xf32, #tpu.memory_space<vmem>>, vector<1x1024x128xf32>
    %get3A_3 = vector.shape_cast %get3A_2 : vector<1x1024x128xf32> to vector<1024x128xf32>
    %get3A_4 = arith.constant 0 : index
    %get3A_5 = arith.constant 0 : index
    %get3A_6 = vector.load %arg2[%get3A_4, %get3A_5] : memref<128x128xf32, #tpu.memory_space<vmem>>, vector<128x128xf32>
    %dot_general3A = arith.constant dense<0.000000e+00> : vector<1024x128xf32>
    %dot_general3A_7 = tpu.matmul %get3A_3, %get3A_6, %dot_general3A {dimension_numbers = #tpu.dot_dimension_numbers<[1], [0], [0], [1], [0, 0, 1, 1], [], []>, transpose_lhs_hint = false} : vector<1024x128xf32>, vector<128x128xf32>, vector<1024x128xf32> -> vector<1024x128xf32>
    %get3A_8 = arith.constant 0 : index
    %get3A_9 = arith.constant 0 : index
    %get3A_10 = vector.load %arg3[%get3A_8, %get3A_9] : memref<1x128xf32, #tpu.memory_space<vmem>>, vector<1x128xf32>
    %add3A = vector.broadcast %get3A_10 : vector<1x128xf32> to vector<1024x128xf32>
    %add3A_11 = arith.addf %dot_general3A_7, %add3A : vector<1024x128xf32>
    %mul3A = arith.constant 5.000000e-01 : f32
    %mul3A_12 = vector.broadcast %mul3A : f32 to vector<1024x128xf32>
    %mul3A_13 = arith.mulf %add3A_11, %mul3A_12 : vector<1024x128xf32>
    %div3A = arith.constant 1.41421354 : f32
    %div3A_14 = vector.broadcast %div3A : f32 to vector<1024x128xf32>
    %div3A_15 = arith.divf %add3A_11, %div3A_14 : vector<1024x128xf32>
    %erf3A = math.erf %div3A_15 : vector<1024x128xf32>
    %add3A_16 = arith.constant 1.000000e+00 : f32
    %add3A_17 = vector.broadcast %add3A_16 : f32 to vector<1024x128xf32>
    %add3A_18 = arith.addf %add3A_17, %erf3A : vector<1024x128xf32>
    %mul3A_19 = arith.mulf %mul3A_13, %add3A_18 : vector<1024x128xf32>
    %dot_general3A_20 = arith.constant dense<0.000000e+00> : vector<128x128xf32>
    %dot_general3A_21 = tpu.matmul %get3A_3, %get3A_3, %dot_general3A_20 {dimension_numbers = #tpu.dot_dimension_numbers<[0], [0], [1], [1], [0, 1, 1, 1], [], []>, transpose_lhs_hint = false} : vector<1024x128xf32>, vector<1024x128xf32>, vector<128x128xf32> -> vector<128x128xf32>
    %div3A_22 = arith.constant 1.024000e+03 : f32
    %div3A_23 = vector.broadcast %div3A_22 : f32 to vector<128x128xf32>
    %div3A_24 = arith.divf %dot_general3A_21, %div3A_23 : vector<128x128xf32>
    %reduce_max3A = arith.constant dense<0xFF800000> : vector<128xf32>
    %reduce_max3A_25 = vector.multi_reduction <maximumf>, %div3A_24, %reduce_max3A [1] : vector<128x128xf32> to vector<128xf32>
    %broadcast_in_dim3A = vector.shape_cast %reduce_max3A_25 : vector<128xf32> to vector<128x1xf32>
    %sub3A = vector.broadcast %broadcast_in_dim3A : vector<128x1xf32> to vector<128x128xf32>
    %sub3A_26 = arith.subf %div3A_24, %sub3A : vector<128x128xf32>
    %exp3A = math.exp %sub3A_26 : vector<128x128xf32>
    %reduce_sum3A = arith.constant dense<0.000000e+00> : vector<128xf32>
    %reduce_sum3A_27 = vector.multi_reduction <add>, %exp3A, %reduce_sum3A [1] : vector<128x128xf32> to vector<128xf32>
    %broadcast_in_dim3A_28 = vector.shape_cast %reduce_sum3A_27 : vector<128xf32> to vector<128x1xf32>
    %div3A_29 = vector.broadcast %broadcast_in_dim3A_28 : vector<128x1xf32> to vector<128x128xf32>
    %div3A_30 = arith.divf %exp3A, %div3A_29 : vector<128x128xf32>
    %swap3A = arith.constant 0 : index
    %swap3A_31 = arith.constant 0 : index
    %swap3A_32 = arith.constant 0 : index
    %swap3A_33 = vector.load %arg8[%swap3A, %swap3A_31, %swap3A_32] : memref<1x128x128xf32, #tpu.memory_space<vmem>>, vector<1x128x128xf32>
    %swap3A_34 = vector.shape_cast %swap3A_33 : vector<1x128x128xf32> to vector<128x128xf32>
    %swap3A_35 = vector.shape_cast %div3A_30 : vector<128x128xf32> to vector<1x128x128xf32>
    tpu.vector_store %arg8[%swap3A, %swap3A_31, %swap3A_32], %swap3A_35 {strides = array<i32>} : memref<1x128x128xf32, #tpu.memory_space<vmem>>, vector<1x128x128xf32>,
    %get3A_36 = arith.constant 0 : index
    %get3A_37 = arith.constant 0 : index
    %get3A_38 = vector.load %arg4[%get3A_36, %get3A_37] : memref<128x128xf32, #tpu.memory_space<vmem>>, vector<128x128xf32>
    %dot_general3A_39 = arith.constant dense<0.000000e+00> : vector<1024x128xf32>
    %dot_general3A_40 = tpu.matmul %mul3A_19, %get3A_38, %dot_general3A_39 {dimension_numbers = #tpu.dot_dimension_numbers<[1], [0], [0], [1], [0, 0, 1, 1], [], []>, transpose_lhs_hint = false} : vector<1024x128xf32>, vector<128x128xf32>, vector<1024x128xf32> -> vector<1024x128xf32>
    %get3A_41 = arith.constant 0 : index
    %get3A_42 = arith.constant 0 : index
    %get3A_43 = vector.load %arg5[%get3A_41, %get3A_42] : memref<1x128xf32, #tpu.memory_space<vmem>>, vector<1x128xf32>
    %add3A_44 = vector.broadcast %get3A_43 : vector<1x128xf32> to vector<1024x128xf32>
    %add3A_45 = arith.addf %dot_general3A_40, %add3A_44 : vector<1024x128xf32>
    %mul3A_46 = arith.constant 5.000000e-01 : f32
    %mul3A_47 = vector.broadcast %mul3A_46 : f32 to vector<1024x128xf32>
    %mul3A_48 = arith.mulf %add3A_45, %mul3A_47 : vector<1024x128xf32>
    %div3A_49 = arith.constant 1.41421354 : f32
    %div3A_50 = vector.broadcast %div3A_49 : f32 to vector<1024x128xf32>
    %div3A_51 = arith.divf %add3A_45, %div3A_50 : vector<1024x128xf32>
    %erf3A_52 = math.erf %div3A_51 : vector<1024x128xf32>
    %add3A_53 = arith.constant 1.000000e+00 : f32
    %add3A_54 = vector.broadcast %add3A_53 : f32 to vector<1024x128xf32>
    %add3A_55 = arith.addf %add3A_54, %erf3A_52 : vector<1024x128xf32>
    %mul3A_56 = arith.mulf %mul3A_48, %add3A_55 : vector<1024x128xf32>
    %get3A_57 = arith.constant 0 : index
    %get3A_58 = arith.constant 0 : index
    %get3A_59 = vector.load %arg6[%get3A_57, %get3A_58] : memref<128x128xf32, #tpu.memory_space<vmem>>, vector<128x128xf32>
    %dot_general3A_60 = arith.constant dense<0.000000e+00> : vector<1024x128xf32>
    %dot_general3A_61 = tpu.matmul %mul3A_56, %get3A_59, %dot_general3A_60 {dimension_numbers = #tpu.dot_dimension_numbers<[1], [0], [0], [1], [0, 0, 1, 1], [], []>, transpose_lhs_hint = false} : vector<1024x128xf32>, vector<128x128xf32>, vector<1024x128xf32> -> vector<1024x128xf32>
    %get3A_62 = arith.constant 0 : index
    %get3A_63 = arith.constant 0 : index
    %get3A_64 = vector.load %arg7[%get3A_62, %get3A_63] : memref<1x128xf32, #tpu.memory_space<vmem>>, vector<1x128xf32>
    %add3A_65 = vector.broadcast %get3A_64 : vector<1x128xf32> to vector<1024x128xf32>
    %add3A_66 = arith.addf %dot_general3A_61, %add3A_65 : vector<1024x128xf32>
    %neg3A = arith.constant 0.000000e+00 : f32
    %neg3A_67 = vector.broadcast %neg3A : f32 to vector<1024x128xf32>
    %neg3A_68 = arith.subf %neg3A_67, %add3A_66 : vector<1024x128xf32>
    %exp3A_69 = math.exp %neg3A_68 : vector<1024x128xf32>
    %add3A_70 = arith.constant 1.000000e+00 : f32
    %add3A_71 = vector.broadcast %add3A_70 : f32 to vector<1024x128xf32>
    %add3A_72 = arith.addf %add3A_71, %exp3A_69 : vector<1024x128xf32>
    %div3A_73 = arith.constant 1.000000e+00 : f32
    %div3A_74 = vector.broadcast %div3A_73 : f32 to vector<1024x128xf32>
    %div3A_75 = arith.divf %div3A_74, %add3A_72 : vector<1024x128xf32>
    %swap3A_76 = arith.constant 0 : index
    %swap3A_77 = arith.constant 0 : index
    %swap3A_78 = arith.constant 0 : index
    %swap3A_79 = vector.load %arg9[%swap3A_76, %swap3A_77, %swap3A_78] : memref<1x1024x128xf32, #tpu.memory_space<vmem>>, vector<1x1024x128xf32>
    %swap3A_80 = vector.shape_cast %swap3A_79 : vector<1x1024x128xf32> to vector<1024x128xf32>
    %swap3A_81 = vector.shape_cast %div3A_75 : vector<1024x128xf32> to vector<1x1024x128xf32>
    tpu.vector_store %arg9[%swap3A_76, %swap3A_77, %swap3A_78], %swap3A_81 {strides = array<i32>} : memref<1x1024x128xf32, #tpu.memory_space<vmem>>, vector<1x1024x128xf32>,
    return
  }
  func.func @transform_0(%arg0: i32) -> (i32, i32, i32) {
    %c0_i32 = arith.constant 0 : i32
    %c0_i32_0 = arith.constant 0 : i32
    %c0_i32_1 = arith.constant 0 : i32
    return %arg0, %c0_i32, %c0_i32_0 : i32, i32, i32
  }
  func.func @transform_1(%arg0: i32) -> (i32, i32) {
    %c0_i32 = arith.constant 0 : i32
    %c0_i32_0 = arith.constant 0 : i32
    %c0_i32_1 = arith.constant 0 : i32
    return %c0_i32, %c0_i32_0 : i32, i32
  }
  func.func @transform_2(%arg0: i32) -> (i32, i32) {
    %c0_i32 = arith.constant 0 : i32
    %c0_i32_0 = arith.constant 0 : i32
    %c0_i32_1 = arith.constant 0 : i32
    return %c0_i32, %c0_i32_0 : i32, i32
  }
  func.func @transform_3(%arg0: i32) -> (i32, i32) {
    %c0_i32 = arith.constant 0 : i32
    %c0_i32_0 = arith.constant 0 : i32
    %c0_i32_1 = arith.constant 0 : i32
    return %c0_i32, %c0_i32_0 : i32, i32
  }
  func.func @transform_4(%arg0: i32) -> (i32, i32) {
    %c0_i32 = arith.constant 0 : i32
    %c0_i32_0 = arith.constant 0 : i32
    %c0_i32_1 = arith.constant 0 : i32
    return %c0_i32, %c0_i32_0 : i32, i32
  }
  func.func @transform_5(%arg0: i32) -> (i32, i32) {
    %c0_i32 = arith.constant 0 : i32
    %c0_i32_0 = arith.constant 0 : i32
    %c0_i32_1 = arith.constant 0 : i32
    return %c0_i32, %c0_i32_0 : i32, i32
  }
  func.func @transform_6(%arg0: i32) -> (i32, i32) {
    %c0_i32 = arith.constant 0 : i32
    %c0_i32_0 = arith.constant 0 : i32
    %c0_i32_1 = arith.constant 0 : i32
    return %c0_i32, %c0_i32_0 : i32, i32
  }
  func.func @transform_7(%arg0: i32) -> (i32, i32, i32) {
    %c0_i32 = arith.constant 0 : i32
    %c0_i32_0 = arith.constant 0 : i32
    %c0_i32_1 = arith.constant 0 : i32
    return %arg0, %c0_i32, %c0_i32_0 : i32, i32, i32
  }
  func.func @transform_8(%arg0: i32) -> (i32, i32, i32) {
    %c0_i32 = arith.constant 0 : i32
    %c0_i32_0 = arith.constant 0 : i32
    %c0_i32_1 = arith.constant 0 : i32
    return %arg0, %c0_i32, %c0_i32_0 : i32, i32, i32
  }
}

module attributes {stable_mosaic.version = 14 : i64} {
  func.func @_select_x_kernel(%arg0: i32, %arg1: memref<1x2048x128xf32, #tpu.memory_space<vmem>>, %arg2: memref<128x128xf32, #tpu.memory_space<vmem>>, %arg3: memref<1x128xf32, #tpu.memory_space<vmem>>, %arg4: memref<1x1x2048xi32, #tpu.memory_space<vmem>>, %arg5: memref<1x2048x128xf32, #tpu.memory_space<vmem>>, %arg6: memref<1x128x128xf32, #tpu.memory_space<vmem>>) attributes {dimension_semantics = [#tpu.dimension_semantics<arbitrary>], iteration_bounds = array<i64: 32>, scalar_prefetch = 0 : i64, scratch_operands = 0 : i64, tpu.core_type = #tpu.core_type<tc>, window_params = [{transform_indices = @transform_0, window_bounds = array<i64: 1, 2048, 128>}, {pipeline_mode = #tpu.pipeline_mode<synchronous>, transform_indices = @transform_1, window_bounds = array<i64: 128, 128>}, {pipeline_mode = #tpu.pipeline_mode<synchronous>, transform_indices = @transform_2, window_bounds = array<i64: 1, 128>}, {transform_indices = @transform_3, window_bounds = array<i64: 1, 1, 2048>}, {transform_indices = @transform_4, window_bounds = array<i64: 1, 2048, 128>}, {transform_indices = @transform_5, window_bounds = array<i64: 1, 128, 128>}]} {
    %get3A = arith.constant 0 : index
    %get3A_0 = arith.constant 0 : index
    %get3A_1 = arith.constant 0 : index
    %get3A_2 = vector.load %arg1[%get3A, %get3A_0, %get3A_1] : memref<1x2048x128xf32, #tpu.memory_space<vmem>>, vector<1x2048x128xf32>
    %get3A_3 = vector.shape_cast %get3A_2 : vector<1x2048x128xf32> to vector<2048x128xf32>
    %get3A_4 = arith.constant 0 : index
    %get3A_5 = arith.constant 0 : index
    %get3A_6 = vector.load %arg2[%get3A_4, %get3A_5] : memref<128x128xf32, #tpu.memory_space<vmem>>, vector<128x128xf32>
    %dot_general3A = arith.constant dense<0.000000e+00> : vector<2048x128xf32>
    %dot_general3A_7 = tpu.matmul %get3A_3, %get3A_6, %dot_general3A {dimension_numbers = #tpu.dot_dimension_numbers<[1], [0], [0], [1], [0, 0, 1, 1], [], []>, transpose_lhs_hint = false} : vector<2048x128xf32>, vector<128x128xf32>, vector<2048x128xf32> -> vector<2048x128xf32>
    %get3A_8 = arith.constant 0 : index
    %get3A_9 = arith.constant 0 : index
    %get3A_10 = vector.load %arg3[%get3A_8, %get3A_9] : memref<1x128xf32, #tpu.memory_space<vmem>>, vector<1x128xf32>
    %add3A = vector.broadcast %get3A_10 : vector<1x128xf32> to vector<2048x128xf32>
    %add3A_11 = arith.addf %dot_general3A_7, %add3A : vector<2048x128xf32>
    %mul3A = arith.constant 5.000000e-01 : f32
    %mul3A_12 = vector.broadcast %mul3A : f32 to vector<2048x128xf32>
    %mul3A_13 = arith.mulf %add3A_11, %mul3A_12 : vector<2048x128xf32>
    %div3A = arith.constant 1.41421354 : f32
    %div3A_14 = vector.broadcast %div3A : f32 to vector<2048x128xf32>
    %div3A_15 = arith.divf %add3A_11, %div3A_14 : vector<2048x128xf32>
    %erf3A = math.erf %div3A_15 : vector<2048x128xf32>
    %add3A_16 = arith.constant 1.000000e+00 : f32
    %add3A_17 = vector.broadcast %add3A_16 : f32 to vector<2048x128xf32>
    %add3A_18 = arith.addf %add3A_17, %erf3A : vector<2048x128xf32>
    %mul3A_19 = arith.mulf %mul3A_13, %add3A_18 : vector<2048x128xf32>
    %swap3A = arith.constant 0 : index
    %swap3A_20 = arith.constant 0 : index
    %swap3A_21 = arith.constant 0 : index
    %swap3A_22 = vector.load %arg5[%swap3A, %swap3A_20, %swap3A_21] : memref<1x2048x128xf32, #tpu.memory_space<vmem>>, vector<1x2048x128xf32>
    %swap3A_23 = vector.shape_cast %swap3A_22 : vector<1x2048x128xf32> to vector<2048x128xf32>
    %swap3A_24 = vector.shape_cast %mul3A_19 : vector<2048x128xf32> to vector<1x2048x128xf32>
    tpu.vector_store %arg5[%swap3A, %swap3A_20, %swap3A_21], %swap3A_24 {strides = array<i32>} : memref<1x2048x128xf32, #tpu.memory_space<vmem>>, vector<1x2048x128xf32>,
    %dot_general3A_25 = arith.constant dense<0.000000e+00> : vector<128x128xf32>
    %dot_general3A_26 = tpu.matmul %get3A_3, %get3A_3, %dot_general3A_25 {dimension_numbers = #tpu.dot_dimension_numbers<[0], [0], [1], [1], [0, 1, 1, 1], [], []>, transpose_lhs_hint = false} : vector<2048x128xf32>, vector<2048x128xf32>, vector<128x128xf32> -> vector<128x128xf32>
    %div3A_27 = arith.constant 2.048000e+03 : f32
    %div3A_28 = vector.broadcast %div3A_27 : f32 to vector<128x128xf32>
    %div3A_29 = arith.divf %dot_general3A_26, %div3A_28 : vector<128x128xf32>
    %reduce_max3A = arith.constant dense<0xFF800000> : vector<128xf32>
    %reduce_max3A_30 = vector.multi_reduction <maximumf>, %div3A_29, %reduce_max3A [1] : vector<128x128xf32> to vector<128xf32>
    %broadcast_in_dim3A = vector.shape_cast %reduce_max3A_30 : vector<128xf32> to vector<128x1xf32>
    %sub3A = vector.broadcast %broadcast_in_dim3A : vector<128x1xf32> to vector<128x128xf32>
    %sub3A_31 = arith.subf %div3A_29, %sub3A : vector<128x128xf32>
    %exp3A = math.exp %sub3A_31 : vector<128x128xf32>
    %reduce_sum3A = arith.constant dense<0.000000e+00> : vector<128xf32>
    %reduce_sum3A_32 = vector.multi_reduction <add>, %exp3A, %reduce_sum3A [1] : vector<128x128xf32> to vector<128xf32>
    %broadcast_in_dim3A_33 = vector.shape_cast %reduce_sum3A_32 : vector<128xf32> to vector<128x1xf32>
    %div3A_34 = vector.broadcast %broadcast_in_dim3A_33 : vector<128x1xf32> to vector<128x128xf32>
    %div3A_35 = arith.divf %exp3A, %div3A_34 : vector<128x128xf32>
    %swap3A_36 = arith.constant 0 : index
    %swap3A_37 = arith.constant 0 : index
    %swap3A_38 = arith.constant 0 : index
    %swap3A_39 = vector.load %arg6[%swap3A_36, %swap3A_37, %swap3A_38] : memref<1x128x128xf32, #tpu.memory_space<vmem>>, vector<1x128x128xf32>
    %swap3A_40 = vector.shape_cast %swap3A_39 : vector<1x128x128xf32> to vector<128x128xf32>
    %swap3A_41 = vector.shape_cast %div3A_35 : vector<128x128xf32> to vector<1x128x128xf32>
    tpu.vector_store %arg6[%swap3A_36, %swap3A_37, %swap3A_38], %swap3A_41 {strides = array<i32>} : memref<1x128x128xf32, #tpu.memory_space<vmem>>, vector<1x128x128xf32>,
    %convert_element_type3A = arith.truncf %get3A_3 : vector<2048x128xf32> to vector<2048x128xbf16>
    %convert_element_type3A_42 = arith.extf %convert_element_type3A : vector<2048x128xbf16> to vector<2048x128xf32>
    %mul3A_43 = arith.mulf %get3A_3, %get3A_3 : vector<2048x128xf32>
    %convert_element_type3A_44 = arith.truncf %mul3A_43 : vector<2048x128xf32> to vector<2048x128xbf16>
    %convert_element_type3A_45 = arith.extf %convert_element_type3A_44 : vector<2048x128xbf16> to vector<2048x128xf32>
    %broadcast_in_dim3A_46 = arith.constant 0.000000e+00 : f32
    %broadcast_in_dim3A_47 = vector.broadcast %broadcast_in_dim3A_46 : f32 to vector<1x128xf32>
    %slice3A = vector.extract_strided_slice %convert_element_type3A_42 {offsets = [0, 0], sizes = [2047, 128], strides = [1, 1]} : vector<2048x128xf32> to vector<2047x128xf32>
    %concatenate3A = tpu.concatenate %broadcast_in_dim3A_47, %slice3A in 0 : vector<1x128xf32>, vector<2047x128xf32> -> vector<2048x128xf32>
    %add3A_48 = arith.addf %convert_element_type3A_42, %concatenate3A : vector<2048x128xf32>
    %broadcast_in_dim3A_49 = arith.constant 0.000000e+00 : f32
    %broadcast_in_dim3A_50 = vector.broadcast %broadcast_in_dim3A_49 : f32 to vector<2x128xf32>
    %slice3A_51 = vector.extract_strided_slice %add3A_48 {offsets = [0, 0], sizes = [2046, 128], strides = [1, 1]} : vector<2048x128xf32> to vector<2046x128xf32>
    %concatenate3A_52 = tpu.concatenate %broadcast_in_dim3A_50, %slice3A_51 in 0 : vector<2x128xf32>, vector<2046x128xf32> -> vector<2048x128xf32>
    %add3A_53 = arith.addf %add3A_48, %concatenate3A_52 : vector<2048x128xf32>
    %broadcast_in_dim3A_54 = arith.constant 0.000000e+00 : f32
    %broadcast_in_dim3A_55 = vector.broadcast %broadcast_in_dim3A_54 : f32 to vector<4x128xf32>
    %slice3A_56 = vector.extract_strided_slice %add3A_53 {offsets = [0, 0], sizes = [2044, 128], strides = [1, 1]} : vector<2048x128xf32> to vector<2044x128xf32>
    %concatenate3A_57 = tpu.concatenate %broadcast_in_dim3A_55, %slice3A_56 in 0 : vector<4x128xf32>, vector<2044x128xf32> -> vector<2048x128xf32>
    %add3A_58 = arith.addf %add3A_53, %concatenate3A_57 : vector<2048x128xf32>
    %broadcast_in_dim3A_59 = arith.constant 0.000000e+00 : f32
    %broadcast_in_dim3A_60 = vector.broadcast %broadcast_in_dim3A_59 : f32 to vector<8x128xf32>
    %slice3A_61 = vector.extract_strided_slice %add3A_58 {offsets = [0, 0], sizes = [2040, 128], strides = [1, 1]} : vector<2048x128xf32> to vector<2040x128xf32>
    %concatenate3A_62 = tpu.concatenate %broadcast_in_dim3A_60, %slice3A_61 in 0 : vector<8x128xf32>, vector<2040x128xf32> -> vector<2048x128xf32>
    %add3A_63 = arith.addf %add3A_58, %concatenate3A_62 : vector<2048x128xf32>
    %broadcast_in_dim3A_64 = arith.constant 0.000000e+00 : f32
    %broadcast_in_dim3A_65 = vector.broadcast %broadcast_in_dim3A_64 : f32 to vector<16x128xf32>
    %slice3A_66 = vector.extract_strided_slice %add3A_63 {offsets = [0, 0], sizes = [2032, 128], strides = [1, 1]} : vector<2048x128xf32> to vector<2032x128xf32>
    %concatenate3A_67 = tpu.concatenate %broadcast_in_dim3A_65, %slice3A_66 in 0 : vector<16x128xf32>, vector<2032x128xf32> -> vector<2048x128xf32>
    %add3A_68 = arith.addf %add3A_63, %concatenate3A_67 : vector<2048x128xf32>
    %iota3A = tpu.iota {dimensions = array<i32: 0>} : vector<32x1xi32>
    %convert_element_type3A_69 = arith.sitofp %iota3A : vector<32x1xi32> to vector<32x1xf32>
    %add3A_70 = arith.constant 1.000000e+00 : f32
    %add3A_71 = vector.broadcast %add3A_70 : f32 to vector<32x1xf32>
    %add3A_72 = arith.addf %convert_element_type3A_69, %add3A_71 : vector<32x1xf32>
    %min3A = arith.constant 3.200000e+01 : f32
    %min3A_73 = vector.broadcast %min3A : f32 to vector<32x1xf32>
    %min3A_74 = arith.minimumf %add3A_72, %min3A_73 : vector<32x1xf32>
    %slice3A_75 = vector.extract_strided_slice %add3A_68 {offsets = [0, 0], sizes = [32, 128], strides = [1, 1]} : vector<2048x128xf32> to vector<32x128xf32>
    %div3A_76 = vector.broadcast %min3A_74 : vector<32x1xf32> to vector<32x128xf32>
    %div3A_77 = arith.divf %slice3A_75, %div3A_76 : vector<32x128xf32>
    %slice3A_78 = vector.extract_strided_slice %add3A_68 {offsets = [32, 0], sizes = [2016, 128], strides = [1, 1]} : vector<2048x128xf32> to vector<2016x128xf32>
    %mul3A_79 = arith.constant 3.125000e-02 : f32
    %mul3A_80 = vector.broadcast %mul3A_79 : f32 to vector<2016x128xf32>
    %mul3A_81 = arith.mulf %slice3A_78, %mul3A_80 : vector<2016x128xf32>
    %concatenate3A_82 = tpu.concatenate %div3A_77, %mul3A_81 in 0 : vector<32x128xf32>, vector<2016x128xf32> -> vector<2048x128xf32>
    %broadcast_in_dim3A_83 = arith.constant 0.000000e+00 : f32
    %broadcast_in_dim3A_84 = vector.broadcast %broadcast_in_dim3A_83 : f32 to vector<1x128xf32>
    %slice3A_85 = vector.extract_strided_slice %convert_element_type3A_45 {offsets = [0, 0], sizes = [2047, 128], strides = [1, 1]} : vector<2048x128xf32> to vector<2047x128xf32>
    %concatenate3A_86 = tpu.concatenate %broadcast_in_dim3A_84, %slice3A_85 in 0 : vector<1x128xf32>, vector<2047x128xf32> -> vector<2048x128xf32>
    %add3A_87 = arith.addf %convert_element_type3A_45, %concatenate3A_86 : vector<2048x128xf32>
    %broadcast_in_dim3A_88 = arith.constant 0.000000e+00 : f32
    %broadcast_in_dim3A_89 = vector.broadcast %broadcast_in_dim3A_88 : f32 to vector<2x128xf32>
    %slice3A_90 = vector.extract_strided_slice %add3A_87 {offsets = [0, 0], sizes = [2046, 128], strides = [1, 1]} : vector<2048x128xf32> to vector<2046x128xf32>
    %concatenate3A_91 = tpu.concatenate %broadcast_in_dim3A_89, %slice3A_90 in 0 : vector<2x128xf32>, vector<2046x128xf32> -> vector<2048x128xf32>
    %add3A_92 = arith.addf %add3A_87, %concatenate3A_91 : vector<2048x128xf32>
    %broadcast_in_dim3A_93 = arith.constant 0.000000e+00 : f32
    %broadcast_in_dim3A_94 = vector.broadcast %broadcast_in_dim3A_93 : f32 to vector<4x128xf32>
    %slice3A_95 = vector.extract_strided_slice %add3A_92 {offsets = [0, 0], sizes = [2044, 128], strides = [1, 1]} : vector<2048x128xf32> to vector<2044x128xf32>
    %concatenate3A_96 = tpu.concatenate %broadcast_in_dim3A_94, %slice3A_95 in 0 : vector<4x128xf32>, vector<2044x128xf32> -> vector<2048x128xf32>
    %add3A_97 = arith.addf %add3A_92, %concatenate3A_96 : vector<2048x128xf32>
    %broadcast_in_dim3A_98 = arith.constant 0.000000e+00 : f32
    %broadcast_in_dim3A_99 = vector.broadcast %broadcast_in_dim3A_98 : f32 to vector<8x128xf32>
    %slice3A_100 = vector.extract_strided_slice %add3A_97 {offsets = [0, 0], sizes = [2040, 128], strides = [1, 1]} : vector<2048x128xf32> to vector<2040x128xf32>
    %concatenate3A_101 = tpu.concatenate %broadcast_in_dim3A_99, %slice3A_100 in 0 : vector<8x128xf32>, vector<2040x128xf32> -> vector<2048x128xf32>
    %add3A_102 = arith.addf %add3A_97, %concatenate3A_101 : vector<2048x128xf32>
    %broadcast_in_dim3A_103 = arith.constant 0.000000e+00 : f32
    %broadcast_in_dim3A_104 = vector.broadcast %broadcast_in_dim3A_103 : f32 to vector<16x128xf32>
    %slice3A_105 = vector.extract_strided_slice %add3A_102 {offsets = [0, 0], sizes = [2032, 128], strides = [1, 1]} : vector<2048x128xf32> to vector<2032x128xf32>
    %concatenate3A_106 = tpu.concatenate %broadcast_in_dim3A_104, %slice3A_105 in 0 : vector<16x128xf32>, vector<2032x128xf32> -> vector<2048x128xf32>
    %add3A_107 = arith.addf %add3A_102, %concatenate3A_106 : vector<2048x128xf32>
    %iota3A_108 = tpu.iota {dimensions = array<i32: 0>} : vector<32x1xi32>
    %convert_element_type3A_109 = arith.sitofp %iota3A_108 : vector<32x1xi32> to vector<32x1xf32>
    %add3A_110 = arith.constant 1.000000e+00 : f32
    %add3A_111 = vector.broadcast %add3A_110 : f32 to vector<32x1xf32>
    %add3A_112 = arith.addf %convert_element_type3A_109, %add3A_111 : vector<32x1xf32>
    %min3A_113 = arith.constant 3.200000e+01 : f32
    %min3A_114 = vector.broadcast %min3A_113 : f32 to vector<32x1xf32>
    %min3A_115 = arith.minimumf %add3A_112, %min3A_114 : vector<32x1xf32>
    %slice3A_116 = vector.extract_strided_slice %add3A_107 {offsets = [0, 0], sizes = [32, 128], strides = [1, 1]} : vector<2048x128xf32> to vector<32x128xf32>
    %div3A_117 = vector.broadcast %min3A_115 : vector<32x1xf32> to vector<32x128xf32>
    %div3A_118 = arith.divf %slice3A_116, %div3A_117 : vector<32x128xf32>
    %slice3A_119 = vector.extract_strided_slice %add3A_107 {offsets = [32, 0], sizes = [2016, 128], strides = [1, 1]} : vector<2048x128xf32> to vector<2016x128xf32>
    %mul3A_120 = arith.constant 3.125000e-02 : f32
    %mul3A_121 = vector.broadcast %mul3A_120 : f32 to vector<2016x128xf32>
    %mul3A_122 = arith.mulf %slice3A_119, %mul3A_121 : vector<2016x128xf32>
    %concatenate3A_123 = tpu.concatenate %div3A_118, %mul3A_122 in 0 : vector<32x128xf32>, vector<2016x128xf32> -> vector<2048x128xf32>
    %mul3A_124 = arith.mulf %concatenate3A_82, %concatenate3A_82 : vector<2048x128xf32>
    %sub3A_125 = arith.subf %concatenate3A_123, %mul3A_124 : vector<2048x128xf32>
    %reduce_sum3A_126 = arith.constant dense<0.000000e+00> : vector<2048xf32>
    %reduce_sum3A_127 = vector.multi_reduction <add>, %sub3A_125, %reduce_sum3A_126 [1] : vector<2048x128xf32> to vector<2048xf32>
    %broadcast_in_dim3A_128 = vector.shape_cast %reduce_sum3A_127 : vector<2048xf32> to vector<2048x1xf32>
    %reduce_sum3A_129 = arith.constant dense<0.000000e+00> : vector<2048xf32>
    %reduce_sum3A_130 = vector.multi_reduction <add>, %concatenate3A_82, %reduce_sum3A_129 [1] : vector<2048x128xf32> to vector<2048xf32>
    %broadcast_in_dim3A_131 = vector.shape_cast %reduce_sum3A_130 : vector<2048xf32> to vector<2048x1xf32>
    %div3A_132 = arith.divf %broadcast_in_dim3A_128, %broadcast_in_dim3A_131 : vector<2048x1xf32>
    %transpose3A = tpu.transpose %div3A_132, [1, 0] : vector<2048x1xf32> -> vector<1x2048xf32>
    %iota3A_133 = tpu.iota {dimensions = array<i32: 0>} : vector<256x256xi32>
    %iota3A_134 = tpu.iota {dimensions = array<i32: 1>} : vector<256x256xi32>
    %lt3A = arith.cmpi slt, %iota3A_134, %iota3A_133 : vector<256x256xi32>
    %convert_element_type3A_135 = arith.extui %lt3A : vector<256x256xi1> to vector<256x256xi32>
    %convert_element_type3A_136 = arith.sitofp %convert_element_type3A_135 : vector<256x256xi32> to vector<256x256xf32>
    %broadcast_in_dim3A_137 = arith.constant 0.000000e+00 : f32
    %broadcast_in_dim3A_138 = vector.broadcast %broadcast_in_dim3A_137 : f32 to vector<256x1xf32>
    %broadcast_in_dim3A_139 = arith.constant 0.000000e+00 : f32
    %broadcast_in_dim3A_140 = vector.broadcast %broadcast_in_dim3A_139 : f32 to vector<256x1xf32>
    %broadcast_in_dim3A_141 = arith.constant 0.000000e+00 : f32
    %broadcast_in_dim3A_142 = vector.broadcast %broadcast_in_dim3A_141 : f32 to vector<256x1xf32>
    %broadcast_in_dim3A_143 = arith.constant 0.000000e+00 : f32
    %broadcast_in_dim3A_144 = vector.broadcast %broadcast_in_dim3A_143 : f32 to vector<256x1xf32>
    %broadcast_in_dim3A_145 = arith.constant 0.000000e+00 : f32
    %broadcast_in_dim3A_146 = vector.broadcast %broadcast_in_dim3A_145 : f32 to vector<256x1xf32>
    %broadcast_in_dim3A_147 = arith.constant 0.000000e+00 : f32
    %broadcast_in_dim3A_148 = vector.broadcast %broadcast_in_dim3A_147 : f32 to vector<256x1xf32>
    %broadcast_in_dim3A_149 = arith.constant 0.000000e+00 : f32
    %broadcast_in_dim3A_150 = vector.broadcast %broadcast_in_dim3A_149 : f32 to vector<256x1xf32>
    %broadcast_in_dim3A_151 = arith.constant 0.000000e+00 : f32
    %broadcast_in_dim3A_152 = vector.broadcast %broadcast_in_dim3A_151 : f32 to vector<256x1xf32>
    %broadcast_in_dim3A_153 = arith.constant 0.000000e+00 : f32
    %broadcast_in_dim3A_154 = vector.broadcast %broadcast_in_dim3A_153 : f32 to vector<1x256xf32>
    %broadcast_in_dim3A_155 = arith.constant 0.000000e+00 : f32
    %broadcast_in_dim3A_156 = vector.broadcast %broadcast_in_dim3A_155 : f32 to vector<1x256xf32>
    %broadcast_in_dim3A_157 = arith.constant 0.000000e+00 : f32
    %broadcast_in_dim3A_158 = vector.broadcast %broadcast_in_dim3A_157 : f32 to vector<1x256xf32>
    %broadcast_in_dim3A_159 = arith.constant 0.000000e+00 : f32
    %broadcast_in_dim3A_160 = vector.broadcast %broadcast_in_dim3A_159 : f32 to vector<1x256xf32>
    %broadcast_in_dim3A_161 = arith.constant 0.000000e+00 : f32
    %broadcast_in_dim3A_162 = vector.broadcast %broadcast_in_dim3A_161 : f32 to vector<1x256xf32>
    %broadcast_in_dim3A_163 = arith.constant 0.000000e+00 : f32
    %broadcast_in_dim3A_164 = vector.broadcast %broadcast_in_dim3A_163 : f32 to vector<1x256xf32>
    %broadcast_in_dim3A_165 = arith.constant 0.000000e+00 : f32
    %broadcast_in_dim3A_166 = vector.broadcast %broadcast_in_dim3A_165 : f32 to vector<1x256xf32>
    %broadcast_in_dim3A_167 = arith.constant 0.000000e+00 : f32
    %broadcast_in_dim3A_168 = vector.broadcast %broadcast_in_dim3A_167 : f32 to vector<1x256xf32>
    %slice3A_169 = vector.extract_strided_slice %div3A_132 {offsets = [0, 0], sizes = [256, 1], strides = [1, 1]} : vector<2048x1xf32> to vector<256x1xf32>
    %slice3A_170 = vector.extract_strided_slice %transpose3A {offsets = [0, 0], sizes = [1, 256], strides = [1, 1]} : vector<1x2048xf32> to vector<1x256xf32>
    %lt3A_171 = vector.broadcast %slice3A_170 : vector<1x256xf32> to vector<256x256xf32>
    %lt3A_172 = vector.broadcast %slice3A_169 : vector<256x1xf32> to vector<256x256xf32>
    %lt3A_173 = arith.cmpf olt, %lt3A_171, %lt3A_172 : vector<256x256xf32>
    %convert_element_type3A_174 = arith.extui %lt3A_173 : vector<256x256xi1> to vector<256x256xi32>
    %convert_element_type3A_175 = arith.sitofp %convert_element_type3A_174 : vector<256x256xi32> to vector<256x256xf32>
    %eq3A = vector.broadcast %slice3A_170 : vector<1x256xf32> to vector<256x256xf32>
    %eq3A_176 = vector.broadcast %slice3A_169 : vector<256x1xf32> to vector<256x256xf32>
    %eq3A_177 = arith.cmpf oeq, %eq3A, %eq3A_176 : vector<256x256xf32>
    %convert_element_type3A_178 = arith.extui %eq3A_177 : vector<256x256xi1> to vector<256x256xi32>
    %convert_element_type3A_179 = arith.sitofp %convert_element_type3A_178 : vector<256x256xi32> to vector<256x256xf32>
    %mul3A_180 = arith.mulf %convert_element_type3A_179, %convert_element_type3A_136 : vector<256x256xf32>
    %add3A_181 = arith.addf %convert_element_type3A_175, %mul3A_180 : vector<256x256xf32>
    %reduce_sum3A_182 = arith.constant dense<0.000000e+00> : vector<256xf32>
    %reduce_sum3A_183 = vector.multi_reduction <add>, %add3A_181, %reduce_sum3A_182 [1] : vector<256x256xf32> to vector<256xf32>
    %broadcast_in_dim3A_184 = vector.shape_cast %reduce_sum3A_183 : vector<256xf32> to vector<256x1xf32>
    %add3A_185 = arith.addf %broadcast_in_dim3A_138, %broadcast_in_dim3A_184 : vector<256x1xf32>
    %slice3A_186 = vector.extract_strided_slice %transpose3A {offsets = [0, 256], sizes = [1, 256], strides = [1, 1]} : vector<1x2048xf32> to vector<1x256xf32>
    %lt3A_187 = vector.broadcast %slice3A_186 : vector<1x256xf32> to vector<256x256xf32>
    %lt3A_188 = vector.broadcast %slice3A_169 : vector<256x1xf32> to vector<256x256xf32>
    %lt3A_189 = arith.cmpf olt, %lt3A_187, %lt3A_188 : vector<256x256xf32>
    %convert_element_type3A_190 = arith.extui %lt3A_189 : vector<256x256xi1> to vector<256x256xi32>
    %convert_element_type3A_191 = arith.sitofp %convert_element_type3A_190 : vector<256x256xi32> to vector<256x256xf32>
    %reduce_sum3A_192 = arith.constant dense<0.000000e+00> : vector<256xf32>
    %reduce_sum3A_193 = vector.multi_reduction <add>, %convert_element_type3A_191, %reduce_sum3A_192 [1] : vector<256x256xf32> to vector<256xf32>
    %broadcast_in_dim3A_194 = vector.shape_cast %reduce_sum3A_193 : vector<256xf32> to vector<256x1xf32>
    %add3A_195 = arith.addf %add3A_185, %broadcast_in_dim3A_194 : vector<256x1xf32>
    %reduce_sum3A_196 = arith.constant dense<0.000000e+00> : vector<256xf32>
    %reduce_sum3A_197 = vector.multi_reduction <add>, %convert_element_type3A_191, %reduce_sum3A_196 [0] : vector<256x256xf32> to vector<256xf32>
    %broadcast_in_dim3A_198 = vector.shape_cast %reduce_sum3A_197 : vector<256xf32> to vector<1x256xf32>
    %add3A_199 = arith.addf %broadcast_in_dim3A_156, %broadcast_in_dim3A_198 : vector<1x256xf32>
    %slice3A_200 = vector.extract_strided_slice %transpose3A {offsets = [0, 512], sizes = [1, 256], strides = [1, 1]} : vector<1x2048xf32> to vector<1x256xf32>
    %lt3A_201 = vector.broadcast %slice3A_200 : vector<1x256xf32> to vector<256x256xf32>
    %lt3A_202 = vector.broadcast %slice3A_169 : vector<256x1xf32> to vector<256x256xf32>
    %lt3A_203 = arith.cmpf olt, %lt3A_201, %lt3A_202 : vector<256x256xf32>
    %convert_element_type3A_204 = arith.extui %lt3A_203 : vector<256x256xi1> to vector<256x256xi32>
    %convert_element_type3A_205 = arith.sitofp %convert_element_type3A_204 : vector<256x256xi32> to vector<256x256xf32>
    %reduce_sum3A_206 = arith.constant dense<0.000000e+00> : vector<256xf32>
    %reduce_sum3A_207 = vector.multi_reduction <add>, %convert_element_type3A_205, %reduce_sum3A_206 [1] : vector<256x256xf32> to vector<256xf32>
    %broadcast_in_dim3A_208 = vector.shape_cast %reduce_sum3A_207 : vector<256xf32> to vector<256x1xf32>
    %add3A_209 = arith.addf %add3A_195, %broadcast_in_dim3A_208 : vector<256x1xf32>
    %reduce_sum3A_210 = arith.constant dense<0.000000e+00> : vector<256xf32>
    %reduce_sum3A_211 = vector.multi_reduction <add>, %convert_element_type3A_205, %reduce_sum3A_210 [0] : vector<256x256xf32> to vector<256xf32>
    %broadcast_in_dim3A_212 = vector.shape_cast %reduce_sum3A_211 : vector<256xf32> to vector<1x256xf32>
    %add3A_213 = arith.addf %broadcast_in_dim3A_158, %broadcast_in_dim3A_212 : vector<1x256xf32>
    %slice3A_214 = vector.extract_strided_slice %transpose3A {offsets = [0, 768], sizes = [1, 256], strides = [1, 1]} : vector<1x2048xf32> to vector<1x256xf32>
    %lt3A_215 = vector.broadcast %slice3A_214 : vector<1x256xf32> to vector<256x256xf32>
    %lt3A_216 = vector.broadcast %slice3A_169 : vector<256x1xf32> to vector<256x256xf32>
    %lt3A_217 = arith.cmpf olt, %lt3A_215, %lt3A_216 : vector<256x256xf32>
    %convert_element_type3A_218 = arith.extui %lt3A_217 : vector<256x256xi1> to vector<256x256xi32>
    %convert_element_type3A_219 = arith.sitofp %convert_element_type3A_218 : vector<256x256xi32> to vector<256x256xf32>
    %reduce_sum3A_220 = arith.constant dense<0.000000e+00> : vector<256xf32>
    %reduce_sum3A_221 = vector.multi_reduction <add>, %convert_element_type3A_219, %reduce_sum3A_220 [1] : vector<256x256xf32> to vector<256xf32>
    %broadcast_in_dim3A_222 = vector.shape_cast %reduce_sum3A_221 : vector<256xf32> to vector<256x1xf32>
    %add3A_223 = arith.addf %add3A_209, %broadcast_in_dim3A_222 : vector<256x1xf32>
    %reduce_sum3A_224 = arith.constant dense<0.000000e+00> : vector<256xf32>
    %reduce_sum3A_225 = vector.multi_reduction <add>, %convert_element_type3A_219, %reduce_sum3A_224 [0] : vector<256x256xf32> to vector<256xf32>
    %broadcast_in_dim3A_226 = vector.shape_cast %reduce_sum3A_225 : vector<256xf32> to vector<1x256xf32>
    %add3A_227 = arith.addf %broadcast_in_dim3A_160, %broadcast_in_dim3A_226 : vector<1x256xf32>
    %slice3A_228 = vector.extract_strided_slice %transpose3A {offsets = [0, 1024], sizes = [1, 256], strides = [1, 1]} : vector<1x2048xf32> to vector<1x256xf32>
    %lt3A_229 = vector.broadcast %slice3A_228 : vector<1x256xf32> to vector<256x256xf32>
    %lt3A_230 = vector.broadcast %slice3A_169 : vector<256x1xf32> to vector<256x256xf32>
    %lt3A_231 = arith.cmpf olt, %lt3A_229, %lt3A_230 : vector<256x256xf32>
    %convert_element_type3A_232 = arith.extui %lt3A_231 : vector<256x256xi1> to vector<256x256xi32>
    %convert_element_type3A_233 = arith.sitofp %convert_element_type3A_232 : vector<256x256xi32> to vector<256x256xf32>
    %reduce_sum3A_234 = arith.constant dense<0.000000e+00> : vector<256xf32>
    %reduce_sum3A_235 = vector.multi_reduction <add>, %convert_element_type3A_233, %reduce_sum3A_234 [1] : vector<256x256xf32> to vector<256xf32>
    %broadcast_in_dim3A_236 = vector.shape_cast %reduce_sum3A_235 : vector<256xf32> to vector<256x1xf32>
    %add3A_237 = arith.addf %add3A_223, %broadcast_in_dim3A_236 : vector<256x1xf32>
    %reduce_sum3A_238 = arith.constant dense<0.000000e+00> : vector<256xf32>
    %reduce_sum3A_239 = vector.multi_reduction <add>, %convert_element_type3A_233, %reduce_sum3A_238 [0] : vector<256x256xf32> to vector<256xf32>
    %broadcast_in_dim3A_240 = vector.shape_cast %reduce_sum3A_239 : vector<256xf32> to vector<1x256xf32>
    %add3A_241 = arith.addf %broadcast_in_dim3A_162, %broadcast_in_dim3A_240 : vector<1x256xf32>
    %slice3A_242 = vector.extract_strided_slice %transpose3A {offsets = [0, 1280], sizes = [1, 256], strides = [1, 1]} : vector<1x2048xf32> to vector<1x256xf32>
    %lt3A_243 = vector.broadcast %slice3A_242 : vector<1x256xf32> to vector<256x256xf32>
    %lt3A_244 = vector.broadcast %slice3A_169 : vector<256x1xf32> to vector<256x256xf32>
    %lt3A_245 = arith.cmpf olt, %lt3A_243, %lt3A_244 : vector<256x256xf32>
    %convert_element_type3A_246 = arith.extui %lt3A_245 : vector<256x256xi1> to vector<256x256xi32>
    %convert_element_type3A_247 = arith.sitofp %convert_element_type3A_246 : vector<256x256xi32> to vector<256x256xf32>
    %reduce_sum3A_248 = arith.constant dense<0.000000e+00> : vector<256xf32>
    %reduce_sum3A_249 = vector.multi_reduction <add>, %convert_element_type3A_247, %reduce_sum3A_248 [1] : vector<256x256xf32> to vector<256xf32>
    %broadcast_in_dim3A_250 = vector.shape_cast %reduce_sum3A_249 : vector<256xf32> to vector<256x1xf32>
    %add3A_251 = arith.addf %add3A_237, %broadcast_in_dim3A_250 : vector<256x1xf32>
    %reduce_sum3A_252 = arith.constant dense<0.000000e+00> : vector<256xf32>
    %reduce_sum3A_253 = vector.multi_reduction <add>, %convert_element_type3A_247, %reduce_sum3A_252 [0] : vector<256x256xf32> to vector<256xf32>
    %broadcast_in_dim3A_254 = vector.shape_cast %reduce_sum3A_253 : vector<256xf32> to vector<1x256xf32>
    %add3A_255 = arith.addf %broadcast_in_dim3A_164, %broadcast_in_dim3A_254 : vector<1x256xf32>
    %slice3A_256 = vector.extract_strided_slice %transpose3A {offsets = [0, 1536], sizes = [1, 256], strides = [1, 1]} : vector<1x2048xf32> to vector<1x256xf32>
    %lt3A_257 = vector.broadcast %slice3A_256 : vector<1x256xf32> to vector<256x256xf32>
    %lt3A_258 = vector.broadcast %slice3A_169 : vector<256x1xf32> to vector<256x256xf32>
    %lt3A_259 = arith.cmpf olt, %lt3A_257, %lt3A_258 : vector<256x256xf32>
    %convert_element_type3A_260 = arith.extui %lt3A_259 : vector<256x256xi1> to vector<256x256xi32>
    %convert_element_type3A_261 = arith.sitofp %convert_element_type3A_260 : vector<256x256xi32> to vector<256x256xf32>
    %reduce_sum3A_262 = arith.constant dense<0.000000e+00> : vector<256xf32>
    %reduce_sum3A_263 = vector.multi_reduction <add>, %convert_element_type3A_261, %reduce_sum3A_262 [1] : vector<256x256xf32> to vector<256xf32>
    %broadcast_in_dim3A_264 = vector.shape_cast %reduce_sum3A_263 : vector<256xf32> to vector<256x1xf32>
    %add3A_265 = arith.addf %add3A_251, %broadcast_in_dim3A_264 : vector<256x1xf32>
    %reduce_sum3A_266 = arith.constant dense<0.000000e+00> : vector<256xf32>
    %reduce_sum3A_267 = vector.multi_reduction <add>, %convert_element_type3A_261, %reduce_sum3A_266 [0] : vector<256x256xf32> to vector<256xf32>
    %broadcast_in_dim3A_268 = vector.shape_cast %reduce_sum3A_267 : vector<256xf32> to vector<1x256xf32>
    %add3A_269 = arith.addf %broadcast_in_dim3A_166, %broadcast_in_dim3A_268 : vector<1x256xf32>
    %slice3A_270 = vector.extract_strided_slice %transpose3A {offsets = [0, 1792], sizes = [1, 256], strides = [1, 1]} : vector<1x2048xf32> to vector<1x256xf32>
    %lt3A_271 = vector.broadcast %slice3A_270 : vector<1x256xf32> to vector<256x256xf32>
    %lt3A_272 = vector.broadcast %slice3A_169 : vector<256x1xf32> to vector<256x256xf32>
    %lt3A_273 = arith.cmpf olt, %lt3A_271, %lt3A_272 : vector<256x256xf32>
    %convert_element_type3A_274 = arith.extui %lt3A_273 : vector<256x256xi1> to vector<256x256xi32>
    %convert_element_type3A_275 = arith.sitofp %convert_element_type3A_274 : vector<256x256xi32> to vector<256x256xf32>
    %reduce_sum3A_276 = arith.constant dense<0.000000e+00> : vector<256xf32>
    %reduce_sum3A_277 = vector.multi_reduction <add>, %convert_element_type3A_275, %reduce_sum3A_276 [1] : vector<256x256xf32> to vector<256xf32>
    %broadcast_in_dim3A_278 = vector.shape_cast %reduce_sum3A_277 : vector<256xf32> to vector<256x1xf32>
    %add3A_279 = arith.addf %add3A_265, %broadcast_in_dim3A_278 : vector<256x1xf32>
    %reduce_sum3A_280 = arith.constant dense<0.000000e+00> : vector<256xf32>
    %reduce_sum3A_281 = vector.multi_reduction <add>, %convert_element_type3A_275, %reduce_sum3A_280 [0] : vector<256x256xf32> to vector<256xf32>
    %broadcast_in_dim3A_282 = vector.shape_cast %reduce_sum3A_281 : vector<256xf32> to vector<1x256xf32>
    %add3A_283 = arith.addf %broadcast_in_dim3A_168, %broadcast_in_dim3A_282 : vector<1x256xf32>
    %slice3A_284 = vector.extract_strided_slice %div3A_132 {offsets = [256, 0], sizes = [256, 1], strides = [1, 1]} : vector<2048x1xf32> to vector<256x1xf32>
    %slice3A_285 = vector.extract_strided_slice %transpose3A {offsets = [0, 256], sizes = [1, 256], strides = [1, 1]} : vector<1x2048xf32> to vector<1x256xf32>
    %lt3A_286 = vector.broadcast %slice3A_285 : vector<1x256xf32> to vector<256x256xf32>
    %lt3A_287 = vector.broadcast %slice3A_284 : vector<256x1xf32> to vector<256x256xf32>
    %lt3A_288 = arith.cmpf olt, %lt3A_286, %lt3A_287 : vector<256x256xf32>
    %convert_element_type3A_289 = arith.extui %lt3A_288 : vector<256x256xi1> to vector<256x256xi32>
    %convert_element_type3A_290 = arith.sitofp %convert_element_type3A_289 : vector<256x256xi32> to vector<256x256xf32>
    %eq3A_291 = vector.broadcast %slice3A_285 : vector<1x256xf32> to vector<256x256xf32>
    %eq3A_292 = vector.broadcast %slice3A_284 : vector<256x1xf32> to vector<256x256xf32>
    %eq3A_293 = arith.cmpf oeq, %eq3A_291, %eq3A_292 : vector<256x256xf32>
    %convert_element_type3A_294 = arith.extui %eq3A_293 : vector<256x256xi1> to vector<256x256xi32>
    %convert_element_type3A_295 = arith.sitofp %convert_element_type3A_294 : vector<256x256xi32> to vector<256x256xf32>
    %mul3A_296 = arith.mulf %convert_element_type3A_295, %convert_element_type3A_136 : vector<256x256xf32>
    %add3A_297 = arith.addf %convert_element_type3A_290, %mul3A_296 : vector<256x256xf32>
    %reduce_sum3A_298 = arith.constant dense<0.000000e+00> : vector<256xf32>
    %reduce_sum3A_299 = vector.multi_reduction <add>, %add3A_297, %reduce_sum3A_298 [1] : vector<256x256xf32> to vector<256xf32>
    %broadcast_in_dim3A_300 = vector.shape_cast %reduce_sum3A_299 : vector<256xf32> to vector<256x1xf32>
    %add3A_301 = arith.addf %broadcast_in_dim3A_140, %broadcast_in_dim3A_300 : vector<256x1xf32>
    %slice3A_302 = vector.extract_strided_slice %transpose3A {offsets = [0, 512], sizes = [1, 256], strides = [1, 1]} : vector<1x2048xf32> to vector<1x256xf32>
    %lt3A_303 = vector.broadcast %slice3A_302 : vector<1x256xf32> to vector<256x256xf32>
    %lt3A_304 = vector.broadcast %slice3A_284 : vector<256x1xf32> to vector<256x256xf32>
    %lt3A_305 = arith.cmpf olt, %lt3A_303, %lt3A_304 : vector<256x256xf32>
    %convert_element_type3A_306 = arith.extui %lt3A_305 : vector<256x256xi1> to vector<256x256xi32>
    %convert_element_type3A_307 = arith.sitofp %convert_element_type3A_306 : vector<256x256xi32> to vector<256x256xf32>
    %reduce_sum3A_308 = arith.constant dense<0.000000e+00> : vector<256xf32>
    %reduce_sum3A_309 = vector.multi_reduction <add>, %convert_element_type3A_307, %reduce_sum3A_308 [1] : vector<256x256xf32> to vector<256xf32>
    %broadcast_in_dim3A_310 = vector.shape_cast %reduce_sum3A_309 : vector<256xf32> to vector<256x1xf32>
    %add3A_311 = arith.addf %add3A_301, %broadcast_in_dim3A_310 : vector<256x1xf32>
    %reduce_sum3A_312 = arith.constant dense<0.000000e+00> : vector<256xf32>
    %reduce_sum3A_313 = vector.multi_reduction <add>, %convert_element_type3A_307, %reduce_sum3A_312 [0] : vector<256x256xf32> to vector<256xf32>
    %broadcast_in_dim3A_314 = vector.shape_cast %reduce_sum3A_313 : vector<256xf32> to vector<1x256xf32>
    %add3A_315 = arith.addf %add3A_213, %broadcast_in_dim3A_314 : vector<1x256xf32>
    %slice3A_316 = vector.extract_strided_slice %transpose3A {offsets = [0, 768], sizes = [1, 256], strides = [1, 1]} : vector<1x2048xf32> to vector<1x256xf32>
    %lt3A_317 = vector.broadcast %slice3A_316 : vector<1x256xf32> to vector<256x256xf32>
    %lt3A_318 = vector.broadcast %slice3A_284 : vector<256x1xf32> to vector<256x256xf32>
    %lt3A_319 = arith.cmpf olt, %lt3A_317, %lt3A_318 : vector<256x256xf32>
    %convert_element_type3A_320 = arith.extui %lt3A_319 : vector<256x256xi1> to vector<256x256xi32>
    %convert_element_type3A_321 = arith.sitofp %convert_element_type3A_320 : vector<256x256xi32> to vector<256x256xf32>
    %reduce_sum3A_322 = arith.constant dense<0.000000e+00> : vector<256xf32>
    %reduce_sum3A_323 = vector.multi_reduction <add>, %convert_element_type3A_321, %reduce_sum3A_322 [1] : vector<256x256xf32> to vector<256xf32>
    %broadcast_in_dim3A_324 = vector.shape_cast %reduce_sum3A_323 : vector<256xf32> to vector<256x1xf32>
    %add3A_325 = arith.addf %add3A_311, %broadcast_in_dim3A_324 : vector<256x1xf32>
    %reduce_sum3A_326 = arith.constant dense<0.000000e+00> : vector<256xf32>
    %reduce_sum3A_327 = vector.multi_reduction <add>, %convert_element_type3A_321, %reduce_sum3A_326 [0] : vector<256x256xf32> to vector<256xf32>
    %broadcast_in_dim3A_328 = vector.shape_cast %reduce_sum3A_327 : vector<256xf32> to vector<1x256xf32>
    %add3A_329 = arith.addf %add3A_227, %broadcast_in_dim3A_328 : vector<1x256xf32>
    %slice3A_330 = vector.extract_strided_slice %transpose3A {offsets = [0, 1024], sizes = [1, 256], strides = [1, 1]} : vector<1x2048xf32> to vector<1x256xf32>
    %lt3A_331 = vector.broadcast %slice3A_330 : vector<1x256xf32> to vector<256x256xf32>
    %lt3A_332 = vector.broadcast %slice3A_284 : vector<256x1xf32> to vector<256x256xf32>
    %lt3A_333 = arith.cmpf olt, %lt3A_331, %lt3A_332 : vector<256x256xf32>
    %convert_element_type3A_334 = arith.extui %lt3A_333 : vector<256x256xi1> to vector<256x256xi32>
    %convert_element_type3A_335 = arith.sitofp %convert_element_type3A_334 : vector<256x256xi32> to vector<256x256xf32>
    %reduce_sum3A_336 = arith.constant dense<0.000000e+00> : vector<256xf32>
    %reduce_sum3A_337 = vector.multi_reduction <add>, %convert_element_type3A_335, %reduce_sum3A_336 [1] : vector<256x256xf32> to vector<256xf32>
    %broadcast_in_dim3A_338 = vector.shape_cast %reduce_sum3A_337 : vector<256xf32> to vector<256x1xf32>
    %add3A_339 = arith.addf %add3A_325, %broadcast_in_dim3A_338 : vector<256x1xf32>
    %reduce_sum3A_340 = arith.constant dense<0.000000e+00> : vector<256xf32>
    %reduce_sum3A_341 = vector.multi_reduction <add>, %convert_element_type3A_335, %reduce_sum3A_340 [0] : vector<256x256xf32> to vector<256xf32>
    %broadcast_in_dim3A_342 = vector.shape_cast %reduce_sum3A_341 : vector<256xf32> to vector<1x256xf32>
    %add3A_343 = arith.addf %add3A_241, %broadcast_in_dim3A_342 : vector<1x256xf32>
    %slice3A_344 = vector.extract_strided_slice %transpose3A {offsets = [0, 1280], sizes = [1, 256], strides = [1, 1]} : vector<1x2048xf32> to vector<1x256xf32>
    %lt3A_345 = vector.broadcast %slice3A_344 : vector<1x256xf32> to vector<256x256xf32>
    %lt3A_346 = vector.broadcast %slice3A_284 : vector<256x1xf32> to vector<256x256xf32>
    %lt3A_347 = arith.cmpf olt, %lt3A_345, %lt3A_346 : vector<256x256xf32>
    %convert_element_type3A_348 = arith.extui %lt3A_347 : vector<256x256xi1> to vector<256x256xi32>
    %convert_element_type3A_349 = arith.sitofp %convert_element_type3A_348 : vector<256x256xi32> to vector<256x256xf32>
    %reduce_sum3A_350 = arith.constant dense<0.000000e+00> : vector<256xf32>
    %reduce_sum3A_351 = vector.multi_reduction <add>, %convert_element_type3A_349, %reduce_sum3A_350 [1] : vector<256x256xf32> to vector<256xf32>
    %broadcast_in_dim3A_352 = vector.shape_cast %reduce_sum3A_351 : vector<256xf32> to vector<256x1xf32>
    %add3A_353 = arith.addf %add3A_339, %broadcast_in_dim3A_352 : vector<256x1xf32>
    %reduce_sum3A_354 = arith.constant dense<0.000000e+00> : vector<256xf32>
    %reduce_sum3A_355 = vector.multi_reduction <add>, %convert_element_type3A_349, %reduce_sum3A_354 [0] : vector<256x256xf32> to vector<256xf32>
    %broadcast_in_dim3A_356 = vector.shape_cast %reduce_sum3A_355 : vector<256xf32> to vector<1x256xf32>
    %add3A_357 = arith.addf %add3A_255, %broadcast_in_dim3A_356 : vector<1x256xf32>
    %slice3A_358 = vector.extract_strided_slice %transpose3A {offsets = [0, 1536], sizes = [1, 256], strides = [1, 1]} : vector<1x2048xf32> to vector<1x256xf32>
    %lt3A_359 = vector.broadcast %slice3A_358 : vector<1x256xf32> to vector<256x256xf32>
    %lt3A_360 = vector.broadcast %slice3A_284 : vector<256x1xf32> to vector<256x256xf32>
    %lt3A_361 = arith.cmpf olt, %lt3A_359, %lt3A_360 : vector<256x256xf32>
    %convert_element_type3A_362 = arith.extui %lt3A_361 : vector<256x256xi1> to vector<256x256xi32>
    %convert_element_type3A_363 = arith.sitofp %convert_element_type3A_362 : vector<256x256xi32> to vector<256x256xf32>
    %reduce_sum3A_364 = arith.constant dense<0.000000e+00> : vector<256xf32>
    %reduce_sum3A_365 = vector.multi_reduction <add>, %convert_element_type3A_363, %reduce_sum3A_364 [1] : vector<256x256xf32> to vector<256xf32>
    %broadcast_in_dim3A_366 = vector.shape_cast %reduce_sum3A_365 : vector<256xf32> to vector<256x1xf32>
    %add3A_367 = arith.addf %add3A_353, %broadcast_in_dim3A_366 : vector<256x1xf32>
    %reduce_sum3A_368 = arith.constant dense<0.000000e+00> : vector<256xf32>
    %reduce_sum3A_369 = vector.multi_reduction <add>, %convert_element_type3A_363, %reduce_sum3A_368 [0] : vector<256x256xf32> to vector<256xf32>
    %broadcast_in_dim3A_370 = vector.shape_cast %reduce_sum3A_369 : vector<256xf32> to vector<1x256xf32>
    %add3A_371 = arith.addf %add3A_269, %broadcast_in_dim3A_370 : vector<1x256xf32>
    %slice3A_372 = vector.extract_strided_slice %transpose3A {offsets = [0, 1792], sizes = [1, 256], strides = [1, 1]} : vector<1x2048xf32> to vector<1x256xf32>
    %lt3A_373 = vector.broadcast %slice3A_372 : vector<1x256xf32> to vector<256x256xf32>
    %lt3A_374 = vector.broadcast %slice3A_284 : vector<256x1xf32> to vector<256x256xf32>
    %lt3A_375 = arith.cmpf olt, %lt3A_373, %lt3A_374 : vector<256x256xf32>
    %convert_element_type3A_376 = arith.extui %lt3A_375 : vector<256x256xi1> to vector<256x256xi32>
    %convert_element_type3A_377 = arith.sitofp %convert_element_type3A_376 : vector<256x256xi32> to vector<256x256xf32>
    %reduce_sum3A_378 = arith.constant dense<0.000000e+00> : vector<256xf32>
    %reduce_sum3A_379 = vector.multi_reduction <add>, %convert_element_type3A_377, %reduce_sum3A_378 [1] : vector<256x256xf32> to vector<256xf32>
    %broadcast_in_dim3A_380 = vector.shape_cast %reduce_sum3A_379 : vector<256xf32> to vector<256x1xf32>
    %add3A_381 = arith.addf %add3A_367, %broadcast_in_dim3A_380 : vector<256x1xf32>
    %reduce_sum3A_382 = arith.constant dense<0.000000e+00> : vector<256xf32>
    %reduce_sum3A_383 = vector.multi_reduction <add>, %convert_element_type3A_377, %reduce_sum3A_382 [0] : vector<256x256xf32> to vector<256xf32>
    %broadcast_in_dim3A_384 = vector.shape_cast %reduce_sum3A_383 : vector<256xf32> to vector<1x256xf32>
    %add3A_385 = arith.addf %add3A_283, %broadcast_in_dim3A_384 : vector<1x256xf32>
    %slice3A_386 = vector.extract_strided_slice %div3A_132 {offsets = [512, 0], sizes = [256, 1], strides = [1, 1]} : vector<2048x1xf32> to vector<256x1xf32>
    %slice3A_387 = vector.extract_strided_slice %transpose3A {offsets = [0, 512], sizes = [1, 256], strides = [1, 1]} : vector<1x2048xf32> to vector<1x256xf32>
    %lt3A_388 = vector.broadcast %slice3A_387 : vector<1x256xf32> to vector<256x256xf32>
    %lt3A_389 = vector.broadcast %slice3A_386 : vector<256x1xf32> to vector<256x256xf32>
    %lt3A_390 = arith.cmpf olt, %lt3A_388, %lt3A_389 : vector<256x256xf32>
    %convert_element_type3A_391 = arith.extui %lt3A_390 : vector<256x256xi1> to vector<256x256xi32>
    %convert_element_type3A_392 = arith.sitofp %convert_element_type3A_391 : vector<256x256xi32> to vector<256x256xf32>
    %eq3A_393 = vector.broadcast %slice3A_387 : vector<1x256xf32> to vector<256x256xf32>
    %eq3A_394 = vector.broadcast %slice3A_386 : vector<256x1xf32> to vector<256x256xf32>
    %eq3A_395 = arith.cmpf oeq, %eq3A_393, %eq3A_394 : vector<256x256xf32>
    %convert_element_type3A_396 = arith.extui %eq3A_395 : vector<256x256xi1> to vector<256x256xi32>
    %convert_element_type3A_397 = arith.sitofp %convert_element_type3A_396 : vector<256x256xi32> to vector<256x256xf32>
    %mul3A_398 = arith.mulf %convert_element_type3A_397, %convert_element_type3A_136 : vector<256x256xf32>
    %add3A_399 = arith.addf %convert_element_type3A_392, %mul3A_398 : vector<256x256xf32>
    %reduce_sum3A_400 = arith.constant dense<0.000000e+00> : vector<256xf32>
    %reduce_sum3A_401 = vector.multi_reduction <add>, %add3A_399, %reduce_sum3A_400 [1] : vector<256x256xf32> to vector<256xf32>
    %broadcast_in_dim3A_402 = vector.shape_cast %reduce_sum3A_401 : vector<256xf32> to vector<256x1xf32>
    %add3A_403 = arith.addf %broadcast_in_dim3A_142, %broadcast_in_dim3A_402 : vector<256x1xf32>
    %slice3A_404 = vector.extract_strided_slice %transpose3A {offsets = [0, 768], sizes = [1, 256], strides = [1, 1]} : vector<1x2048xf32> to vector<1x256xf32>
    %lt3A_405 = vector.broadcast %slice3A_404 : vector<1x256xf32> to vector<256x256xf32>
    %lt3A_406 = vector.broadcast %slice3A_386 : vector<256x1xf32> to vector<256x256xf32>
    %lt3A_407 = arith.cmpf olt, %lt3A_405, %lt3A_406 : vector<256x256xf32>
    %convert_element_type3A_408 = arith.extui %lt3A_407 : vector<256x256xi1> to vector<256x256xi32>
    %convert_element_type3A_409 = arith.sitofp %convert_element_type3A_408 : vector<256x256xi32> to vector<256x256xf32>
    %reduce_sum3A_410 = arith.constant dense<0.000000e+00> : vector<256xf32>
    %reduce_sum3A_411 = vector.multi_reduction <add>, %convert_element_type3A_409, %reduce_sum3A_410 [1] : vector<256x256xf32> to vector<256xf32>
    %broadcast_in_dim3A_412 = vector.shape_cast %reduce_sum3A_411 : vector<256xf32> to vector<256x1xf32>
    %add3A_413 = arith.addf %add3A_403, %broadcast_in_dim3A_412 : vector<256x1xf32>
    %reduce_sum3A_414 = arith.constant dense<0.000000e+00> : vector<256xf32>
    %reduce_sum3A_415 = vector.multi_reduction <add>, %convert_element_type3A_409, %reduce_sum3A_414 [0] : vector<256x256xf32> to vector<256xf32>
    %broadcast_in_dim3A_416 = vector.shape_cast %reduce_sum3A_415 : vector<256xf32> to vector<1x256xf32>
    %add3A_417 = arith.addf %add3A_329, %broadcast_in_dim3A_416 : vector<1x256xf32>
    %slice3A_418 = vector.extract_strided_slice %transpose3A {offsets = [0, 1024], sizes = [1, 256], strides = [1, 1]} : vector<1x2048xf32> to vector<1x256xf32>
    %lt3A_419 = vector.broadcast %slice3A_418 : vector<1x256xf32> to vector<256x256xf32>
    %lt3A_420 = vector.broadcast %slice3A_386 : vector<256x1xf32> to vector<256x256xf32>
    %lt3A_421 = arith.cmpf olt, %lt3A_419, %lt3A_420 : vector<256x256xf32>
    %convert_element_type3A_422 = arith.extui %lt3A_421 : vector<256x256xi1> to vector<256x256xi32>
    %convert_element_type3A_423 = arith.sitofp %convert_element_type3A_422 : vector<256x256xi32> to vector<256x256xf32>
    %reduce_sum3A_424 = arith.constant dense<0.000000e+00> : vector<256xf32>
    %reduce_sum3A_425 = vector.multi_reduction <add>, %convert_element_type3A_423, %reduce_sum3A_424 [1] : vector<256x256xf32> to vector<256xf32>
    %broadcast_in_dim3A_426 = vector.shape_cast %reduce_sum3A_425 : vector<256xf32> to vector<256x1xf32>
    %add3A_427 = arith.addf %add3A_413, %broadcast_in_dim3A_426 : vector<256x1xf32>
    %reduce_sum3A_428 = arith.constant dense<0.000000e+00> : vector<256xf32>
    %reduce_sum3A_429 = vector.multi_reduction <add>, %convert_element_type3A_423, %reduce_sum3A_428 [0] : vector<256x256xf32> to vector<256xf32>
    %broadcast_in_dim3A_430 = vector.shape_cast %reduce_sum3A_429 : vector<256xf32> to vector<1x256xf32>
    %add3A_431 = arith.addf %add3A_343, %broadcast_in_dim3A_430 : vector<1x256xf32>
    %slice3A_432 = vector.extract_strided_slice %transpose3A {offsets = [0, 1280], sizes = [1, 256], strides = [1, 1]} : vector<1x2048xf32> to vector<1x256xf32>
    %lt3A_433 = vector.broadcast %slice3A_432 : vector<1x256xf32> to vector<256x256xf32>
    %lt3A_434 = vector.broadcast %slice3A_386 : vector<256x1xf32> to vector<256x256xf32>
    %lt3A_435 = arith.cmpf olt, %lt3A_433, %lt3A_434 : vector<256x256xf32>
    %convert_element_type3A_436 = arith.extui %lt3A_435 : vector<256x256xi1> to vector<256x256xi32>
    %convert_element_type3A_437 = arith.sitofp %convert_element_type3A_436 : vector<256x256xi32> to vector<256x256xf32>
    %reduce_sum3A_438 = arith.constant dense<0.000000e+00> : vector<256xf32>
    %reduce_sum3A_439 = vector.multi_reduction <add>, %convert_element_type3A_437, %reduce_sum3A_438 [1] : vector<256x256xf32> to vector<256xf32>
    %broadcast_in_dim3A_440 = vector.shape_cast %reduce_sum3A_439 : vector<256xf32> to vector<256x1xf32>
    %add3A_441 = arith.addf %add3A_427, %broadcast_in_dim3A_440 : vector<256x1xf32>
    %reduce_sum3A_442 = arith.constant dense<0.000000e+00> : vector<256xf32>
    %reduce_sum3A_443 = vector.multi_reduction <add>, %convert_element_type3A_437, %reduce_sum3A_442 [0] : vector<256x256xf32> to vector<256xf32>
    %broadcast_in_dim3A_444 = vector.shape_cast %reduce_sum3A_443 : vector<256xf32> to vector<1x256xf32>
    %add3A_445 = arith.addf %add3A_357, %broadcast_in_dim3A_444 : vector<1x256xf32>
    %slice3A_446 = vector.extract_strided_slice %transpose3A {offsets = [0, 1536], sizes = [1, 256], strides = [1, 1]} : vector<1x2048xf32> to vector<1x256xf32>
    %lt3A_447 = vector.broadcast %slice3A_446 : vector<1x256xf32> to vector<256x256xf32>
    %lt3A_448 = vector.broadcast %slice3A_386 : vector<256x1xf32> to vector<256x256xf32>
    %lt3A_449 = arith.cmpf olt, %lt3A_447, %lt3A_448 : vector<256x256xf32>
    %convert_element_type3A_450 = arith.extui %lt3A_449 : vector<256x256xi1> to vector<256x256xi32>
    %convert_element_type3A_451 = arith.sitofp %convert_element_type3A_450 : vector<256x256xi32> to vector<256x256xf32>
    %reduce_sum3A_452 = arith.constant dense<0.000000e+00> : vector<256xf32>
    %reduce_sum3A_453 = vector.multi_reduction <add>, %convert_element_type3A_451, %reduce_sum3A_452 [1] : vector<256x256xf32> to vector<256xf32>
    %broadcast_in_dim3A_454 = vector.shape_cast %reduce_sum3A_453 : vector<256xf32> to vector<256x1xf32>
    %add3A_455 = arith.addf %add3A_441, %broadcast_in_dim3A_454 : vector<256x1xf32>
    %reduce_sum3A_456 = arith.constant dense<0.000000e+00> : vector<256xf32>
    %reduce_sum3A_457 = vector.multi_reduction <add>, %convert_element_type3A_451, %reduce_sum3A_456 [0] : vector<256x256xf32> to vector<256xf32>
    %broadcast_in_dim3A_458 = vector.shape_cast %reduce_sum3A_457 : vector<256xf32> to vector<1x256xf32>
    %add3A_459 = arith.addf %add3A_371, %broadcast_in_dim3A_458 : vector<1x256xf32>
    %slice3A_460 = vector.extract_strided_slice %transpose3A {offsets = [0, 1792], sizes = [1, 256], strides = [1, 1]} : vector<1x2048xf32> to vector<1x256xf32>
    %lt3A_461 = vector.broadcast %slice3A_460 : vector<1x256xf32> to vector<256x256xf32>
    %lt3A_462 = vector.broadcast %slice3A_386 : vector<256x1xf32> to vector<256x256xf32>
    %lt3A_463 = arith.cmpf olt, %lt3A_461, %lt3A_462 : vector<256x256xf32>
    %convert_element_type3A_464 = arith.extui %lt3A_463 : vector<256x256xi1> to vector<256x256xi32>
    %convert_element_type3A_465 = arith.sitofp %convert_element_type3A_464 : vector<256x256xi32> to vector<256x256xf32>
    %reduce_sum3A_466 = arith.constant dense<0.000000e+00> : vector<256xf32>
    %reduce_sum3A_467 = vector.multi_reduction <add>, %convert_element_type3A_465, %reduce_sum3A_466 [1] : vector<256x256xf32> to vector<256xf32>
    %broadcast_in_dim3A_468 = vector.shape_cast %reduce_sum3A_467 : vector<256xf32> to vector<256x1xf32>
    %add3A_469 = arith.addf %add3A_455, %broadcast_in_dim3A_468 : vector<256x1xf32>
    %reduce_sum3A_470 = arith.constant dense<0.000000e+00> : vector<256xf32>
    %reduce_sum3A_471 = vector.multi_reduction <add>, %convert_element_type3A_465, %reduce_sum3A_470 [0] : vector<256x256xf32> to vector<256xf32>
    %broadcast_in_dim3A_472 = vector.shape_cast %reduce_sum3A_471 : vector<256xf32> to vector<1x256xf32>
    %add3A_473 = arith.addf %add3A_385, %broadcast_in_dim3A_472 : vector<1x256xf32>
    %slice3A_474 = vector.extract_strided_slice %div3A_132 {offsets = [768, 0], sizes = [256, 1], strides = [1, 1]} : vector<2048x1xf32> to vector<256x1xf32>
    %slice3A_475 = vector.extract_strided_slice %transpose3A {offsets = [0, 768], sizes = [1, 256], strides = [1, 1]} : vector<1x2048xf32> to vector<1x256xf32>
    %lt3A_476 = vector.broadcast %slice3A_475 : vector<1x256xf32> to vector<256x256xf32>
    %lt3A_477 = vector.broadcast %slice3A_474 : vector<256x1xf32> to vector<256x256xf32>
    %lt3A_478 = arith.cmpf olt, %lt3A_476, %lt3A_477 : vector<256x256xf32>
    %convert_element_type3A_479 = arith.extui %lt3A_478 : vector<256x256xi1> to vector<256x256xi32>
    %convert_element_type3A_480 = arith.sitofp %convert_element_type3A_479 : vector<256x256xi32> to vector<256x256xf32>
    %eq3A_481 = vector.broadcast %slice3A_475 : vector<1x256xf32> to vector<256x256xf32>
    %eq3A_482 = vector.broadcast %slice3A_474 : vector<256x1xf32> to vector<256x256xf32>
    %eq3A_483 = arith.cmpf oeq, %eq3A_481, %eq3A_482 : vector<256x256xf32>
    %convert_element_type3A_484 = arith.extui %eq3A_483 : vector<256x256xi1> to vector<256x256xi32>
    %convert_element_type3A_485 = arith.sitofp %convert_element_type3A_484 : vector<256x256xi32> to vector<256x256xf32>
    %mul3A_486 = arith.mulf %convert_element_type3A_485, %convert_element_type3A_136 : vector<256x256xf32>
    %add3A_487 = arith.addf %convert_element_type3A_480, %mul3A_486 : vector<256x256xf32>
    %reduce_sum3A_488 = arith.constant dense<0.000000e+00> : vector<256xf32>
    %reduce_sum3A_489 = vector.multi_reduction <add>, %add3A_487, %reduce_sum3A_488 [1] : vector<256x256xf32> to vector<256xf32>
    %broadcast_in_dim3A_490 = vector.shape_cast %reduce_sum3A_489 : vector<256xf32> to vector<256x1xf32>
    %add3A_491 = arith.addf %broadcast_in_dim3A_144, %broadcast_in_dim3A_490 : vector<256x1xf32>
    %slice3A_492 = vector.extract_strided_slice %transpose3A {offsets = [0, 1024], sizes = [1, 256], strides = [1, 1]} : vector<1x2048xf32> to vector<1x256xf32>
    %lt3A_493 = vector.broadcast %slice3A_492 : vector<1x256xf32> to vector<256x256xf32>
    %lt3A_494 = vector.broadcast %slice3A_474 : vector<256x1xf32> to vector<256x256xf32>
    %lt3A_495 = arith.cmpf olt, %lt3A_493, %lt3A_494 : vector<256x256xf32>
    %convert_element_type3A_496 = arith.extui %lt3A_495 : vector<256x256xi1> to vector<256x256xi32>
    %convert_element_type3A_497 = arith.sitofp %convert_element_type3A_496 : vector<256x256xi32> to vector<256x256xf32>
    %reduce_sum3A_498 = arith.constant dense<0.000000e+00> : vector<256xf32>
    %reduce_sum3A_499 = vector.multi_reduction <add>, %convert_element_type3A_497, %reduce_sum3A_498 [1] : vector<256x256xf32> to vector<256xf32>
    %broadcast_in_dim3A_500 = vector.shape_cast %reduce_sum3A_499 : vector<256xf32> to vector<256x1xf32>
    %add3A_501 = arith.addf %add3A_491, %broadcast_in_dim3A_500 : vector<256x1xf32>
    %reduce_sum3A_502 = arith.constant dense<0.000000e+00> : vector<256xf32>
    %reduce_sum3A_503 = vector.multi_reduction <add>, %convert_element_type3A_497, %reduce_sum3A_502 [0] : vector<256x256xf32> to vector<256xf32>
    %broadcast_in_dim3A_504 = vector.shape_cast %reduce_sum3A_503 : vector<256xf32> to vector<1x256xf32>
    %add3A_505 = arith.addf %add3A_431, %broadcast_in_dim3A_504 : vector<1x256xf32>
    %slice3A_506 = vector.extract_strided_slice %transpose3A {offsets = [0, 1280], sizes = [1, 256], strides = [1, 1]} : vector<1x2048xf32> to vector<1x256xf32>
    %lt3A_507 = vector.broadcast %slice3A_506 : vector<1x256xf32> to vector<256x256xf32>
    %lt3A_508 = vector.broadcast %slice3A_474 : vector<256x1xf32> to vector<256x256xf32>
    %lt3A_509 = arith.cmpf olt, %lt3A_507, %lt3A_508 : vector<256x256xf32>
    %convert_element_type3A_510 = arith.extui %lt3A_509 : vector<256x256xi1> to vector<256x256xi32>
    %convert_element_type3A_511 = arith.sitofp %convert_element_type3A_510 : vector<256x256xi32> to vector<256x256xf32>
    %reduce_sum3A_512 = arith.constant dense<0.000000e+00> : vector<256xf32>
    %reduce_sum3A_513 = vector.multi_reduction <add>, %convert_element_type3A_511, %reduce_sum3A_512 [1] : vector<256x256xf32> to vector<256xf32>
    %broadcast_in_dim3A_514 = vector.shape_cast %reduce_sum3A_513 : vector<256xf32> to vector<256x1xf32>
    %add3A_515 = arith.addf %add3A_501, %broadcast_in_dim3A_514 : vector<256x1xf32>
    %reduce_sum3A_516 = arith.constant dense<0.000000e+00> : vector<256xf32>
    %reduce_sum3A_517 = vector.multi_reduction <add>, %convert_element_type3A_511, %reduce_sum3A_516 [0] : vector<256x256xf32> to vector<256xf32>
    %broadcast_in_dim3A_518 = vector.shape_cast %reduce_sum3A_517 : vector<256xf32> to vector<1x256xf32>
    %add3A_519 = arith.addf %add3A_445, %broadcast_in_dim3A_518 : vector<1x256xf32>
    %slice3A_520 = vector.extract_strided_slice %transpose3A {offsets = [0, 1536], sizes = [1, 256], strides = [1, 1]} : vector<1x2048xf32> to vector<1x256xf32>
    %lt3A_521 = vector.broadcast %slice3A_520 : vector<1x256xf32> to vector<256x256xf32>
    %lt3A_522 = vector.broadcast %slice3A_474 : vector<256x1xf32> to vector<256x256xf32>
    %lt3A_523 = arith.cmpf olt, %lt3A_521, %lt3A_522 : vector<256x256xf32>
    %convert_element_type3A_524 = arith.extui %lt3A_523 : vector<256x256xi1> to vector<256x256xi32>
    %convert_element_type3A_525 = arith.sitofp %convert_element_type3A_524 : vector<256x256xi32> to vector<256x256xf32>
    %reduce_sum3A_526 = arith.constant dense<0.000000e+00> : vector<256xf32>
    %reduce_sum3A_527 = vector.multi_reduction <add>, %convert_element_type3A_525, %reduce_sum3A_526 [1] : vector<256x256xf32> to vector<256xf32>
    %broadcast_in_dim3A_528 = vector.shape_cast %reduce_sum3A_527 : vector<256xf32> to vector<256x1xf32>
    %add3A_529 = arith.addf %add3A_515, %broadcast_in_dim3A_528 : vector<256x1xf32>
    %reduce_sum3A_530 = arith.constant dense<0.000000e+00> : vector<256xf32>
    %reduce_sum3A_531 = vector.multi_reduction <add>, %convert_element_type3A_525, %reduce_sum3A_530 [0] : vector<256x256xf32> to vector<256xf32>
    %broadcast_in_dim3A_532 = vector.shape_cast %reduce_sum3A_531 : vector<256xf32> to vector<1x256xf32>
    %add3A_533 = arith.addf %add3A_459, %broadcast_in_dim3A_532 : vector<1x256xf32>
    %slice3A_534 = vector.extract_strided_slice %transpose3A {offsets = [0, 1792], sizes = [1, 256], strides = [1, 1]} : vector<1x2048xf32> to vector<1x256xf32>
    %lt3A_535 = vector.broadcast %slice3A_534 : vector<1x256xf32> to vector<256x256xf32>
    %lt3A_536 = vector.broadcast %slice3A_474 : vector<256x1xf32> to vector<256x256xf32>
    %lt3A_537 = arith.cmpf olt, %lt3A_535, %lt3A_536 : vector<256x256xf32>
    %convert_element_type3A_538 = arith.extui %lt3A_537 : vector<256x256xi1> to vector<256x256xi32>
    %convert_element_type3A_539 = arith.sitofp %convert_element_type3A_538 : vector<256x256xi32> to vector<256x256xf32>
    %reduce_sum3A_540 = arith.constant dense<0.000000e+00> : vector<256xf32>
    %reduce_sum3A_541 = vector.multi_reduction <add>, %convert_element_type3A_539, %reduce_sum3A_540 [1] : vector<256x256xf32> to vector<256xf32>
    %broadcast_in_dim3A_542 = vector.shape_cast %reduce_sum3A_541 : vector<256xf32> to vector<256x1xf32>
    %add3A_543 = arith.addf %add3A_529, %broadcast_in_dim3A_542 : vector<256x1xf32>
    %reduce_sum3A_544 = arith.constant dense<0.000000e+00> : vector<256xf32>
    %reduce_sum3A_545 = vector.multi_reduction <add>, %convert_element_type3A_539, %reduce_sum3A_544 [0] : vector<256x256xf32> to vector<256xf32>
    %broadcast_in_dim3A_546 = vector.shape_cast %reduce_sum3A_545 : vector<256xf32> to vector<1x256xf32>
    %add3A_547 = arith.addf %add3A_473, %broadcast_in_dim3A_546 : vector<1x256xf32>
    %slice3A_548 = vector.extract_strided_slice %div3A_132 {offsets = [1024, 0], sizes = [256, 1], strides = [1, 1]} : vector<2048x1xf32> to vector<256x1xf32>
    %slice3A_549 = vector.extract_strided_slice %transpose3A {offsets = [0, 1024], sizes = [1, 256], strides = [1, 1]} : vector<1x2048xf32> to vector<1x256xf32>
    %lt3A_550 = vector.broadcast %slice3A_549 : vector<1x256xf32> to vector<256x256xf32>
    %lt3A_551 = vector.broadcast %slice3A_548 : vector<256x1xf32> to vector<256x256xf32>
    %lt3A_552 = arith.cmpf olt, %lt3A_550, %lt3A_551 : vector<256x256xf32>
    %convert_element_type3A_553 = arith.extui %lt3A_552 : vector<256x256xi1> to vector<256x256xi32>
    %convert_element_type3A_554 = arith.sitofp %convert_element_type3A_553 : vector<256x256xi32> to vector<256x256xf32>
    %eq3A_555 = vector.broadcast %slice3A_549 : vector<1x256xf32> to vector<256x256xf32>
    %eq3A_556 = vector.broadcast %slice3A_548 : vector<256x1xf32> to vector<256x256xf32>
    %eq3A_557 = arith.cmpf oeq, %eq3A_555, %eq3A_556 : vector<256x256xf32>
    %convert_element_type3A_558 = arith.extui %eq3A_557 : vector<256x256xi1> to vector<256x256xi32>
    %convert_element_type3A_559 = arith.sitofp %convert_element_type3A_558 : vector<256x256xi32> to vector<256x256xf32>
    %mul3A_560 = arith.mulf %convert_element_type3A_559, %convert_element_type3A_136 : vector<256x256xf32>
    %add3A_561 = arith.addf %convert_element_type3A_554, %mul3A_560 : vector<256x256xf32>
    %reduce_sum3A_562 = arith.constant dense<0.000000e+00> : vector<256xf32>
    %reduce_sum3A_563 = vector.multi_reduction <add>, %add3A_561, %reduce_sum3A_562 [1] : vector<256x256xf32> to vector<256xf32>
    %broadcast_in_dim3A_564 = vector.shape_cast %reduce_sum3A_563 : vector<256xf32> to vector<256x1xf32>
    %add3A_565 = arith.addf %broadcast_in_dim3A_146, %broadcast_in_dim3A_564 : vector<256x1xf32>
    %slice3A_566 = vector.extract_strided_slice %transpose3A {offsets = [0, 1280], sizes = [1, 256], strides = [1, 1]} : vector<1x2048xf32> to vector<1x256xf32>
    %lt3A_567 = vector.broadcast %slice3A_566 : vector<1x256xf32> to vector<256x256xf32>
    %lt3A_568 = vector.broadcast %slice3A_548 : vector<256x1xf32> to vector<256x256xf32>
    %lt3A_569 = arith.cmpf olt, %lt3A_567, %lt3A_568 : vector<256x256xf32>
    %convert_element_type3A_570 = arith.extui %lt3A_569 : vector<256x256xi1> to vector<256x256xi32>
    %convert_element_type3A_571 = arith.sitofp %convert_element_type3A_570 : vector<256x256xi32> to vector<256x256xf32>
    %reduce_sum3A_572 = arith.constant dense<0.000000e+00> : vector<256xf32>
    %reduce_sum3A_573 = vector.multi_reduction <add>, %convert_element_type3A_571, %reduce_sum3A_572 [1] : vector<256x256xf32> to vector<256xf32>
    %broadcast_in_dim3A_574 = vector.shape_cast %reduce_sum3A_573 : vector<256xf32> to vector<256x1xf32>
    %add3A_575 = arith.addf %add3A_565, %broadcast_in_dim3A_574 : vector<256x1xf32>
    %reduce_sum3A_576 = arith.constant dense<0.000000e+00> : vector<256xf32>
    %reduce_sum3A_577 = vector.multi_reduction <add>, %convert_element_type3A_571, %reduce_sum3A_576 [0] : vector<256x256xf32> to vector<256xf32>
    %broadcast_in_dim3A_578 = vector.shape_cast %reduce_sum3A_577 : vector<256xf32> to vector<1x256xf32>
    %add3A_579 = arith.addf %add3A_519, %broadcast_in_dim3A_578 : vector<1x256xf32>
    %slice3A_580 = vector.extract_strided_slice %transpose3A {offsets = [0, 1536], sizes = [1, 256], strides = [1, 1]} : vector<1x2048xf32> to vector<1x256xf32>
    %lt3A_581 = vector.broadcast %slice3A_580 : vector<1x256xf32> to vector<256x256xf32>
    %lt3A_582 = vector.broadcast %slice3A_548 : vector<256x1xf32> to vector<256x256xf32>
    %lt3A_583 = arith.cmpf olt, %lt3A_581, %lt3A_582 : vector<256x256xf32>
    %convert_element_type3A_584 = arith.extui %lt3A_583 : vector<256x256xi1> to vector<256x256xi32>
    %convert_element_type3A_585 = arith.sitofp %convert_element_type3A_584 : vector<256x256xi32> to vector<256x256xf32>
    %reduce_sum3A_586 = arith.constant dense<0.000000e+00> : vector<256xf32>
    %reduce_sum3A_587 = vector.multi_reduction <add>, %convert_element_type3A_585, %reduce_sum3A_586 [1] : vector<256x256xf32> to vector<256xf32>
    %broadcast_in_dim3A_588 = vector.shape_cast %reduce_sum3A_587 : vector<256xf32> to vector<256x1xf32>
    %add3A_589 = arith.addf %add3A_575, %broadcast_in_dim3A_588 : vector<256x1xf32>
    %reduce_sum3A_590 = arith.constant dense<0.000000e+00> : vector<256xf32>
    %reduce_sum3A_591 = vector.multi_reduction <add>, %convert_element_type3A_585, %reduce_sum3A_590 [0] : vector<256x256xf32> to vector<256xf32>
    %broadcast_in_dim3A_592 = vector.shape_cast %reduce_sum3A_591 : vector<256xf32> to vector<1x256xf32>
    %add3A_593 = arith.addf %add3A_533, %broadcast_in_dim3A_592 : vector<1x256xf32>
    %slice3A_594 = vector.extract_strided_slice %transpose3A {offsets = [0, 1792], sizes = [1, 256], strides = [1, 1]} : vector<1x2048xf32> to vector<1x256xf32>
    %lt3A_595 = vector.broadcast %slice3A_594 : vector<1x256xf32> to vector<256x256xf32>
    %lt3A_596 = vector.broadcast %slice3A_548 : vector<256x1xf32> to vector<256x256xf32>
    %lt3A_597 = arith.cmpf olt, %lt3A_595, %lt3A_596 : vector<256x256xf32>
    %convert_element_type3A_598 = arith.extui %lt3A_597 : vector<256x256xi1> to vector<256x256xi32>
    %convert_element_type3A_599 = arith.sitofp %convert_element_type3A_598 : vector<256x256xi32> to vector<256x256xf32>
    %reduce_sum3A_600 = arith.constant dense<0.000000e+00> : vector<256xf32>
    %reduce_sum3A_601 = vector.multi_reduction <add>, %convert_element_type3A_599, %reduce_sum3A_600 [1] : vector<256x256xf32> to vector<256xf32>
    %broadcast_in_dim3A_602 = vector.shape_cast %reduce_sum3A_601 : vector<256xf32> to vector<256x1xf32>
    %add3A_603 = arith.addf %add3A_589, %broadcast_in_dim3A_602 : vector<256x1xf32>
    %reduce_sum3A_604 = arith.constant dense<0.000000e+00> : vector<256xf32>
    %reduce_sum3A_605 = vector.multi_reduction <add>, %convert_element_type3A_599, %reduce_sum3A_604 [0] : vector<256x256xf32> to vector<256xf32>
    %broadcast_in_dim3A_606 = vector.shape_cast %reduce_sum3A_605 : vector<256xf32> to vector<1x256xf32>
    %add3A_607 = arith.addf %add3A_547, %broadcast_in_dim3A_606 : vector<1x256xf32>
    %slice3A_608 = vector.extract_strided_slice %div3A_132 {offsets = [1280, 0], sizes = [256, 1], strides = [1, 1]} : vector<2048x1xf32> to vector<256x1xf32>
    %slice3A_609 = vector.extract_strided_slice %transpose3A {offsets = [0, 1280], sizes = [1, 256], strides = [1, 1]} : vector<1x2048xf32> to vector<1x256xf32>
    %lt3A_610 = vector.broadcast %slice3A_609 : vector<1x256xf32> to vector<256x256xf32>
    %lt3A_611 = vector.broadcast %slice3A_608 : vector<256x1xf32> to vector<256x256xf32>
    %lt3A_612 = arith.cmpf olt, %lt3A_610, %lt3A_611 : vector<256x256xf32>
    %convert_element_type3A_613 = arith.extui %lt3A_612 : vector<256x256xi1> to vector<256x256xi32>
    %convert_element_type3A_614 = arith.sitofp %convert_element_type3A_613 : vector<256x256xi32> to vector<256x256xf32>
    %eq3A_615 = vector.broadcast %slice3A_609 : vector<1x256xf32> to vector<256x256xf32>
    %eq3A_616 = vector.broadcast %slice3A_608 : vector<256x1xf32> to vector<256x256xf32>
    %eq3A_617 = arith.cmpf oeq, %eq3A_615, %eq3A_616 : vector<256x256xf32>
    %convert_element_type3A_618 = arith.extui %eq3A_617 : vector<256x256xi1> to vector<256x256xi32>
    %convert_element_type3A_619 = arith.sitofp %convert_element_type3A_618 : vector<256x256xi32> to vector<256x256xf32>
    %mul3A_620 = arith.mulf %convert_element_type3A_619, %convert_element_type3A_136 : vector<256x256xf32>
    %add3A_621 = arith.addf %convert_element_type3A_614, %mul3A_620 : vector<256x256xf32>
    %reduce_sum3A_622 = arith.constant dense<0.000000e+00> : vector<256xf32>
    %reduce_sum3A_623 = vector.multi_reduction <add>, %add3A_621, %reduce_sum3A_622 [1] : vector<256x256xf32> to vector<256xf32>
    %broadcast_in_dim3A_624 = vector.shape_cast %reduce_sum3A_623 : vector<256xf32> to vector<256x1xf32>
    %add3A_625 = arith.addf %broadcast_in_dim3A_148, %broadcast_in_dim3A_624 : vector<256x1xf32>
    %slice3A_626 = vector.extract_strided_slice %transpose3A {offsets = [0, 1536], sizes = [1, 256], strides = [1, 1]} : vector<1x2048xf32> to vector<1x256xf32>
    %lt3A_627 = vector.broadcast %slice3A_626 : vector<1x256xf32> to vector<256x256xf32>
    %lt3A_628 = vector.broadcast %slice3A_608 : vector<256x1xf32> to vector<256x256xf32>
    %lt3A_629 = arith.cmpf olt, %lt3A_627, %lt3A_628 : vector<256x256xf32>
    %convert_element_type3A_630 = arith.extui %lt3A_629 : vector<256x256xi1> to vector<256x256xi32>
    %convert_element_type3A_631 = arith.sitofp %convert_element_type3A_630 : vector<256x256xi32> to vector<256x256xf32>
    %reduce_sum3A_632 = arith.constant dense<0.000000e+00> : vector<256xf32>
    %reduce_sum3A_633 = vector.multi_reduction <add>, %convert_element_type3A_631, %reduce_sum3A_632 [1] : vector<256x256xf32> to vector<256xf32>
    %broadcast_in_dim3A_634 = vector.shape_cast %reduce_sum3A_633 : vector<256xf32> to vector<256x1xf32>
    %add3A_635 = arith.addf %add3A_625, %broadcast_in_dim3A_634 : vector<256x1xf32>
    %reduce_sum3A_636 = arith.constant dense<0.000000e+00> : vector<256xf32>
    %reduce_sum3A_637 = vector.multi_reduction <add>, %convert_element_type3A_631, %reduce_sum3A_636 [0] : vector<256x256xf32> to vector<256xf32>
    %broadcast_in_dim3A_638 = vector.shape_cast %reduce_sum3A_637 : vector<256xf32> to vector<1x256xf32>
    %add3A_639 = arith.addf %add3A_593, %broadcast_in_dim3A_638 : vector<1x256xf32>
    %slice3A_640 = vector.extract_strided_slice %transpose3A {offsets = [0, 1792], sizes = [1, 256], strides = [1, 1]} : vector<1x2048xf32> to vector<1x256xf32>
    %lt3A_641 = vector.broadcast %slice3A_640 : vector<1x256xf32> to vector<256x256xf32>
    %lt3A_642 = vector.broadcast %slice3A_608 : vector<256x1xf32> to vector<256x256xf32>
    %lt3A_643 = arith.cmpf olt, %lt3A_641, %lt3A_642 : vector<256x256xf32>
    %convert_element_type3A_644 = arith.extui %lt3A_643 : vector<256x256xi1> to vector<256x256xi32>
    %convert_element_type3A_645 = arith.sitofp %convert_element_type3A_644 : vector<256x256xi32> to vector<256x256xf32>
    %reduce_sum3A_646 = arith.constant dense<0.000000e+00> : vector<256xf32>
    %reduce_sum3A_647 = vector.multi_reduction <add>, %convert_element_type3A_645, %reduce_sum3A_646 [1] : vector<256x256xf32> to vector<256xf32>
    %broadcast_in_dim3A_648 = vector.shape_cast %reduce_sum3A_647 : vector<256xf32> to vector<256x1xf32>
    %add3A_649 = arith.addf %add3A_635, %broadcast_in_dim3A_648 : vector<256x1xf32>
    %reduce_sum3A_650 = arith.constant dense<0.000000e+00> : vector<256xf32>
    %reduce_sum3A_651 = vector.multi_reduction <add>, %convert_element_type3A_645, %reduce_sum3A_650 [0] : vector<256x256xf32> to vector<256xf32>
    %broadcast_in_dim3A_652 = vector.shape_cast %reduce_sum3A_651 : vector<256xf32> to vector<1x256xf32>
    %add3A_653 = arith.addf %add3A_607, %broadcast_in_dim3A_652 : vector<1x256xf32>
    %slice3A_654 = vector.extract_strided_slice %div3A_132 {offsets = [1536, 0], sizes = [256, 1], strides = [1, 1]} : vector<2048x1xf32> to vector<256x1xf32>
    %slice3A_655 = vector.extract_strided_slice %transpose3A {offsets = [0, 1536], sizes = [1, 256], strides = [1, 1]} : vector<1x2048xf32> to vector<1x256xf32>
    %lt3A_656 = vector.broadcast %slice3A_655 : vector<1x256xf32> to vector<256x256xf32>
    %lt3A_657 = vector.broadcast %slice3A_654 : vector<256x1xf32> to vector<256x256xf32>
    %lt3A_658 = arith.cmpf olt, %lt3A_656, %lt3A_657 : vector<256x256xf32>
    %convert_element_type3A_659 = arith.extui %lt3A_658 : vector<256x256xi1> to vector<256x256xi32>
    %convert_element_type3A_660 = arith.sitofp %convert_element_type3A_659 : vector<256x256xi32> to vector<256x256xf32>
    %eq3A_661 = vector.broadcast %slice3A_655 : vector<1x256xf32> to vector<256x256xf32>
    %eq3A_662 = vector.broadcast %slice3A_654 : vector<256x1xf32> to vector<256x256xf32>
    %eq3A_663 = arith.cmpf oeq, %eq3A_661, %eq3A_662 : vector<256x256xf32>
    %convert_element_type3A_664 = arith.extui %eq3A_663 : vector<256x256xi1> to vector<256x256xi32>
    %convert_element_type3A_665 = arith.sitofp %convert_element_type3A_664 : vector<256x256xi32> to vector<256x256xf32>
    %mul3A_666 = arith.mulf %convert_element_type3A_665, %convert_element_type3A_136 : vector<256x256xf32>
    %add3A_667 = arith.addf %convert_element_type3A_660, %mul3A_666 : vector<256x256xf32>
    %reduce_sum3A_668 = arith.constant dense<0.000000e+00> : vector<256xf32>
    %reduce_sum3A_669 = vector.multi_reduction <add>, %add3A_667, %reduce_sum3A_668 [1] : vector<256x256xf32> to vector<256xf32>
    %broadcast_in_dim3A_670 = vector.shape_cast %reduce_sum3A_669 : vector<256xf32> to vector<256x1xf32>
    %add3A_671 = arith.addf %broadcast_in_dim3A_150, %broadcast_in_dim3A_670 : vector<256x1xf32>
    %slice3A_672 = vector.extract_strided_slice %transpose3A {offsets = [0, 1792], sizes = [1, 256], strides = [1, 1]} : vector<1x2048xf32> to vector<1x256xf32>
    %lt3A_673 = vector.broadcast %slice3A_672 : vector<1x256xf32> to vector<256x256xf32>
    %lt3A_674 = vector.broadcast %slice3A_654 : vector<256x1xf32> to vector<256x256xf32>
    %lt3A_675 = arith.cmpf olt, %lt3A_673, %lt3A_674 : vector<256x256xf32>
    %convert_element_type3A_676 = arith.extui %lt3A_675 : vector<256x256xi1> to vector<256x256xi32>
    %convert_element_type3A_677 = arith.sitofp %convert_element_type3A_676 : vector<256x256xi32> to vector<256x256xf32>
    %reduce_sum3A_678 = arith.constant dense<0.000000e+00> : vector<256xf32>
    %reduce_sum3A_679 = vector.multi_reduction <add>, %convert_element_type3A_677, %reduce_sum3A_678 [1] : vector<256x256xf32> to vector<256xf32>
    %broadcast_in_dim3A_680 = vector.shape_cast %reduce_sum3A_679 : vector<256xf32> to vector<256x1xf32>
    %add3A_681 = arith.addf %add3A_671, %broadcast_in_dim3A_680 : vector<256x1xf32>
    %reduce_sum3A_682 = arith.constant dense<0.000000e+00> : vector<256xf32>
    %reduce_sum3A_683 = vector.multi_reduction <add>, %convert_element_type3A_677, %reduce_sum3A_682 [0] : vector<256x256xf32> to vector<256xf32>
    %broadcast_in_dim3A_684 = vector.shape_cast %reduce_sum3A_683 : vector<256xf32> to vector<1x256xf32>
    %add3A_685 = arith.addf %add3A_653, %broadcast_in_dim3A_684 : vector<1x256xf32>
    %slice3A_686 = vector.extract_strided_slice %div3A_132 {offsets = [1792, 0], sizes = [256, 1], strides = [1, 1]} : vector<2048x1xf32> to vector<256x1xf32>
    %slice3A_687 = vector.extract_strided_slice %transpose3A {offsets = [0, 1792], sizes = [1, 256], strides = [1, 1]} : vector<1x2048xf32> to vector<1x256xf32>
    %lt3A_688 = vector.broadcast %slice3A_687 : vector<1x256xf32> to vector<256x256xf32>
    %lt3A_689 = vector.broadcast %slice3A_686 : vector<256x1xf32> to vector<256x256xf32>
    %lt3A_690 = arith.cmpf olt, %lt3A_688, %lt3A_689 : vector<256x256xf32>
    %convert_element_type3A_691 = arith.extui %lt3A_690 : vector<256x256xi1> to vector<256x256xi32>
    %convert_element_type3A_692 = arith.sitofp %convert_element_type3A_691 : vector<256x256xi32> to vector<256x256xf32>
    %eq3A_693 = vector.broadcast %slice3A_687 : vector<1x256xf32> to vector<256x256xf32>
    %eq3A_694 = vector.broadcast %slice3A_686 : vector<256x1xf32> to vector<256x256xf32>
    %eq3A_695 = arith.cmpf oeq, %eq3A_693, %eq3A_694 : vector<256x256xf32>
    %convert_element_type3A_696 = arith.extui %eq3A_695 : vector<256x256xi1> to vector<256x256xi32>
    %convert_element_type3A_697 = arith.sitofp %convert_element_type3A_696 : vector<256x256xi32> to vector<256x256xf32>
    %mul3A_698 = arith.mulf %convert_element_type3A_697, %convert_element_type3A_136 : vector<256x256xf32>
    %add3A_699 = arith.addf %convert_element_type3A_692, %mul3A_698 : vector<256x256xf32>
    %reduce_sum3A_700 = arith.constant dense<0.000000e+00> : vector<256xf32>
    %reduce_sum3A_701 = vector.multi_reduction <add>, %add3A_699, %reduce_sum3A_700 [1] : vector<256x256xf32> to vector<256xf32>
    %broadcast_in_dim3A_702 = vector.shape_cast %reduce_sum3A_701 : vector<256xf32> to vector<256x1xf32>
    %add3A_703 = arith.addf %broadcast_in_dim3A_152, %broadcast_in_dim3A_702 : vector<256x1xf32>
    %transpose3A_704 = tpu.transpose %add3A_279, [1, 0] : vector<256x1xf32> -> vector<1x256xf32>
    %sub3A_705 = arith.constant 0.000000e+00 : f32
    %sub3A_706 = vector.broadcast %sub3A_705 : f32 to vector<1x256xf32>
    %sub3A_707 = arith.subf %sub3A_706, %broadcast_in_dim3A_154 : vector<1x256xf32>
    %add3A_708 = arith.addf %transpose3A_704, %sub3A_707 : vector<1x256xf32>
    %transpose3A_709 = tpu.transpose %add3A_381, [1, 0] : vector<256x1xf32> -> vector<1x256xf32>
    %sub3A_710 = arith.constant 2.560000e+02 : f32
    %sub3A_711 = vector.broadcast %sub3A_710 : f32 to vector<1x256xf32>
    %sub3A_712 = arith.subf %sub3A_711, %add3A_199 : vector<1x256xf32>
    %add3A_713 = arith.addf %transpose3A_709, %sub3A_712 : vector<1x256xf32>
    %transpose3A_714 = tpu.transpose %add3A_469, [1, 0] : vector<256x1xf32> -> vector<1x256xf32>
    %sub3A_715 = arith.constant 5.120000e+02 : f32
    %sub3A_716 = vector.broadcast %sub3A_715 : f32 to vector<1x256xf32>
    %sub3A_717 = arith.subf %sub3A_716, %add3A_315 : vector<1x256xf32>
    %add3A_718 = arith.addf %transpose3A_714, %sub3A_717 : vector<1x256xf32>
    %transpose3A_719 = tpu.transpose %add3A_543, [1, 0] : vector<256x1xf32> -> vector<1x256xf32>
    %sub3A_720 = arith.constant 7.680000e+02 : f32
    %sub3A_721 = vector.broadcast %sub3A_720 : f32 to vector<1x256xf32>
    %sub3A_722 = arith.subf %sub3A_721, %add3A_417 : vector<1x256xf32>
    %add3A_723 = arith.addf %transpose3A_719, %sub3A_722 : vector<1x256xf32>
    %transpose3A_724 = tpu.transpose %add3A_603, [1, 0] : vector<256x1xf32> -> vector<1x256xf32>
    %sub3A_725 = arith.constant 1.024000e+03 : f32
    %sub3A_726 = vector.broadcast %sub3A_725 : f32 to vector<1x256xf32>
    %sub3A_727 = arith.subf %sub3A_726, %add3A_505 : vector<1x256xf32>
    %add3A_728 = arith.addf %transpose3A_724, %sub3A_727 : vector<1x256xf32>
    %transpose3A_729 = tpu.transpose %add3A_649, [1, 0] : vector<256x1xf32> -> vector<1x256xf32>
    %sub3A_730 = arith.constant 1.280000e+03 : f32
    %sub3A_731 = vector.broadcast %sub3A_730 : f32 to vector<1x256xf32>
    %sub3A_732 = arith.subf %sub3A_731, %add3A_579 : vector<1x256xf32>
    %add3A_733 = arith.addf %transpose3A_729, %sub3A_732 : vector<1x256xf32>
    %transpose3A_734 = tpu.transpose %add3A_681, [1, 0] : vector<256x1xf32> -> vector<1x256xf32>
    %sub3A_735 = arith.constant 1.536000e+03 : f32
    %sub3A_736 = vector.broadcast %sub3A_735 : f32 to vector<1x256xf32>
    %sub3A_737 = arith.subf %sub3A_736, %add3A_639 : vector<1x256xf32>
    %add3A_738 = arith.addf %transpose3A_734, %sub3A_737 : vector<1x256xf32>
    %transpose3A_739 = tpu.transpose %add3A_703, [1, 0] : vector<256x1xf32> -> vector<1x256xf32>
    %sub3A_740 = arith.constant 1.792000e+03 : f32
    %sub3A_741 = vector.broadcast %sub3A_740 : f32 to vector<1x256xf32>
    %sub3A_742 = arith.subf %sub3A_741, %add3A_685 : vector<1x256xf32>
    %add3A_743 = arith.addf %transpose3A_739, %sub3A_742 : vector<1x256xf32>
    %concatenate3A_744 = tpu.concatenate %add3A_708, %add3A_713, %add3A_718, %add3A_723, %add3A_728, %add3A_733, %add3A_738, %add3A_743 in 1 : vector<1x256xf32>, vector<1x256xf32>, vector<1x256xf32>, vector<1x256xf32>, vector<1x256xf32>, vector<1x256xf32>, vector<1x256xf32>, vector<1x256xf32> -> vector<1x2048xf32>
    %mul3A_745 = arith.constant 2048 : i32
    %mul3A_746 = arith.muli %arg0, %mul3A_745 : i32
    %convert_element_type3A_747 = arith.sitofp %mul3A_746 : i32 to f32
    %add3A_748 = vector.broadcast %convert_element_type3A_747 : f32 to vector<1x2048xf32>
    %add3A_749 = arith.addf %concatenate3A_744, %add3A_748 : vector<1x2048xf32>
    %reshape3A = vector.shape_cast %add3A_749 : vector<1x2048xf32> to vector<2048xf32>
    %convert_element_type3A_750 = arith.fptosi %reshape3A : vector<2048xf32> to vector<2048xi32>
    %swap3A_751 = arith.constant 0 : index
    %swap3A_752 = arith.constant 0 : index
    %swap3A_753 = arith.constant 0 : index
    %swap3A_754 = vector.load %arg4[%swap3A_751, %swap3A_752, %swap3A_753] : memref<1x1x2048xi32, #tpu.memory_space<vmem>>, vector<1x1x2048xi32>
    %swap3A_755 = vector.shape_cast %swap3A_754 : vector<1x1x2048xi32> to vector<2048xi32>
    %swap3A_756 = vector.shape_cast %convert_element_type3A_750 : vector<2048xi32> to vector<1x1x2048xi32>
    tpu.vector_store %arg4[%swap3A_751, %swap3A_752, %swap3A_753], %swap3A_756 {strides = array<i32>} : memref<1x1x2048xi32, #tpu.memory_space<vmem>>, vector<1x1x2048xi32>,
    return
  }
  func.func @transform_0(%arg0: i32) -> (i32, i32, i32) {
    %c0_i32 = arith.constant 0 : i32
    %c0_i32_0 = arith.constant 0 : i32
    %c0_i32_1 = arith.constant 0 : i32
    return %arg0, %c0_i32, %c0_i32_0 : i32, i32, i32
  }
  func.func @transform_1(%arg0: i32) -> (i32, i32) {
    %c0_i32 = arith.constant 0 : i32
    %c0_i32_0 = arith.constant 0 : i32
    %c0_i32_1 = arith.constant 0 : i32
    return %c0_i32, %c0_i32_0 : i32, i32
  }
  func.func @transform_2(%arg0: i32) -> (i32, i32) {
    %c0_i32 = arith.constant 0 : i32
    %c0_i32_0 = arith.constant 0 : i32
    %c0_i32_1 = arith.constant 0 : i32
    return %c0_i32, %c0_i32_0 : i32, i32
  }
  func.func @transform_3(%arg0: i32) -> (i32, i32, i32) {
    %c0_i32 = arith.constant 0 : i32
    %c0_i32_0 = arith.constant 0 : i32
    %c0_i32_1 = arith.constant 0 : i32
    return %arg0, %c0_i32, %c0_i32_0 : i32, i32, i32
  }
  func.func @transform_4(%arg0: i32) -> (i32, i32, i32) {
    %c0_i32 = arith.constant 0 : i32
    %c0_i32_0 = arith.constant 0 : i32
    %c0_i32_1 = arith.constant 0 : i32
    return %arg0, %c0_i32, %c0_i32_0 : i32, i32, i32
  }
  func.func @transform_5(%arg0: i32) -> (i32, i32, i32) {
    %c0_i32 = arith.constant 0 : i32
    %c0_i32_0 = arith.constant 0 : i32
    %c0_i32_1 = arith.constant 0 : i32
    return %arg0, %c0_i32, %c0_i32_0 : i32, i32, i32
  }
}

</mosaic_0001>

<sc_bundles>
// kernel: kernel.5.cloned.1.call-start
scs
__scs_entry_jumppad:
0x0: {  	(pc) =	sbr.rel $0x88, $3  }
0x1: {  	(tag) =	ssettag $0x0;
	lr =	simm.s32 $0x1  }
0x2: {  	[smem:$0x3F9A] =	sst lr;
	_ =	strace $0xD0000000  }
0x3: {  	_ = 	snop  }
0x4: {  	_ = 	snop  }
0x5: {  	_ = 	snop  }
0x6: {  	_ = 	snop  }
0x7: {  	_ = 	snop  }
__scs_overlays_trampoline_lowered:
0x8: {  	[smem:$0x3FA9] =	sst s0  }
0x9: {  	[smem:$0x3FAA] =	sst s1  }
0xa: {  	[smem:$0x3FAB] =	sst s2  }
0xb: {  	[smem:$0x3FAC] =	sst s3  }
0xc: {  	[smem:$0x3FAD] =	sst s4  }
0xd: {  	[smem:$0x3FAE] =	sst s5  }
0xe: {  	[smem:$0x3FAF] =	sst s6  }
0xf: {  	[smem:$0x3FB0] =	sst s7  }
0x10: {  	[smem:$0x3FB1] =	sst s8  }
0x11: {  	[smem:$0x3FB2] =	sst s9;
	s0 =	simm.s32 @!p0 $0x0  }
0x12: {  	s1 =	sld [smem:$0x3F98];
	s0 =	simm.s32 @p0 $0x1  }
0x13: {  	[smem:$0x3FB3] =	sst s0;
	s0 =	simm.s32 @!p1 $0x0  }
0x14: {  	s2 =	sld [smem:$0x3F97];
	s0 =	simm.s32 @p1 $0x1  }
0x15: {  	[smem:$0x3FB4] =	sst s0;
	s0 =	simm.s32 @!p2 $0x0  }
0x16: {  	s3 =	sld [smem:$0x3FDB];
	s0 =	simm.s32 @p2 $0x1  }
0x17: {  	s4 =	simm.s32 $0x1BF5;
	[smem:$0x3FB6] =	sst s0  }
0x18: {  	s0 =	sld [smem:$0x3F99];
	_ =	swait.ge [sflag:s4], $0x0  }
0x19: {  	s7 =	sld [smem:$0x3F9A]  }
0x1a: {  	s8 =	sadd.s32 $0xFFFFE003, lr  }
0x1b: {  	s9 =	sadd.s32 $0xFFFFFEF7, lr;
	s5 =	simm.s32 $0xFFFFFFFF;
	p2 =	slt.u32 s8, $0xFFFFF086  }
0x1c: {  	p1 =	slt.u32 s9, $0xF7A;
	s5 =	simm.s32 @!p2 $0x0  }
0x1d: {  	s5 =	simm.s32 @p1 $0x1;
	p0 =	seq.s32 s7, s2  }
0x1e: {  	s7 =	smul.u32 @!p0 $0xF7A, s2;
	p2 =	seq.s32 @!p0 s5, $0x0  }
0x1f: {  	s9 =	smul.u32 $0xF7A, s1;
	s8 =	simm.s32 @!p0 $0x1BF5;
	p2 =	por !p2, p0  }
0x20: {  	[sflag:s8] =	ssyncset.s32 @!p0 $0xFFFFF086;
	s6 =	sadd.s32 @!p0 s3, s7;
	s7 =	simm.s32 @!p0 $0x108  }
0x21: {  	s3 =	sadd.s32 s3, s9;
	s6 =	sadd.s32 @!p0 $0x88, s6;
	s7 =	simm.s32 @p2 $0x1082  }
0x22: {  	[simem:s7], [sflag:s8] =	dma.local @!p0 [hbm:s6], $0xF7A  }
0x23: {  	s9 =	sor.u32 $0xD0000000, s2;
	s6 =	simm.s32 $0x108;
	_ =	swait.ge @!p0 [sflag:s8], $0x0  }
0x24: {  	s3 =	sadd.s32 $0x88, s3;
	s6 =	simm.s32 @!p1 $0x1082;
	[sflag:s4] =	ssyncset.s32 $0xFFFFF086  }
0x25: {  	[simem:s6], [sflag:s4] =	dma.local [hbm:s3], $0xF7A  }
0x26: {  	[smem:$0x3F9A] =	sst s1;
	(tag) =	ssettag s2;
	_ =	strace s9  }
0x27: {  	s1 =	sld [smem:$0x3FAA]  }
0x28: {  	s2 =	sld [smem:$0x3FAB]  }
0x29: {  	s4 =	sld [smem:$0x3FAD]  }
0x2a: {  	p0 =	seq.s32 s5, $0x0;
	s5 =	sld [smem:$0x3FAE]  }
0x2b: {  	s6 =	sld [smem:$0x3FAF]  }
0x2c: {  	s7 =	sld [smem:$0x3FB0]  }
0x2d: {  	s3 =	simm.s32 $0x108;
	s8 =	sld [smem:$0x3FB1]  }
0x2e: {  	s3 =	simm.s32 @!p0 $0x1082;
	s9 =	sld [smem:$0x3FB2]  }
0x2f: {  	lr =	sadd.s32 s0, s3;
	s0 =	sld [smem:$0x3FA9]  }
0x30: {  	s3 =	sld [smem:$0x3FAC]  }
0x31: {  	[smem:$0x3FB5] =	sst s10  }
0x32: {  	s10 =	sld [smem:$0x3FB3];
	_ =	sdelay $0x3  }
0x33: {  	p0 =	seq.s32 s10, $0x1;
	s10 =	sld [smem:$0x3FB5];
	_ =	sdelay $0x3  }
0x34: {  	[smem:$0x3FB5] =	sst s10  }
0x35: {  	s10 =	sld [smem:$0x3FB4];
	_ =	sdelay $0x3  }
0x36: {  	p1 =	seq.s32 s10, $0x1;
	s10 =	sld [smem:$0x3FB5];
	_ =	sdelay $0x3  }
0x37: {  	[smem:$0x3FB5] =	sst s10  }
0x38: {  	s10 =	sld [smem:$0x3FB6]  }
0x39: {  	_ = 	snop;
	(pc) =	sbr.ind lr, $3  }
0x3a: {  	_ = 	snop  }
0x3b: {  	_ = 	snop  }
0x3c: {  	p2 =	seq.s32 s10, $0x1;
	s10 =	sld [smem:$0x3FB5]  }
0x3d: {  	_ =	shalt  }
0x3e: {  	_ =	shalt  }
0x3f: {  	_ =	shalt  }
0x40: {  	_ =	shalt  }
0x41: {  	_ =	shalt  }
0x42: {  	_ =	shalt  }
0x43: {  	_ =	shalt  }
0x44: {  	_ =	shalt  }
0x45: {  	_ =	shalt  }
0x46: {  	_ =	shalt  }
0x47: {  	_ =	shalt  }
0x48: {  	_ =	shalt  }
0x49: {  	_ =	shalt  }
0x4a: {  	_ =	shalt  }
0x4b: {  	_ =	shalt  }
0x4c: {  	_ =	shalt  }
0x4d: {  	_ =	shalt  }
0x4e: {  	_ =	shalt  }
0x4f: {  	_ =	shalt  }
0x50: {  	_ =	shalt  }
0x51: {  	_ =	shalt  }
0x52: {  	_ =	shalt  }
0x53: {  	_ =	shalt  }
0x54: {  	_ =	shalt  }
0x55: {  	_ =	shalt  }
0x56: {  	_ =	shalt  }
0x57: {  	_ =	shalt  }
0x58: {  	_ =	shalt  }
0x59: {  	_ =	shalt  }
0x5a: {  	_ =	shalt  }
0x5b: {  	_ =	shalt  }
0x5c: {  	_ =	shalt  }
0x5d: {  	_ =	shalt  }
0x5e: {  	_ =	shalt  }
0x5f: {  	_ =	shalt  }
0x60: {  	_ =	shalt  }
0x61: {  	_ =	shalt  }
0x62: {  	_ =	shalt  }
0x63: {  	_ =	shalt  }
0x64: {  	_ =	shalt  }
0x65: {  	_ =	shalt  }
0x66: {  	_ =	shalt  }
0x67: {  	_ =	shalt  }
0x68: {  	_ =	shalt  }
0x69: {  	_ =	shalt  }
0x6a: {  	_ =	shalt  }
0x6b: {  	_ =	shalt  }
0x6c: {  	_ =	shalt  }
0x6d: {  	_ =	shalt  }
0x6e: {  	_ =	shalt  }
0x6f: {  	_ =	shalt  }
0x70: {  	_ =	shalt  }
0x71: {  	_ =	shalt  }
0x72: {  	_ =	shalt  }
0x73: {  	_ =	shalt  }
0x74: {  	_ =	shalt  }
0x75: {  	_ =	shalt  }
0x76: {  	_ =	shalt  }
0x77: {  	_ =	shalt  }
0x78: {  	_ =	shalt  }
0x79: {  	_ =	shalt  }
0x7a: {  	_ =	shalt  }
0x7b: {  	_ =	shalt  }
0x7c: {  	_ =	shalt  }
0x7d: {  	_ =	shalt  }
0x7e: {  	_ =	shalt  }
0x7f: {  	_ =	shalt  }
0x80: {  	_ =	shalt  }
0x81: {  	_ =	shalt  }
0x82: {  	_ =	shalt  }
0x83: {  	_ =	shalt  }
0x84: {  	_ =	shalt  }
0x85: {  	_ =	shalt  }
0x86: {  	_ =	shalt  }
0x87: {  	_ =	shalt  }
.Lfunc_end0:
.L_simem_size_0:
called_computation_lowered:
.L_overlay_start_0:
0x88: {  	s2 =	sld [smem:$0x3FD9]  }
0x89: {  	s3 =	sld [smem:$0x3FFE];
	_ =	sdelay $0x1  }
0x8a: {  	s1 =	srdreg.scid  }
0x8b: {  	s0 =	sand.u32 $0x1, s1  }
0x8c: {  	s14 =	sshll.u32 s0, $0xA;
	s2 =	sadd.s32 s3, s2  }
0x8d: {  	s2 =	sadd.s32 s2, s14  }
0x8e: {  	[smem:$0x3FC1] =	sst s2  }
0x8f: {  	_ = 	snop  }
0x90: {  	s2 =	sld [smem:$0x3FD0];
	_ =	sdelay $0x2  }
0x91: {  	s4 =	simm.s32 $0xA;
	s5 =	simm.s32 $0x10;
	s15 =	sld [smem:$0x3FC9]  }
0x92: {  	[smem:s5], [sflag:s4] =	dma.local [hbm:s2], $0x1  }
0x93: {  	_ =	swait.eq [sflag:s4], $0x1  }
0x94: {  	[sflag:s4] =	ssyncset.done $0x0  }
0x95: {  	[sflag:s4] =	ssyncadd.s32 $0xFFFFFFFF  }
0x96: {  	s16 =	sld [smem:$0x10];
	(tm) =	ssettm $0x1  }
0x97: {  	s17 =	sld [smem:$0x3FFB];
	_ =	sdelay $0x3  }
0x98: {  	_ =	strace s17  }
0x99: {  	s4 =	sld [smem:$0x3FFC];
	_ =	sdelay $0x3  }
0x9a: {  	_ =	strace s4  }
0x9b: {  	s4 =	sld [smem:$0x3FFD];
	_ =	sdelay $0x3  }
0x9c: {  	_ =	strace s4  }
0x9d: {  	_ =	strace $0x8FFFFFFF  }
0x9e: {  	s18 =	sld [smem:$0x3FDB];
	_ =	sdelay $0x1  }
0x9f: {  	s19 =	simm.s32 $_scs_section_size  }
0xa0: {  	s6 =	simm.s32 $_size__tile_overlayer_lowered;
	s7 =	simm.s32 $_tile_overlayer_lowered  }
0xa1: {  	s22 =	simm.s32 $0x1BFF;
	s21 =	sshll.u32 s7, $0x1;
	s4 =	sadd.s32 s19, s18  }
0xa2: {  	s8 =	simm.s32 $0x0;
	s20 =	sshll.u32 s6, $0x1;
	s6 =	sadd.s32 s21, s4  }
0xa3: {  	[timem:s8], [sflag:s22] =	dma.local [hbm:s6], s20  }
0xa4: {  	_ =	swait.ge [sflag:s22], s20  }
0xa5: {  	s5 =	ssub.s32 $0x0, s20;
	[sflag:s22] =	ssyncset.done $0x0  }
0xa6: {  	[sflag:s22] =	ssyncadd.s32 s5;
	_ =	sdelay $0x1  }
0xa7: {  	s23 =	simm.s32 $0x1B8B  }
0xa8: {  	_ =	swait.ge [sflag:s23], $0x1  }
0xa9: {  	[sflag:s23] =	ssyncset.done $0x0  }
0xaa: {  	s25 =	simm.s32 $0x1B8E;
	s24 =	sld [smem:$0x3FFE];
	[sflag:s23] =	ssyncadd.s32 $0xFFFFFFFF  }
0xab: {  	s26 =	simm.s32 $execute0_lowered;
	[smem:$0x3FD2] =	sst s25  }
0xac: {  	s6 =	sshll.u32 s26, $0x1;
	_ =	strace $0x80000046;
	[dreg:$0x1] =	wrdreg $0xFFFFFFFF  }
0xad: {  	s28 =	simm.s32 $_size_execute0_lowered;
	s4 =	sadd.s32 s4, s6;
	[dreg:$0x0] =	wrdreg $0x0  }
0xae: {  	s6 =	sshll.u32 s28, $0x1;
	[dreg:$0x2] =	wrdreg s4  }
0xaf: {  	[dreg:$0x3] =	wrdreg s6  }
0xb0: {  	[dreg:$0x4] =	wrdreg $0xC0  }
0xb1: {  	_ =	task [dreg:s8], $0x5FFFF  }
0xb2: {  	[dreg:$0x1] =	wrdreg $0xFFFFFFFF  }
0xb3: {  	[dreg:$0x0] =	wrdreg $0x60  }
0xb4: {  	[dreg:$0x2] =	wrdreg s15  }
0xb5: {  	[dreg:$0x3] =	wrdreg s16  }
0xb6: {  	[dreg:$0x4] =	wrdreg s24  }
0xb7: {  	[dreg:$0x5] =	wrdreg $0x9  }
0xb8: {  	_ =	task.clear_ibuf [dreg:s8], $0x6FFFF;
	_ =	strace $0x90000046  }
0xb9: {  	s29 =	simm.s32 $0x9;
	_ =	strace $0x80000048  }
0xba: {  	_ =	swait.ge [sflag:s29], $0x1  }
0xbb: {  	[sflag:s29] =	ssyncadd.s32 $0xFFFFFFFF  }
0xbc: {  	_ =	strace $0x90000048  }
0xbd: {  	_ =	sfence  }
0xbe: {  	s30 =	sld [smem:$0x0];
	_ =	sdelay $0x2  }
0xbf: {  	s31 =	sshll.u32 s1, $0xD;
	s1 =	sshrl.u32 s1, $0x2  }
0xc0: {  	s3 =	sand.u32 $0x4000, s31;
	s1 =	sadd.s32 s1, s30  }
0xc1: {  	s0 =	sor.u32 s3, s0;
	s1 =	sshll.u32 s1, $0x11  }
0xc2: {  	s0 =	sor.u32 s1, s0  }
0xc3: {  	s0 =	sadd.s32 $0x8F2B, s0  }
0xc4: {  	[sflag:s0] =	ssyncadd.remote.s32 $0x1  }
0xc5: {  	_ =	sfence.sel $0xFFFF  }
0xc6: {  	[dreg:$0x0] =	wrdreg $0xFFFFFFFF;
	(pc) =	sbr.abs _section_cstart, $3  }
0xc7: {  	[dreg:$0x1] =	wrdreg $0xFFFFFFFF  }
0xc8: {  	_ =	task.clear_ibuf [dreg:s8], $0x2FFFF;
	_ =	strace $0x9FFFFFFF  }
0xc9: {  	(tm) =	ssettm $0x7FFFFFFF  }
tec
execute0_lowered:
.L_overlay_start_1:
0x0: {  	(tag) =	ssettag $0x1  }
0x1: {  	s3 =	rddreg [dreg:$0x0]  }
0x2: {  	s1 =	srdreg.scid;
	s0 =	stileid.u32  }
0x3: {  	s4 =	rddreg [dreg:$0x1];
	s1 =	sand.u32 $0x1, s1;
	s5 =	sshll.u32 s0, $0x1  }
0x4: {  	s8 =	rddreg [dreg:$0x2];
	s5 =	sor.u32 s1, s5  }
0x5: {  	s2 =	simm.s32 $0x0;
	s6 =	sshll.u32 s5, $0x8;
	s5 =	sshll.u32 s5, $0xF  }
0x6: {  	[smem:$0x7FF] =	sst s2;
	s4 =	sadd.s32 s4, s6;
	s3 =	sadd.s32 s3, s5  }
0x7: {  	_ =	strace $0x80000047;
	[dreg:$0x4] =	wrdreg s4;
	s15 =	sadd.s32 $0x800, s3  }
0x8: {  	s16 =	sadd.s32 $0x1000, s3;
	[dreg:$0x5] =	wrdreg s15  }
0x9: {  	s17 =	sadd.s32 $0x1800, s3;
	[dreg:$0x6] =	wrdreg s16  }
0xa: {  	s18 =	sadd.s32 $0x2000, s3;
	[dreg:$0x7] =	wrdreg s17  }
0xb: {  	s19 =	sadd.s32 $0x2800, s3;
	[dreg:$0x8] =	wrdreg s18  }
0xc: {  	s20 =	sadd.s32 $0x3000, s3;
	[dreg:$0x9] =	wrdreg s19  }
0xd: {  	s21 =	sadd.s32 $0x3800, s3;
	[dreg:$0xa] =	wrdreg s20  }
0xe: {  	s22 =	sadd.s32 $0x4000, s3;
	[dreg:$0xb] =	wrdreg s21  }
0xf: {  	s23 =	sadd.s32 $0x4800, s3;
	[dreg:$0xc] =	wrdreg s22  }
0x10: {  	[dreg:$0xd] =	wrdreg s23  }
0x11: {  	s24 =	sadd.s32 $0x5000, s3;
	s25 =	rddreg [dreg:$0x4]  }
0x12: {  	s26 =	sadd.s32 $0x5800, s3;
	[dreg:$0xe] =	wrdreg s24  }
0x13: {  	s4 =	simm.s32 $0x5;
	[dreg:$0xf] =	wrdreg s26  }
0x14: {  	[tilespmem:s2], [sflag:$0x5] =	stream.linear.gather [hbm4b:s25+s2], $0x800, $0x38;
	[tilespmem:$0x8800] =	vst v63  }
0x15: {  	_ =	swait.ge [sflag:s4], $0x800  }
0x16: {  	[sflag:s4] =	ssyncset.done $0x0  }
0x17: {  	s5 =	simm.s32 $0x800;
	[sflag:s4] =	ssyncadd.s32 $0xFFFFF800  }
0x18: {  	[tilespmem:s5], [sflag:$0x1] =	stream.linear.gather [hbm4b:s3+s2], $0x4000, $0x38;
	[tilespmem:$0x8800] =	vst v63  }
0x19: {  	s7 =	simm.s32 $0x1;
	s6 =	simm.s32 $0x4800;
	s9 =	rddreg [dreg:$0x5]  }
0x1a: {  	[tilespmem:s6], [sflag:$0x2] =	stream.linear.gather [hbm4b:s9+s2], $0x4000, $0x38;
	[tilespmem:$0x8800] =	vst v63  }
0x1b: {  	_ =	swait.ge [sflag:s7], $0x4000  }
0x1c: {  	s10 =	simm.s32 $0x3;
	[sflag:s7] =	ssyncset.done $0x0  }
0x1d: {  	s8 =	sadd.s32 $0x1600, s8;
	s9 =	simm.s32 $0x80;
	[sflag:s7] =	ssyncadd.s32 $0xFFFFC000  }
0x1e: {  	[hbm4b:s8+s9] =	stream.indirect.scatter [tilespmem:s5], [sflag:$0x3], $0x80, s2, s9, $0xb8;
	[tilespmem:$0x8800] =	vst v63  }
0x1f: {  	_ =	swait.ge [sflag:s10], $0x4000  }
0x20: {  	[sflag:s10] =	ssyncset.done $0x0  }
0x21: {  	s11 =	simm.s32 $0x2;
	s12 =	rddreg [dreg:$0x6];
	[sflag:s10] =	ssyncadd.s32 $0xFFFFC000  }
0x22: {  	[tilespmem:s5], [sflag:$0x1] =	stream.linear.gather [hbm4b:s12+s2], $0x4000, $0x38;
	[tilespmem:$0x8800] =	vst v63  }
0x23: {  	_ =	swait.ge [sflag:s11], $0x4000  }
0x24: {  	[sflag:s11] =	ssyncset.done $0x0  }
0x25: {  	s12 =	simm.s32 $0x4;
	[sflag:s11] =	ssyncadd.s32 $0xFFFFC000  }
0x26: {  	[hbm4b:s8+s9] =	stream.indirect.scatter [tilespmem:s6], [sflag:$0x4], $0x80, s9, s9, $0xb8;
	[tilespmem:$0x8800] =	vst v63  }
0x27: {  	_ =	swait.ge [sflag:s12], $0x4000  }
0x28: {  	[sflag:s12] =	ssyncset.done $0x0  }
0x29: {  	s13 =	rddreg [dreg:$0x7];
	[sflag:s12] =	ssyncadd.s32 $0xFFFFC000  }
0x2a: {  	[tilespmem:s6], [sflag:$0x2] =	stream.linear.gather [hbm4b:s13+s2], $0x4000, $0x38;
	[tilespmem:$0x8800] =	vst v63  }
0x2b: {  	_ =	swait.ge [sflag:s7], $0x4000  }
0x2c: {  	[sflag:s7] =	ssyncset.done $0x0  }
0x2d: {  	s13 =	simm.s32 $0x100;
	[sflag:s7] =	ssyncadd.s32 $0xFFFFC000  }
0x2e: {  	[hbm4b:s8+s9] =	stream.indirect.scatter [tilespmem:s5], [sflag:$0x3], $0x80, s13, s9, $0xb8;
	[tilespmem:$0x8800] =	vst v63  }
0x2f: {  	_ =	swait.ge [sflag:s10], $0x4000  }
0x30: {  	[sflag:s10] =	ssyncset.done $0x0  }
0x31: {  	s14 =	rddreg [dreg:$0x8];
	[sflag:s10] =	ssyncadd.s32 $0xFFFFC000  }
0x32: {  	[tilespmem:s5], [sflag:$0x1] =	stream.linear.gather [hbm4b:s14+s2], $0x4000, $0x38;
	[tilespmem:$0x8800] =	vst v63  }
0x33: {  	_ =	swait.ge [sflag:s11], $0x4000  }
0x34: {  	[sflag:s11] =	ssyncset.done $0x0  }
0x35: {  	s14 =	simm.s32 $0x180;
	[sflag:s11] =	ssyncadd.s32 $0xFFFFC000  }
0x36: {  	[hbm4b:s8+s9] =	stream.indirect.scatter [tilespmem:s6], [sflag:$0x4], $0x80, s14, s9, $0xb8;
	[tilespmem:$0x8800] =	vst v63  }
0x37: {  	_ =	swait.ge [sflag:s12], $0x4000  }
0x38: {  	[sflag:s12] =	ssyncset.done $0x0  }
0x39: {  	s15 =	rddreg [dreg:$0x9];
	[sflag:s12] =	ssyncadd.s32 $0xFFFFC000  }
0x3a: {  	[tilespmem:s6], [sflag:$0x2] =	stream.linear.gather [hbm4b:s15+s2], $0x4000, $0x38;
	[tilespmem:$0x8800] =	vst v63  }
0x3b: {  	_ =	swait.ge [sflag:s7], $0x4000  }
0x3c: {  	[sflag:s7] =	ssyncset.done $0x0  }
0x3d: {  	s15 =	simm.s32 $0x200;
	[sflag:s7] =	ssyncadd.s32 $0xFFFFC000  }
0x3e: {  	[hbm4b:s8+s9] =	stream.indirect.scatter [tilespmem:s5], [sflag:$0x3], $0x80, s15, s9, $0xb8;
	[tilespmem:$0x8800] =	vst v63  }
0x3f: {  	_ =	swait.ge [sflag:s10], $0x4000  }
0x40: {  	[sflag:s10] =	ssyncset.done $0x0  }
0x41: {  	s16 =	rddreg [dreg:$0xa];
	[sflag:s10] =	ssyncadd.s32 $0xFFFFC000  }
0x42: {  	[tilespmem:s5], [sflag:$0x1] =	stream.linear.gather [hbm4b:s16+s2], $0x4000, $0x38;
	[tilespmem:$0x8800] =	vst v63  }
0x43: {  	_ =	swait.ge [sflag:s11], $0x4000  }
0x44: {  	[sflag:s11] =	ssyncset.done $0x0  }
0x45: {  	s16 =	simm.s32 $0x280;
	[sflag:s11] =	ssyncadd.s32 $0xFFFFC000  }
0x46: {  	[hbm4b:s8+s9] =	stream.indirect.scatter [tilespmem:s6], [sflag:$0x4], $0x80, s16, s9, $0xb8;
	[tilespmem:$0x8800] =	vst v63  }
0x47: {  	_ =	swait.ge [sflag:s12], $0x4000  }
0x48: {  	[sflag:s12] =	ssyncset.done $0x0  }
0x49: {  	s17 =	rddreg [dreg:$0xb];
	[sflag:s12] =	ssyncadd.s32 $0xFFFFC000  }
0x4a: {  	[tilespmem:s6], [sflag:$0x2] =	stream.linear.gather [hbm4b:s17+s2], $0x4000, $0x38;
	[tilespmem:$0x8800] =	vst v63  }
0x4b: {  	_ =	swait.ge [sflag:s7], $0x4000  }
0x4c: {  	[sflag:s7] =	ssyncset.done $0x0  }
0x4d: {  	s17 =	simm.s32 $0x300;
	[sflag:s7] =	ssyncadd.s32 $0xFFFFC000  }
0x4e: {  	[hbm4b:s8+s9] =	stream.indirect.scatter [tilespmem:s5], [sflag:$0x3], $0x80, s17, s9, $0xb8;
	[tilespmem:$0x8800] =	vst v63  }
0x4f: {  	_ =	swait.ge [sflag:s10], $0x4000  }
0x50: {  	[sflag:s10] =	ssyncset.done $0x0  }
0x51: {  	s18 =	rddreg [dreg:$0xc];
	[sflag:s10] =	ssyncadd.s32 $0xFFFFC000  }
0x52: {  	[tilespmem:s5], [sflag:$0x1] =	stream.linear.gather [hbm4b:s18+s2], $0x4000, $0x38;
	[tilespmem:$0x8800] =	vst v63  }
0x53: {  	_ =	swait.ge [sflag:s11], $0x4000  }
0x54: {  	[sflag:s11] =	ssyncset.done $0x0  }
0x55: {  	s18 =	simm.s32 $0x380;
	[sflag:s11] =	ssyncadd.s32 $0xFFFFC000  }
0x56: {  	[hbm4b:s8+s9] =	stream.indirect.scatter [tilespmem:s6], [sflag:$0x4], $0x80, s18, s9, $0xb8;
	[tilespmem:$0x8800] =	vst v63  }
0x57: {  	_ =	swait.ge [sflag:s12], $0x4000  }
0x58: {  	[sflag:s12] =	ssyncset.done $0x0  }
0x59: {  	s19 =	rddreg [dreg:$0xd];
	[sflag:s12] =	ssyncadd.s32 $0xFFFFC000  }
0x5a: {  	[tilespmem:s6], [sflag:$0x2] =	stream.linear.gather [hbm4b:s19+s2], $0x4000, $0x38;
	[tilespmem:$0x8800] =	vst v63  }
0x5b: {  	_ =	swait.ge [sflag:s7], $0x4000  }
0x5c: {  	[sflag:s7] =	ssyncset.done $0x0  }
0x5d: {  	s19 =	simm.s32 $0x400;
	[sflag:s7] =	ssyncadd.s32 $0xFFFFC000  }
0x5e: {  	[hbm4b:s8+s9] =	stream.indirect.scatter [tilespmem:s5], [sflag:$0x3], $0x80, s19, s9, $0xb8;
	[tilespmem:$0x8800] =	vst v63  }
0x5f: {  	_ =	swait.ge [sflag:s10], $0x4000  }
0x60: {  	[sflag:s10] =	ssyncset.done $0x0  }
0x61: {  	s20 =	rddreg [dreg:$0xe];
	[sflag:s10] =	ssyncadd.s32 $0xFFFFC000  }
0x62: {  	[tilespmem:s5], [sflag:$0x1] =	stream.linear.gather [hbm4b:s20+s2], $0x4000, $0x38;
	[tilespmem:$0x8800] =	vst v63  }
0x63: {  	_ =	swait.ge [sflag:s11], $0x4000  }
0x64: {  	[sflag:s11] =	ssyncset.done $0x0  }
0x65: {  	s20 =	simm.s32 $0x480;
	[sflag:s11] =	ssyncadd.s32 $0xFFFFC000  }
0x66: {  	[hbm4b:s8+s9] =	stream.indirect.scatter [tilespmem:s6], [sflag:$0x4], $0x80, s20, s9, $0xb8;
	[tilespmem:$0x8800] =	vst v63  }
0x67: {  	_ =	swait.ge [sflag:s12], $0x4000  }
0x68: {  	[sflag:s12] =	ssyncset.done $0x0  }
0x69: {  	s21 =	rddreg [dreg:$0xf];
	[sflag:s12] =	ssyncadd.s32 $0xFFFFC000  }
0x6a: {  	[tilespmem:s6], [sflag:$0x2] =	stream.linear.gather [hbm4b:s21+s2], $0x4000, $0x38;
	[tilespmem:$0x8800] =	vst v63  }
0x6b: {  	_ =	swait.ge [sflag:s7], $0x4000  }
0x6c: {  	[sflag:s7] =	ssyncset.done $0x0  }
0x6d: {  	s21 =	simm.s32 $0x500;
	[sflag:s7] =	ssyncadd.s32 $0xFFFFC000  }
0x6e: {  	[hbm4b:s8+s9] =	stream.indirect.scatter [tilespmem:s5], [sflag:$0x3], $0x80, s21, s9, $0xb8;
	[tilespmem:$0x8800] =	vst v63  }
0x6f: {  	_ =	swait.ge [sflag:s10], $0x4000  }
0x70: {  	[sflag:s10] =	ssyncset.done $0x0  }
0x71: {  	s22 =	sadd.s32 $0x6000, s3;
	[sflag:s10] =	ssyncadd.s32 $0xFFFFC000  }
0x72: {  	[tilespmem:s5], [sflag:$0x1] =	stream.linear.gather [hbm4b:s22+s2], $0x4000, $0x38;
	[tilespmem:$0x8800] =	vst v63  }
0x73: {  	_ =	swait.ge [sflag:s11], $0x4000  }
0x74: {  	[sflag:s11] =	ssyncset.done $0x0  }
0x75: {  	s23 =	simm.s32 $0x580;
	[sflag:s11] =	ssyncadd.s32 $0xFFFFC000  }
0x76: {  	[hbm4b:s8+s9] =	stream.indirect.scatter [tilespmem:s6], [sflag:$0x4], $0x80, s23, s9, $0xb8;
	[tilespmem:$0x8800] =	vst v63  }
0x77: {  	_ =	swait.ge [sflag:s12], $0x4000  }
0x78: {  	[sflag:s12] =	ssyncset.done $0x0  }
0x79: {  	s24 =	sadd.s32 $0x6800, s3;
	[sflag:s12] =	ssyncadd.s32 $0xFFFFC000  }
0x7a: {  	[tilespmem:s6], [sflag:$0x2] =	stream.linear.gather [hbm4b:s24+s2], $0x4000, $0x38;
	[tilespmem:$0x8800] =	vst v63  }
0x7b: {  	_ =	swait.ge [sflag:s7], $0x4000  }
0x7c: {  	[sflag:s7] =	ssyncset.done $0x0  }
0x7d: {  	s25 =	simm.s32 $0x600;
	[sflag:s7] =	ssyncadd.s32 $0xFFFFC000  }
0x7e: {  	[hbm4b:s8+s9] =	stream.indirect.scatter [tilespmem:s5], [sflag:$0x3], $0x80, s25, s9, $0xb8;
	[tilespmem:$0x8800] =	vst v63  }
0x7f: {  	_ =	swait.ge [sflag:s10], $0x4000  }
0x80: {  	[sflag:s10] =	ssyncset.done $0x0  }
0x81: {  	s26 =	sadd.s32 $0x7000, s3;
	[sflag:s10] =	ssyncadd.s32 $0xFFFFC000  }
0x82: {  	[tilespmem:s5], [sflag:$0x1] =	stream.linear.gather [hbm4b:s26+s2], $0x4000, $0x38;
	[tilespmem:$0x8800] =	vst v63  }
0x83: {  	_ =	swait.ge [sflag:s11], $0x4000  }
0x84: {  	[sflag:s11] =	ssyncset.done $0x0  }
0x85: {  	s28 =	simm.s32 $0x680;
	[sflag:s11] =	ssyncadd.s32 $0xFFFFC000  }
0x86: {  	[hbm4b:s8+s9] =	stream.indirect.scatter [tilespmem:s6], [sflag:$0x4], $0x80, s28, s9, $0xb8;
	[tilespmem:$0x8800] =	vst v63  }
0x87: {  	_ =	swait.ge [sflag:s12], $0x4000  }
0x88: {  	[sflag:s12] =	ssyncset.done $0x0  }
0x89: {  	s29 =	sadd.s32 $0x7800, s3;
	[sflag:s12] =	ssyncadd.s32 $0xFFFFC000  }
0x8a: {  	[tilespmem:s6], [sflag:$0x2] =	stream.linear.gather [hbm4b:s29+s2], $0x4000, $0x38;
	[tilespmem:$0x8800] =	vst v63  }
0x8b: {  	_ =	swait.ge [sflag:s7], $0x4000  }
0x8c: {  	s1 =	ssub.s32 $0x2, s1;
	[sflag:s7] =	ssyncset.done $0x0  }
0x8d: {  	s30 =	simm.s32 $0x700;
	s0 =	sshrl.u32 s1, $0x1;
	[sflag:s7] =	ssyncadd.s32 $0xFFFFC000  }
0x8e: {  	[hbm4b:s8+s9] =	stream.indirect.scatter [tilespmem:s5], [sflag:$0x3], $0x80, s30, s9, $0xb8;
	[tilespmem:$0x8800] =	vst v63  }
0x8f: {  	s0 =	ssub.s32 s1, s0;
	_ =	swait.ge [sflag:s11], $0x4000  }
0x90: {  	s0 =	smax.u32 s0, $0x1;
	[sflag:s11] =	ssyncset.done $0x0  }
0x91: {  	s31 =	simm.s32 $0x780;
	p0 =	sne.s32 s0, $0x1;
	[sflag:s11] =	ssyncadd.s32 $0xFFFFC000  }
0x92: {  	[hbm4b:s8+s9] =	stream.indirect.scatter [tilespmem:s6], [sflag:$0x4], $0x80, s31, s9, $0xb8;
	[tilespmem:$0x8800] =	vst v63  }
.Ltmp0:
0x93: {  	_ =	swait.ge [sflag:s10], $0x4000;
	(pc) =	sbr.rel @!p0 .LBB2_2-.Ltmp0, $4  }
0x94: {  	[sflag:s10] =	ssyncset.done $0x0  }
0x95: {  	[sflag:s10] =	ssyncadd.s32 $0xFFFFC000  }
0x96: {  	_ =	swait.ge [sflag:s12], $0x4000  }
0x97: {  	s1 =	sadd.s32 $0xFFFFFFFF, s0;
	[sflag:s12] =	ssyncset.done $0x0  }
.LBB2_1:
0x98: {  	s0 =	rddreg [dreg:$0x4];
	[sflag:s12] =	ssyncadd.s32 $0xFFFFC000  }
0x99: {  	[tilespmem:s2], [sflag:$0x5] =	stream.linear.gather [hbm4b:s0+s2], $0x800, $0x38;
	[tilespmem:$0x8800] =	vst v63  }
0x9a: {  	_ =	swait.ge [sflag:s4], $0x800  }
0x9b: {  	[sflag:s4] =	ssyncset.done $0x0  }
0x9c: {  	[sflag:s4] =	ssyncadd.s32 $0xFFFFF800  }
0x9d: {  	[tilespmem:s5], [sflag:$0x1] =	stream.linear.gather [hbm4b:s3+s2], $0x4000, $0x38;
	[tilespmem:$0x8800] =	vst v63  }
0x9e: {  	s0 =	rddreg [dreg:$0x5]  }
0x9f: {  	[tilespmem:s6], [sflag:$0x2] =	stream.linear.gather [hbm4b:s0+s2], $0x4000, $0x38;
	[tilespmem:$0x8800] =	vst v63  }
0xa0: {  	_ =	swait.ge [sflag:s7], $0x4000  }
0xa1: {  	[sflag:s7] =	ssyncset.done $0x0  }
0xa2: {  	[sflag:s7] =	ssyncadd.s32 $0xFFFFC000  }
0xa3: {  	[hbm4b:s8+s9] =	stream.indirect.scatter [tilespmem:s5], [sflag:$0x3], $0x80, s2, s9, $0xb8;
	[tilespmem:$0x8800] =	vst v63  }
0xa4: {  	_ =	swait.ge [sflag:s10], $0x4000  }
0xa5: {  	[sflag:s10] =	ssyncset.done $0x0  }
0xa6: {  	s0 =	rddreg [dreg:$0x6];
	[sflag:s10] =	ssyncadd.s32 $0xFFFFC000  }
0xa7: {  	[tilespmem:s5], [sflag:$0x1] =	stream.linear.gather [hbm4b:s0+s2], $0x4000, $0x38;
	[tilespmem:$0x8800] =	vst v63  }
0xa8: {  	_ =	swait.ge [sflag:s11], $0x4000  }
0xa9: {  	[sflag:s11] =	ssyncset.done $0x0  }
0xaa: {  	[sflag:s11] =	ssyncadd.s32 $0xFFFFC000  }
0xab: {  	[hbm4b:s8+s9] =	stream.indirect.scatter [tilespmem:s6], [sflag:$0x4], $0x80, s9, s9, $0xb8;
	[tilespmem:$0x8800] =	vst v63  }
0xac: {  	_ =	swait.ge [sflag:s12], $0x4000  }
0xad: {  	[sflag:s12] =	ssyncset.done $0x0  }
0xae: {  	s0 =	rddreg [dreg:$0x7];
	[sflag:s12] =	ssyncadd.s32 $0xFFFFC000  }
0xaf: {  	[tilespmem:s6], [sflag:$0x2] =	stream.linear.gather [hbm4b:s0+s2], $0x4000, $0x38;
	[tilespmem:$0x8800] =	vst v63  }
0xb0: {  	_ =	swait.ge [sflag:s7], $0x4000  }
0xb1: {  	[sflag:s7] =	ssyncset.done $0x0  }
0xb2: {  	[sflag:s7] =	ssyncadd.s32 $0xFFFFC000  }
0xb3: {  	[hbm4b:s8+s9] =	stream.indirect.scatter [tilespmem:s5], [sflag:$0x3], $0x80, s13, s9, $0xb8;
	[tilespmem:$0x8800] =	vst v63  }
0xb4: {  	_ =	swait.ge [sflag:s10], $0x4000  }
0xb5: {  	[sflag:s10] =	ssyncset.done $0x0  }
0xb6: {  	s0 =	rddreg [dreg:$0x8];
	[sflag:s10] =	ssyncadd.s32 $0xFFFFC000  }
0xb7: {  	[tilespmem:s5], [sflag:$0x1] =	stream.linear.gather [hbm4b:s0+s2], $0x4000, $0x38;
	[tilespmem:$0x8800] =	vst v63  }
0xb8: {  	_ =	swait.ge [sflag:s11], $0x4000  }
0xb9: {  	[sflag:s11] =	ssyncset.done $0x0  }
0xba: {  	[sflag:s11] =	ssyncadd.s32 $0xFFFFC000  }
0xbb: {  	[hbm4b:s8+s9] =	stream.indirect.scatter [tilespmem:s6], [sflag:$0x4], $0x80, s14, s9, $0xb8;
	[tilespmem:$0x8800] =	vst v63  }
0xbc: {  	_ =	swait.ge [sflag:s12], $0x4000  }
0xbd: {  	[sflag:s12] =	ssyncset.done $0x0  }
0xbe: {  	s0 =	rddreg [dreg:$0x9];
	[sflag:s12] =	ssyncadd.s32 $0xFFFFC000  }
0xbf: {  	[tilespmem:s6], [sflag:$0x2] =	stream.linear.gather [hbm4b:s0+s2], $0x4000, $0x38;
	[tilespmem:$0x8800] =	vst v63  }
0xc0: {  	_ =	swait.ge [sflag:s7], $0x4000  }
0xc1: {  	[sflag:s7] =	ssyncset.done $0x0  }
0xc2: {  	[sflag:s7] =	ssyncadd.s32 $0xFFFFC000  }
0xc3: {  	[hbm4b:s8+s9] =	stream.indirect.scatter [tilespmem:s5], [sflag:$0x3], $0x80, s15, s9, $0xb8;
	[tilespmem:$0x8800] =	vst v63  }
0xc4: {  	_ =	swait.ge [sflag:s10], $0x4000  }
0xc5: {  	[sflag:s10] =	ssyncset.done $0x0  }
0xc6: {  	s0 =	rddreg [dreg:$0xa];
	[sflag:s10] =	ssyncadd.s32 $0xFFFFC000  }
0xc7: {  	[tilespmem:s5], [sflag:$0x1] =	stream.linear.gather [hbm4b:s0+s2], $0x4000, $0x38;
	[tilespmem:$0x8800] =	vst v63  }
0xc8: {  	_ =	swait.ge [sflag:s11], $0x4000  }
0xc9: {  	[sflag:s11] =	ssyncset.done $0x0  }
0xca: {  	[sflag:s11] =	ssyncadd.s32 $0xFFFFC000  }
0xcb: {  	[hbm4b:s8+s9] =	stream.indirect.scatter [tilespmem:s6], [sflag:$0x4], $0x80, s16, s9, $0xb8;
	[tilespmem:$0x8800] =	vst v63  }
0xcc: {  	_ =	swait.ge [sflag:s12], $0x4000  }
0xcd: {  	[sflag:s12] =	ssyncset.done $0x0  }
0xce: {  	s0 =	rddreg [dreg:$0xb];
	[sflag:s12] =	ssyncadd.s32 $0xFFFFC000  }
0xcf: {  	[tilespmem:s6], [sflag:$0x2] =	stream.linear.gather [hbm4b:s0+s2], $0x4000, $0x38;
	[tilespmem:$0x8800] =	vst v63  }
0xd0: {  	_ =	swait.ge [sflag:s7], $0x4000  }
0xd1: {  	[sflag:s7] =	ssyncset.done $0x0  }
0xd2: {  	[sflag:s7] =	ssyncadd.s32 $0xFFFFC000  }
0xd3: {  	[hbm4b:s8+s9] =	stream.indirect.scatter [tilespmem:s5], [sflag:$0x3], $0x80, s17, s9, $0xb8;
	[tilespmem:$0x8800] =	vst v63  }
0xd4: {  	_ =	swait.ge [sflag:s10], $0x4000  }
0xd5: {  	[sflag:s10] =	ssyncset.done $0x0  }
0xd6: {  	s0 =	rddreg [dreg:$0xc];
	[sflag:s10] =	ssyncadd.s32 $0xFFFFC000  }
0xd7: {  	[tilespmem:s5], [sflag:$0x1] =	stream.linear.gather [hbm4b:s0+s2], $0x4000, $0x38;
	[tilespmem:$0x8800] =	vst v63  }
0xd8: {  	_ =	swait.ge [sflag:s11], $0x4000  }
0xd9: {  	[sflag:s11] =	ssyncset.done $0x0  }
0xda: {  	[sflag:s11] =	ssyncadd.s32 $0xFFFFC000  }
0xdb: {  	[hbm4b:s8+s9] =	stream.indirect.scatter [tilespmem:s6], [sflag:$0x4], $0x80, s18, s9, $0xb8;
	[tilespmem:$0x8800] =	vst v63  }
0xdc: {  	_ =	swait.ge [sflag:s12], $0x4000  }
0xdd: {  	[sflag:s12] =	ssyncset.done $0x0  }
0xde: {  	s0 =	rddreg [dreg:$0xd];
	[sflag:s12] =	ssyncadd.s32 $0xFFFFC000  }
0xdf: {  	[tilespmem:s6], [sflag:$0x2] =	stream.linear.gather [hbm4b:s0+s2], $0x4000, $0x38;
	[tilespmem:$0x8800] =	vst v63  }
0xe0: {  	_ =	swait.ge [sflag:s7], $0x4000  }
0xe1: {  	[sflag:s7] =	ssyncset.done $0x0  }
0xe2: {  	[sflag:s7] =	ssyncadd.s32 $0xFFFFC000  }
0xe3: {  	[hbm4b:s8+s9] =	stream.indirect.scatter [tilespmem:s5], [sflag:$0x3], $0x80, s19, s9, $0xb8;
	[tilespmem:$0x8800] =	vst v63  }
0xe4: {  	_ =	swait.ge [sflag:s10], $0x4000  }
0xe5: {  	[sflag:s10] =	ssyncset.done $0x0  }
0xe6: {  	s0 =	rddreg [dreg:$0xe];
	[sflag:s10] =	ssyncadd.s32 $0xFFFFC000  }
0xe7: {  	[tilespmem:s5], [sflag:$0x1] =	stream.linear.gather [hbm4b:s0+s2], $0x4000, $0x38;
	[tilespmem:$0x8800] =	vst v63  }
0xe8: {  	_ =	swait.ge [sflag:s11], $0x4000  }
0xe9: {  	[sflag:s11] =	ssyncset.done $0x0  }
0xea: {  	[sflag:s11] =	ssyncadd.s32 $0xFFFFC000  }
0xeb: {  	[hbm4b:s8+s9] =	stream.indirect.scatter [tilespmem:s6], [sflag:$0x4], $0x80, s20, s9, $0xb8;
	[tilespmem:$0x8800] =	vst v63  }
0xec: {  	_ =	swait.ge [sflag:s12], $0x4000  }
0xed: {  	[sflag:s12] =	ssyncset.done $0x0  }
0xee: {  	s0 =	rddreg [dreg:$0xf];
	[sflag:s12] =	ssyncadd.s32 $0xFFFFC000  }
0xef: {  	[tilespmem:s6], [sflag:$0x2] =	stream.linear.gather [hbm4b:s0+s2], $0x4000, $0x38;
	[tilespmem:$0x8800] =	vst v63  }
0xf0: {  	_ =	swait.ge [sflag:s7], $0x4000  }
0xf1: {  	[sflag:s7] =	ssyncset.done $0x0  }
0xf2: {  	[sflag:s7] =	ssyncadd.s32 $0xFFFFC000  }
0xf3: {  	[hbm4b:s8+s9] =	stream.indirect.scatter [tilespmem:s5], [sflag:$0x3], $0x80, s21, s9, $0xb8;
	[tilespmem:$0x8800] =	vst v63  }
0xf4: {  	_ =	swait.ge [sflag:s10], $0x4000  }
0xf5: {  	[sflag:s10] =	ssyncset.done $0x0  }
0xf6: {  	[sflag:s10] =	ssyncadd.s32 $0xFFFFC000  }
0xf7: {  	[tilespmem:s5], [sflag:$0x1] =	stream.linear.gather [hbm4b:s22+s2], $0x4000, $0x38;
	[tilespmem:$0x8800] =	vst v63  }
0xf8: {  	_ =	swait.ge [sflag:s11], $0x4000  }
0xf9: {  	[sflag:s11] =	ssyncset.done $0x0  }
0xfa: {  	[sflag:s11] =	ssyncadd.s32 $0xFFFFC000  }
0xfb: {  	[hbm4b:s8+s9] =	stream.indirect.scatter [tilespmem:s6], [sflag:$0x4], $0x80, s23, s9, $0xb8;
	[tilespmem:$0x8800] =	vst v63  }
0xfc: {  	_ =	swait.ge [sflag:s12], $0x4000  }
0xfd: {  	[sflag:s12] =	ssyncset.done $0x0  }
0xfe: {  	[sflag:s12] =	ssyncadd.s32 $0xFFFFC000  }
0xff: {  	[tilespmem:s6], [sflag:$0x2] =	stream.linear.gather [hbm4b:s24+s2], $0x4000, $0x38;
	[tilespmem:$0x8800] =	vst v63  }
0x100: {  	_ =	swait.ge [sflag:s7], $0x4000  }
0x101: {  	[sflag:s7] =	ssyncset.done $0x0  }
0x102: {  	[sflag:s7] =	ssyncadd.s32 $0xFFFFC000  }
0x103: {  	[hbm4b:s8+s9] =	stream.indirect.scatter [tilespmem:s5], [sflag:$0x3], $0x80, s25, s9, $0xb8;
	[tilespmem:$0x8800] =	vst v63  }
0x104: {  	_ =	swait.ge [sflag:s10], $0x4000  }
0x105: {  	[sflag:s10] =	ssyncset.done $0x0  }
0x106: {  	[sflag:s10] =	ssyncadd.s32 $0xFFFFC000  }
0x107: {  	[tilespmem:s5], [sflag:$0x1] =	stream.linear.gather [hbm4b:s26+s2], $0x4000, $0x38;
	[tilespmem:$0x8800] =	vst v63  }
0x108: {  	_ =	swait.ge [sflag:s11], $0x4000  }
0x109: {  	[sflag:s11] =	ssyncset.done $0x0  }
0x10a: {  	[sflag:s11] =	ssyncadd.s32 $0xFFFFC000  }
0x10b: {  	[hbm4b:s8+s9] =	stream.indirect.scatter [tilespmem:s6], [sflag:$0x4], $0x80, s28, s9, $0xb8;
	[tilespmem:$0x8800] =	vst v63  }
0x10c: {  	_ =	swait.ge [sflag:s12], $0x4000  }
0x10d: {  	[sflag:s12] =	ssyncset.done $0x0  }
0x10e: {  	[sflag:s12] =	ssyncadd.s32 $0xFFFFC000  }
0x10f: {  	[tilespmem:s6], [sflag:$0x2] =	stream.linear.gather [hbm4b:s29+s2], $0x4000, $0x38;
	[tilespmem:$0x8800] =	vst v63  }
0x110: {  	_ =	swait.ge [sflag:s7], $0x4000  }
0x111: {  	[sflag:s7] =	ssyncset.done $0x0  }
0x112: {  	[sflag:s7] =	ssyncadd.s32 $0xFFFFC000  }
0x113: {  	[hbm4b:s8+s9] =	stream.indirect.scatter [tilespmem:s5], [sflag:$0x3], $0x80, s30, s9, $0xb8;
	[tilespmem:$0x8800] =	vst v63  }
0x114: {  	_ =	swait.ge [sflag:s11], $0x4000  }
0x115: {  	[sflag:s11] =	ssyncset.done $0x0  }
0x116: {  	p0 =	sne.s32 s1, $0x1;
	[sflag:s11] =	ssyncadd.s32 $0xFFFFC000  }
0x117: {  	[hbm4b:s8+s9] =	stream.indirect.scatter [tilespmem:s6], [sflag:$0x4], $0x80, s31, s9, $0xb8;
	[tilespmem:$0x8800] =	vst v63  }
.Ltmp1:
0x118: {  	_ =	swait.ge [sflag:s10], $0x4000;
	(pc) =	sbr.rel @p0 .LBB2_1-.Ltmp1, $4  }
0x119: {  	[sflag:s10] =	ssyncset.done $0x0  }
0x11a: {  	[sflag:s10] =	ssyncadd.s32 $0xFFFFC000  }
0x11b: {  	_ =	swait.ge [sflag:s12], $0x4000  }
0x11c: {  	s1 =	sadd.s32 $0xFFFFFFFF, s1;
	[sflag:s12] =	ssyncset.done $0x0  }
.LBB2_2:
0x11d: {  	[sflag:s12] =	ssyncadd.s32 $0xFFFFC000  }
0x11e: {  	_ =	sfence.sel $0x180000  }
0x11f: {  	[bflag:$0x0] =	sbarrier.arrive $0xFFFF  }
0x120: {  	_ =	strace $0x90000047  }
0x121: {  	s0 =	stileid.u32;
	[bflag:$0x2] =	sbarrier.arrive $0xFFFF  }
0x122: {  	p0 =	sne.s32 s0, $0x0;
	s0 =	rddreg [dreg:$0x3]  }
0x123: {  	s0 =	sadd.s32 @!p0 $0x100000, s0  }
0x124: {  	[sflag:s0] =	ssyncadd.tile.s32 @!p0 $0x1;
	_ =	shalt  }
.Lfunc_end2:
_tile_overlayer_lowered:
.L_overlay_start_2:
0x125: {  	(tag) =	ssettag $0x2  }
0x126: {  	s0 =	rddreg [dreg:$0x0];
	s2 =	stileid.u32  }
0x127: {  	s1 =	rddreg [dreg:$0x1];
	p0 =	sne.s32 s2, $0x0  }
0x128: {  	s3 =	rddreg [dreg:$0x2];
	[bflag:$0x3] =	sbarrier.arrive $0xFFFF;
	s2 =	simm.s32 @!p0 $0x1C05  }
0x129: {  	[timem:s3], [sflag:s2] =	dma.local @!p0 [hbm:s0], s1  }
0x12a: {  	s0 =	simm.s32 @!p0 $0x5  }
0x12b: {  	_ =	swait.ge @!p0 [sflag:s0], s1  }
0x12c: {  	s1 =	ssub.s32 @!p0 $0x0, s1;
	[sflag:s0] =	ssyncset.done @!p0 $0x0  }
0x12d: {  	[sflag:s0] =	ssyncadd.s32 @!p0 s1  }
0x12e: {  	[bflag:$0x3] =	sbarrier.arrive $0xFFFF  }
0x12f: {  	_ =	shalt  }

</sc_bundles>
